<compile_context>
chip_gen: v7x
topology: tpu7x:2x2x1
jax: 0.10.2.dev20260603
libtpu: 0.0.44.dev20260713+nightly
codegen_flags: <defaults>
</compile_context>

<pallas_src>
import functools

import jax
import jax.numpy as jnp
import numpy as np
from jax import lax
from jax.experimental import pallas as pl
from jax.experimental.pallas import tpu as pltpu
from jax.experimental.pallas import tpu_sc as plsc

B, N, C = 4, 8192, 128
NPOINT, NSAMPLE = 1024, 32
D1, D2_, D3 = 128, 128, 256
R2 = float(np.float32(0.4) * np.float32(0.4))

NC, NS, L = 2, 16, 16
NW = NC * NS
SPW = (B * NPOINT) // NW
NGRP = N // L
ROWS = B * NPOINT * NSAMPLE

_mesh = plsc.VectorSubcoreMesh(core_axis_name="c", subcore_axis_name="s",
                               num_cores=NC, num_subcores=NS)
_sc_params = pltpu.CompilerParams(needs_layout_passes=False)


def _wid():
    return lax.axis_index("s") * NC + lax.axis_index("c")


def _rbf16(v):
    u = plsc.bitcast(v, jnp.int32)
    lsb = jnp.bitwise_and(lax.shift_right_logical(u, 16), 1)
    r = jnp.bitwise_and(u + 0x7FFF + lsb, jnp.int32(-65536))
    return plsc.bitcast(r, jnp.float32)


_GC = 128
_CPC = _GC // NSAMPLE
_NCHT = SPW // _CPC


@functools.partial(
    pl.kernel,
    out_type=[
        jax.ShapeDtypeStruct((B * NPOINT * 3,), jnp.float32),
        jax.ShapeDtypeStruct((ROWS,), jnp.int32),
        jax.ShapeDtypeStruct((3 * ROWS,), jnp.float32),
        jax.ShapeDtypeStruct((ROWS, C), jnp.float32),
    ],
    mesh=_mesh,
    compiler_params=_sc_params,
    scratch_types=[
        pltpu.VMEM((N * 3,), jnp.float32),
        pltpu.VMEM((N,), jnp.float32),
        pltpu.VMEM((N,), jnp.float32),
        pltpu.VMEM((N,), jnp.float32),
        pltpu.VMEM((N,), jnp.float32),
        pltpu.VMEM((SPW,), jnp.int32),
        pltpu.VMEM((SPW,), jnp.float32),
        pltpu.VMEM((SPW,), jnp.float32),
        pltpu.VMEM((SPW,), jnp.float32),
        pltpu.VMEM((SPW * 3,), jnp.float32),
        pltpu.VMEM((48,), jnp.int32),
        pltpu.VMEM((SPW * NSAMPLE,), jnp.int32),
        pltpu.VMEM((_NCHT, _GC), jnp.int32),
        pltpu.VMEM((SPW * NSAMPLE,), jnp.float32),
        pltpu.VMEM((SPW * NSAMPLE,), jnp.float32),
        pltpu.VMEM((SPW * NSAMPLE,), jnp.float32),
        pltpu.VMEM((_GC, C), jnp.float32),
        pltpu.VMEM((_GC, C), jnp.float32),
        pltpu.SemaphoreType.DMA,
        pltpu.SemaphoreType.DMA,
        pltpu.SemaphoreType.DMA,
        pltpu.SemaphoreType.DMA,
    ],
)
def _ballquery(xyz_hbm, inds_hbm, ttab_hbm, nx_hbm, idx_hbm, dxyz_hbm,
               fg_hbm, xi, pxr, pyr, pzr, x2a, ind_v, cxc, cyc, czc,
               nx_tile, idxbuf, idx_tile, gidx2, dxt, dyt, dzt, buf0, buf1,
               g0, g1, w0, w1):
    wid = _wid()
    wpb = NW // B
    b = wid // wpb

    pltpu.sync_copy(xyz_hbm.at[pl.ds(b * N * 3, N * 3)], xi)
    pltpu.sync_copy(inds_hbm.at[pl.ds(wid * SPW, SPW)], ind_v)

    lane = lax.iota(jnp.int32, L)

    def round_grp(g, carry):
        i3 = (lane + g * L) * 3
        xs = plsc.load_gather(xi, [i3])
        ys = plsc.load_gather(xi, [i3 + 1])
        zs = plsc.load_gather(xi, [i3 + 2])
        pxr[pl.ds(g * L, L)] = _rbf16(xs)
        pyr[pl.ds(g * L, L)] = _rbf16(ys)
        pzr[pl.ds(g * L, L)] = _rbf16(zs)
        x2a[pl.ds(g * L, L)] = (xs * xs + ys * ys) + zs * zs
        return carry

    lax.fori_loop(0, NGRP, round_grp, jnp.int32(0))

    for g in range(SPW // L):
        iv3 = ind_v[pl.ds(g * L, L)] * 3
        cxg = plsc.load_gather(xi, [iv3])
        cyg = plsc.load_gather(xi, [iv3 + 1])
        czg = plsc.load_gather(xi, [iv3 + 2])
        cxc[pl.ds(g * L, L)] = cxg
        cyc[pl.ds(g * L, L)] = cyg
        czc[pl.ds(g * L, L)] = czg
        tri = 3 * (lane + g * L)
        plsc.store_scatter(nx_tile, [tri], cxg)
        plsc.store_scatter(nx_tile, [tri + 1], cyg)
        plsc.store_scatter(nx_tile, [tri + 2], czg)
    pltpu.sync_copy(nx_tile, nx_hbm.at[pl.ds(wid * SPW * 3, SPW * 3)])
    zeros16 = jnp.zeros((L,), jnp.int32)
    ones16 = jnp.ones((L,), jnp.int32)
    bN = b * N
    rbase = wid * SPW * NSAMPLE

    def centroid(j, c, k):
        jv = jnp.full((L,), j, jnp.int32)
        cxb = plsc.load_gather(cxc, [jv])
        cyb = plsc.load_gather(cyc, [jv])
        czb = plsc.load_gather(czc, [jv])
        q2 = (cxb * cxb + cyb * cyb) + czb * czb
        cxh, cyh, czh = _rbf16(cxb), _rbf16(cyb), _rbf16(czb)

        def cond(st):
            g, cnt = st
            return jnp.logical_and(g < NGRP, cnt < NSAMPLE)

        def body(st):
            g, cnt = st
            dot = (cxh * pxr[pl.ds(g * L, L)] + cyh * pyr[pl.ds(g * L, L)]) \
                + czh * pzr[pl.ds(g * L, L)]
            d2 = (q2 + x2a[pl.ds(g * L, L)]) - 2.0 * dot
            m = d2 < R2
            plsc.store_compressed(idxbuf.at[pl.ds(cnt, L)], lane + g * L, mask=m)
            cnt = cnt + jnp.sum(jnp.where(m, ones16, zeros16))
            return g + 1, cnt

        _, cnt = lax.while_loop(cond, body,
                                (jnp.int32(0), jnp.int32(0)))

        v0 = idxbuf[pl.ds(0, L)]
        v1 = idxbuf[pl.ds(L, L)]
        cntv = jnp.full((L,), cnt, jnp.int32)
        first = plsc.load_gather(idxbuf, [zeros16])
        pad = jnp.where(cntv > 0, first, zeros16)
        v0 = jnp.where(lane < cntv, v0, pad)
        v1 = jnp.where(lane + L < cntv, v1, pad)

        o = j * NSAMPLE
        idx_tile[pl.ds(o, L)] = v0
        idx_tile[pl.ds(o + L, L)] = v1
        gidx2[c, pl.ds(k * NSAMPLE, L)] = v0 + bN
        gidx2[c, pl.ds(k * NSAMPLE + L, L)] = v1 + bN
        v03, v13 = v0 * 3, v1 * 3
        dxt[pl.ds(o, L)] = plsc.load_gather(xi, [v03]) - cxb
        dxt[pl.ds(o + L, L)] = plsc.load_gather(xi, [v13]) - cxb
        dyt[pl.ds(o, L)] = plsc.load_gather(xi, [v03 + 1]) - cyb
        dyt[pl.ds(o + L, L)] = plsc.load_gather(xi, [v13 + 1]) - cyb
        dzt[pl.ds(o, L)] = plsc.load_gather(xi, [v03 + 2]) - czb
        dzt[pl.ds(o + L, L)] = plsc.load_gather(xi, [v13 + 2]) - czb

    bufs = (buf0, buf1)
    gsems = (g0, g1)
    wsems = (w0, w1)

    def gref(c):
        return ttab_hbm.at[gidx2.at[c]]

    def oref(c):
        return fg_hbm.at[pl.ds(rbase + c * _GC, _GC)]

    def super_chunk(cc, carry):
        for s in range(2):
            c = cc * 2 + s
            p = 1 - s
            for k in range(_CPC):
                centroid(c * _CPC + k, c, k)

            def wb_prev():
                pltpu.make_async_copy(gref(c - 1), bufs[p], gsems[p]).wait()
                pltpu.async_copy(bufs[p], oref(c - 1), wsems[p])

            if s == 1:
                wb_prev()
            else:
                @pl.when(cc > 0)
                def _():
                    wb_prev()

            @pl.when(cc > 0)
            def _():
                pltpu.make_async_copy(bufs[s], oref(c - 2), wsems[s]).wait()

            pltpu.async_copy(gref(c), bufs[s], gsems[s])
        return carry

    lax.fori_loop(0, _NCHT // 2, super_chunk, jnp.int32(0))

    last = _NCHT - 1
    pltpu.make_async_copy(gref(last), buf1, g1).wait()
    pltpu.sync_copy(buf1, oref(last))
    pltpu.make_async_copy(buf0, oref(last - 1), w0).wait()

    base = wid * SPW * NSAMPLE
    pltpu.sync_copy(idx_tile, idx_hbm.at[pl.ds(base, SPW * NSAMPLE)])
    pltpu.sync_copy(dxt, dxyz_hbm.at[pl.ds(0 * ROWS + base, SPW * NSAMPLE)])
    pltpu.sync_copy(dyt, dxyz_hbm.at[pl.ds(1 * ROWS + base, SPW * NSAMPLE)])
    pltpu.sync_copy(dzt, dxyz_hbm.at[pl.ds(2 * ROWS + base, SPW * NSAMPLE)])


_TB = 1024


def _pret_body(f_ref, w_ref, o_ref):
    o_ref[...] = jnp.dot(f_ref[...], w_ref[...],
                         preferred_element_type=jnp.float32)


def _pretransform(ftab, w1f):
    return pl.pallas_call(
        _pret_body,
        grid=(B * N // _TB,),
        in_specs=[
            pl.BlockSpec((_TB, C), lambda i: (i, 0)),
            pl.BlockSpec((C, D1), lambda i: (0, 0)),
        ],
        out_specs=pl.BlockSpec((_TB, D1), lambda i: (i, 0)),
        out_shape=jax.ShapeDtypeStruct((B * N, D1), jnp.float32),
    )(ftab, w1f)


_RB = 2048


def _mlp_body(fg_ref, dx_ref, w1x_ref, b1_ref, w2_ref, b2_ref,
              w3_ref, b3_ref, out_ref):
    hx = lax.dot_general(dx_ref[...], w1x_ref[...],
                         (((0,), (0,)), ((), ())),
                         preferred_element_type=jnp.float32)
    h1 = jnp.maximum(fg_ref[...] + hx + b1_ref[...], 0.0)
    h2 = jnp.maximum(
        jnp.dot(h1, w2_ref[...], preferred_element_type=jnp.float32)
        + b2_ref[...], 0.0)
    h3 = jnp.maximum(
        jnp.dot(h2, w3_ref[...], preferred_element_type=jnp.float32)
        + b3_ref[...], 0.0)
    out_ref[...] = jnp.max(h3.reshape(_RB // NSAMPLE, NSAMPLE, D3), axis=1)


def _mlp(fg, dxyz, w1x, b1, w2, b2, w3, b3):
    grid = ROWS // _RB
    return pl.pallas_call(
        _mlp_body,
        grid=(grid,),
        in_specs=[
            pl.BlockSpec((_RB, D1), lambda i: (i, 0)),
            pl.BlockSpec((3, _RB), lambda i: (0, i)),
            pl.BlockSpec((3, D1), lambda i: (0, 0)),
            pl.BlockSpec((1, D1), lambda i: (0, 0)),
            pl.BlockSpec((D1, D2_), lambda i: (0, 0)),
            pl.BlockSpec((1, D2_), lambda i: (0, 0)),
            pl.BlockSpec((D2_, D3), lambda i: (0, 0)),
            pl.BlockSpec((1, D3), lambda i: (0, 0)),
        ],
        out_specs=pl.BlockSpec((_RB // NSAMPLE, D3), lambda i: (i, 0)),
        out_shape=jax.ShapeDtypeStruct((B * NPOINT, D3), jnp.float32),
    )(fg, dxyz, w1x, b1, w2, b2, w3, b3)


def kernel(xyz, features, inds, W1, b1, W2, b2, W3, b3):
    ftab = features.reshape(B * N, C)

    tt = _pretransform(ftab, W1[3:])
    nx, idx_flat, dxyz, fg = _ballquery(xyz.reshape(B * N * 3),
                                        inds.reshape(B * NPOINT), tt)

    nf = _mlp(fg, dxyz.reshape(3, ROWS), W1[:3], b1.reshape(1, D1),
              W2, b2.reshape(1, D2_), W3, b3.reshape(1, D3))

    new_xyz = nx.reshape(B, NPOINT, 3)
    idx = idx_flat.reshape(B, NPOINT, NSAMPLE)
    new_features = nf.reshape(B, NPOINT, D3)
    return (new_xyz, new_features, inds, idx)

# --- scband reference (transcript-rebuilt; emitter-appended) ---
"""Pipeline reference for scband-pointnet-samodule-votes-16260746183080 (READ-ONLY COPY).

The authoritative reference and input builder live on the scoring server;
editing this copy changes nothing except your own understanding.
"""

import jax, jax.numpy as jnp
import numpy as np

B, N, C = 4, 8192, 128
NPOINT, NSAMPLE = 1024, 32
RADIUS = 0.4
D1, D2_, D3 = 128, 128, 256
CIN = C + 3


def setup_inputs(seed: int = 0):
    key = jax.random.key(seed)
    ks = jax.random.split(key, 9)
    xyz = jax.random.uniform(ks[0], (B, N, 3), dtype=jnp.float32)
    features = jax.random.normal(ks[1], (B, N, C), dtype=jnp.float32)
    inds = jax.random.randint(ks[2], (B, NPOINT), 0, N, dtype=jnp.int32)
    W1 = jax.random.normal(ks[3], (CIN, D1), dtype=jnp.float32) * (1.0 / np.sqrt(CIN))
    b1 = jnp.zeros((D1,), jnp.float32)
    W2 = jax.random.normal(ks[4], (D1, D2_), dtype=jnp.float32) * (1.0 / np.sqrt(D1))
    b2 = jnp.zeros((D2_,), jnp.float32)
    W3 = jax.random.normal(ks[5], (D2_, D3), dtype=jnp.float32) * (1.0 / np.sqrt(D2_))
    b3 = jnp.zeros((D3,), jnp.float32)
    return {"xyz": xyz, "features": features, "inds": inds,
            "W1": W1, "b1": b1, "W2": W2, "b2": b2, "W3": W3, "b3": b3}


def _ball_query(xyz, new_xyz):
    # squared distances via matmul expansion to avoid (B,S,N,3) intermediate
    x2 = jnp.sum(xyz * xyz, axis=-1)
    q2 = jnp.sum(new_xyz * new_xyz, axis=-1)
    d2 = q2[:, :, None] + x2[:, None, :] - 2.0 * jnp.einsum('bsd,bnd->bsn', new_xyz, xyz)
    mask = d2 < RADIUS * RADIUS
    ar = jnp.arange(N, dtype=jnp.int32)
    cand = jnp.where(mask, ar[None, None, :], N)
    idx = jnp.sort(cand, axis=-1)[:, :, :NSAMPLE]
    first = idx[:, :, :1]
    idx = jnp.where(idx == N, jnp.broadcast_to(first, idx.shape), idx)
    idx = jnp.where(idx == N, 0, idx)  # handle empty balls
    return idx


def _batch_gather(pts, idx):
    Bb, S, ns = idx.shape
    flat = jnp.take_along_axis(pts, idx.reshape(Bb, S * ns)[:, :, None], axis=1)
    return flat.reshape(Bb, S, ns, pts.shape[-1])


def reference(xyz, features, inds, W1, b1, W2, b2, W3, b3):
    # gather_point: new_xyz = xyz[b, inds[b]]
    new_xyz = jnp.take_along_axis(xyz, inds[:, :, None], axis=1)  # (B, NPOINT, 3)
    # QueryAndGroup: ball query + grouping (indices are non-differentiable)
    idx = jax.lax.stop_gradient(_ball_query(xyz, new_xyz))  # (B, NPOINT, NSAMPLE)
    grouped_xyz = _batch_gather(xyz, idx) - new_xyz[:, :, None, :]
    grouped_feat = _batch_gather(features, idx)
    g = jnp.concatenate([grouped_xyz, grouped_feat], axis=-1)  # (B, S, ns, 131) since use_xyz
    # SharedMLP (1x1 convs, bn=False, ReLU)
    h = jax.nn.relu(g @ W1 + b1)
    h = jax.nn.relu(h @ W2 + b2)
    h = jax.nn.relu(h @ W3 + b3)
    # max pooling over nsample, then reshape to (B, NPOINT, mlp[-1])
    new_features = jnp.max(h, axis=2)
    return (new_xyz, new_features, inds, idx)

if __name__ == "__main__":
    import jax
    _d = setup_inputs()
    print(jax.jit(kernel)(*tuple(_d.values())))

</pallas_src>

<mosaic_0001>
#map = affine_map<(d0, d1) -> (0)>
#map1 = affine_map<(d0, d1) -> (0, 0)>
module attributes {stable_mosaic.version = 14 : i64} {
  func.func @_ballquery(%arg0: i32, %arg1: i32, %arg2: memref<98304xf32, #tpu.memory_space<hbm>>, %arg3: memref<4096xi32, #tpu.memory_space<hbm>>, %arg4: memref<32768x128xf32, #tpu.memory_space<hbm>>, %arg5: memref<12288xf32, #tpu.memory_space<hbm>>, %arg6: memref<131072xi32, #tpu.memory_space<hbm>>, %arg7: memref<393216xf32, #tpu.memory_space<hbm>>, %arg8: memref<131072x128xf32, #tpu.memory_space<hbm>>, %arg9: memref<24576xf32, #tpu.memory_space<vmem>>, %arg10: memref<8192xf32, #tpu.memory_space<vmem>>, %arg11: memref<8192xf32, #tpu.memory_space<vmem>>, %arg12: memref<8192xf32, #tpu.memory_space<vmem>>, %arg13: memref<8192xf32, #tpu.memory_space<vmem>>, %arg14: memref<128xi32, #tpu.memory_space<vmem>>, %arg15: memref<128xf32, #tpu.memory_space<vmem>>, %arg16: memref<128xf32, #tpu.memory_space<vmem>>, %arg17: memref<128xf32, #tpu.memory_space<vmem>>, %arg18: memref<384xf32, #tpu.memory_space<vmem>>, %arg19: memref<48xi32, #tpu.memory_space<vmem>>, %arg20: memref<4096xi32, #tpu.memory_space<vmem>>, %arg21: memref<32x128xi32, #tpu.memory_space<vmem>>, %arg22: memref<4096xf32, #tpu.memory_space<vmem>>, %arg23: memref<4096xf32, #tpu.memory_space<vmem>>, %arg24: memref<4096xf32, #tpu.memory_space<vmem>>, %arg25: memref<128x128xf32, #tpu.memory_space<vmem>>, %arg26: memref<128x128xf32, #tpu.memory_space<vmem>>, %arg27: memref<!tpu.dma_semaphore, #tpu.memory_space<semaphore_mem>>, %arg28: memref<!tpu.dma_semaphore, #tpu.memory_space<semaphore_mem>>, %arg29: memref<!tpu.dma_semaphore, #tpu.memory_space<semaphore_mem>>, %arg30: memref<!tpu.dma_semaphore, #tpu.memory_space<semaphore_mem>>) attributes {dimension_semantics = [#tpu.dimension_semantics<core_parallel>, #tpu.dimension_semantics<subcore_parallel>], iteration_bounds = array<i64: 2, 16>, scalar_prefetch = 0 : i64, scratch_operands = 22 : i64, tpu.core_type = #tpu.core_type<sc_vector_subcore>, window_params = [{transform_indices = #map}, {transform_indices = #map}, {transform_indices = #map1}, {transform_indices = #map}, {transform_indices = #map}, {transform_indices = #map}, {transform_indices = #map1}]} {
    %mul3A = arith.constant 2 : i32
    %mul3A_0 = arith.muli %arg1, %mul3A : i32
    %add3A = arith.addi %mul3A_0, %arg0 : i32
    %jit3A = arith.constant 8 : i32
    %div3A = arith.divsi %add3A, %jit3A : i32
    %sign3A = arith.constant 0 : i32
    %sign3A_1 = arith.cmpi sgt, %add3A, %sign3A : i32
    %sign3A_2 = arith.extui %sign3A_1 : i1 to i32
    %sign3A_3 = arith.constant 0 : i32
    %sign3A_4 = arith.cmpi slt, %add3A, %sign3A_3 : i32
    %sign3A_5 = arith.extui %sign3A_4 : i1 to i32
    %sign3A_6 = arith.subi %sign3A_2, %sign3A_5 : i32
    %sign3A_7 = arith.constant 0 : i32
    %sign3A_8 = arith.cmpi sgt, %jit3A, %sign3A_7 : i32
    %sign3A_9 = arith.extui %sign3A_8 : i1 to i32
    %sign3A_10 = arith.constant 0 : i32
    %sign3A_11 = arith.cmpi slt, %jit3A, %sign3A_10 : i32
    %sign3A_12 = arith.extui %sign3A_11 : i1 to i32
    %sign3A_13 = arith.subi %sign3A_9, %sign3A_12 : i32
    %ne3A = arith.cmpi ne, %sign3A_6, %sign3A_13 : i32
    %rem3A = arith.remsi %add3A, %jit3A : i32
    %ne3A_14 = arith.constant 0 : i32
    %ne3A_15 = arith.cmpi ne, %rem3A, %ne3A_14 : i32
    %and3A = arith.andi %ne3A, %ne3A_15 : i1
    %sub3A = arith.constant 1 : i32
    %sub3A_16 = arith.subi %div3A, %sub3A : i32
    %select_n3A = arith.select %and3A, %sub3A_16, %div3A : i32
    %mul3A_17 = arith.constant 8192 : i32
    %mul3A_18 = arith.muli %select_n3A, %mul3A_17 : i32
    %mul3A_19 = arith.constant 3 : i32
    %mul3A_20 = arith.muli %mul3A_18, %mul3A_19 : i32
    "tpu.region"() ({
      %run_scoped3A = tpu.sem_alloc : memref<!tpu.dma_semaphore, #tpu.memory_space<semaphore_mem>>
      %dma_start3A = tpu.memref_slice %arg2[%mul3A_20] : memref<98304xf32, #tpu.memory_space<hbm>> -> memref<24576xf32, #tpu.memory_space<hbm>>
      %dma_start3A_324 = tpu.memref_slice %arg2[%mul3A_20] : memref<98304xf32, #tpu.memory_space<hbm>> -> memref<24576xf32, #tpu.memory_space<hbm>>
      tpu.enqueue_dma source(%dma_start3A_324 : memref<24576xf32, #tpu.memory_space<hbm>>) target(%arg9 : memref<24576xf32, #tpu.memory_space<vmem>>) target_semaphore(%run_scoped3A : memref<!tpu.dma_semaphore, #tpu.memory_space<semaphore_mem>>)
      %dma_wait3A_325 = tpu.memref_slice %arg2[%mul3A_20] : memref<98304xf32, #tpu.memory_space<hbm>> -> memref<24576xf32, #tpu.memory_space<hbm>>
      %dma_wait3A_326 = tpu.memref_slice %arg2[%mul3A_20] : memref<98304xf32, #tpu.memory_space<hbm>> -> memref<24576xf32, #tpu.memory_space<hbm>>
      tpu.wait_dma2 semaphore(%run_scoped3A : memref<!tpu.dma_semaphore, #tpu.memory_space<semaphore_mem>>) src(%dma_wait3A_326 : memref<24576xf32, #tpu.memory_space<hbm>>) dst(%arg9 : memref<24576xf32, #tpu.memory_space<vmem>>)
      tpu.yield
    }) : () -> ()
    %mul3A_21 = arith.constant 128 : i32
    %mul3A_22 = arith.muli %add3A, %mul3A_21 : i32
    "tpu.region"() ({
      %run_scoped3A = tpu.sem_alloc : memref<!tpu.dma_semaphore, #tpu.memory_space<semaphore_mem>>
      %dma_start3A = tpu.memref_slice %arg3[%mul3A_22] : memref<4096xi32, #tpu.memory_space<hbm>> -> memref<128xi32, #tpu.memory_space<hbm>>
      %dma_start3A_324 = tpu.memref_slice %arg3[%mul3A_22] : memref<4096xi32, #tpu.memory_space<hbm>> -> memref<128xi32, #tpu.memory_space<hbm>>
      tpu.enqueue_dma source(%dma_start3A_324 : memref<128xi32, #tpu.memory_space<hbm>>) target(%arg14 : memref<128xi32, #tpu.memory_space<vmem>>) target_semaphore(%run_scoped3A : memref<!tpu.dma_semaphore, #tpu.memory_space<semaphore_mem>>)
      %dma_wait3A_325 = tpu.memref_slice %arg3[%mul3A_22] : memref<4096xi32, #tpu.memory_space<hbm>> -> memref<128xi32, #tpu.memory_space<hbm>>
      %dma_wait3A_326 = tpu.memref_slice %arg3[%mul3A_22] : memref<4096xi32, #tpu.memory_space<hbm>> -> memref<128xi32, #tpu.memory_space<hbm>>
      tpu.wait_dma2 semaphore(%run_scoped3A : memref<!tpu.dma_semaphore, #tpu.memory_space<semaphore_mem>>) src(%dma_wait3A_326 : memref<128xi32, #tpu.memory_space<hbm>>) dst(%arg14 : memref<128xi32, #tpu.memory_space<vmem>>)
      tpu.yield
    }) : () -> ()
    %iota3A = tpu.iota {dimensions = array<i32: 0>} : vector<16xi32>
    %scan3A = arith.constant 0 : i32
    %scan3A_23 = arith.constant 0 : i32
    %scan3A_24 = arith.constant 512 : i32
    %scan3A_25 = arith.addi %scan3A_23, %scan3A_24 : i32
    %scan3A_26 = arith.constant 1 : i32
    scf.for %scan3A_324 = %scan3A_23 to %scan3A_25 step %scan3A_26  : i32 {
      %mul3A_325 = arith.constant 16 : i32
      %mul3A_326 = arith.muli %scan3A_324, %mul3A_325 : i32
      %add3A_327 = vector.broadcast %mul3A_326 : i32 to vector<16xi32>
      %add3A_328 = arith.addi %iota3A, %add3A_327 : vector<16xi32>
      %mul3A_329 = arith.constant 3 : i32
      %mul3A_330 = vector.broadcast %mul3A_329 : i32 to vector<16xi32>
      %mul3A_331 = arith.muli %add3A_328, %mul3A_330 : vector<16xi32>
      %gather3A_332 = tpu.vector_load_idx %arg9[%mul3A_331] : memref<24576xf32, #tpu.memory_space<vmem>>[vector<16xi32>], vector<16xf32>,
      %add3A_333 = arith.constant 1 : i32
      %add3A_334 = vector.broadcast %add3A_333 : i32 to vector<16xi32>
      %add3A_335 = arith.addi %mul3A_331, %add3A_334 : vector<16xi32>
      %gather3A_336 = tpu.vector_load_idx %arg9[%add3A_335] : memref<24576xf32, #tpu.memory_space<vmem>>[vector<16xi32>], vector<16xf32>,
      %add3A_337 = arith.constant 2 : i32
      %add3A_338 = vector.broadcast %add3A_337 : i32 to vector<16xi32>
      %add3A_339 = arith.addi %mul3A_331, %add3A_338 : vector<16xi32>
      %gather3A_340 = tpu.vector_load_idx %arg9[%add3A_339] : memref<24576xf32, #tpu.memory_space<vmem>>[vector<16xi32>], vector<16xf32>,
      %bitcast3A = vector.bitcast %gather3A_332 : vector<16xf32> to vector<16xi32>
      %shift_right_logical3A = arith.constant 16 : i32
      %shift_right_logical3A_341 = vector.broadcast %shift_right_logical3A : i32 to vector<16xi32>
      %shift_right_logical3A_342 = arith.shrui %bitcast3A, %shift_right_logical3A_341 : vector<16xi32>
      %and3A_343 = arith.constant 1 : i32
      %and3A_344 = vector.broadcast %and3A_343 : i32 to vector<16xi32>
      %and3A_345 = arith.andi %shift_right_logical3A_342, %and3A_344 : vector<16xi32>
      %add3A_346 = arith.constant 32767 : i32
      %add3A_347 = vector.broadcast %add3A_346 : i32 to vector<16xi32>
      %add3A_348 = arith.addi %bitcast3A, %add3A_347 : vector<16xi32>
      %add3A_349 = arith.addi %add3A_348, %and3A_345 : vector<16xi32>
      %and3A_350 = arith.constant -65536 : i32
      %and3A_351 = vector.broadcast %and3A_350 : i32 to vector<16xi32>
      %and3A_352 = arith.andi %add3A_349, %and3A_351 : vector<16xi32>
      %bitcast3A_353 = vector.bitcast %and3A_352 : vector<16xi32> to vector<16xf32>
      %mul3A_354 = arith.constant 16 : i32
      %mul3A_355 = arith.muli %scan3A_324, %mul3A_354 : i32
      %swap3A_356 = arith.index_cast %mul3A_355 : i32 to index
      %swap3A_357 = tpu.vector_load %arg10[%swap3A_356] {strides = array<i32>} : memref<8192xf32, #tpu.memory_space<vmem>>, vector<16xf32>,
      tpu.vector_store %arg10[%swap3A_356], %bitcast3A_353 {strides = array<i32>} : memref<8192xf32, #tpu.memory_space<vmem>>, vector<16xf32>,
      %bitcast3A_358 = vector.bitcast %gather3A_336 : vector<16xf32> to vector<16xi32>
      %shift_right_logical3A_359 = arith.constant 16 : i32
      %shift_right_logical3A_360 = vector.broadcast %shift_right_logical3A_359 : i32 to vector<16xi32>
      %shift_right_logical3A_361 = arith.shrui %bitcast3A_358, %shift_right_logical3A_360 : vector<16xi32>
      %and3A_362 = arith.constant 1 : i32
      %and3A_363 = vector.broadcast %and3A_362 : i32 to vector<16xi32>
      %and3A_364 = arith.andi %shift_right_logical3A_361, %and3A_363 : vector<16xi32>
      %add3A_365 = arith.constant 32767 : i32
      %add3A_366 = vector.broadcast %add3A_365 : i32 to vector<16xi32>
      %add3A_367 = arith.addi %bitcast3A_358, %add3A_366 : vector<16xi32>
      %add3A_368 = arith.addi %add3A_367, %and3A_364 : vector<16xi32>
      %and3A_369 = arith.constant -65536 : i32
      %and3A_370 = vector.broadcast %and3A_369 : i32 to vector<16xi32>
      %and3A_371 = arith.andi %add3A_368, %and3A_370 : vector<16xi32>
      %bitcast3A_372 = vector.bitcast %and3A_371 : vector<16xi32> to vector<16xf32>
      %mul3A_373 = arith.constant 16 : i32
      %mul3A_374 = arith.muli %scan3A_324, %mul3A_373 : i32
      %swap3A_375 = arith.index_cast %mul3A_374 : i32 to index
      %swap3A_376 = tpu.vector_load %arg11[%swap3A_375] {strides = array<i32>} : memref<8192xf32, #tpu.memory_space<vmem>>, vector<16xf32>,
      tpu.vector_store %arg11[%swap3A_375], %bitcast3A_372 {strides = array<i32>} : memref<8192xf32, #tpu.memory_space<vmem>>, vector<16xf32>,
      %bitcast3A_377 = vector.bitcast %gather3A_340 : vector<16xf32> to vector<16xi32>
      %shift_right_logical3A_378 = arith.constant 16 : i32
      %shift_right_logical3A_379 = vector.broadcast %shift_right_logical3A_378 : i32 to vector<16xi32>
      %shift_right_logical3A_380 = arith.shrui %bitcast3A_377, %shift_right_logical3A_379 : vector<16xi32>
      %and3A_381 = arith.constant 1 : i32
      %and3A_382 = vector.broadcast %and3A_381 : i32 to vector<16xi32>
      %and3A_383 = arith.andi %shift_right_logical3A_380, %and3A_382 : vector<16xi32>
      %add3A_384 = arith.constant 32767 : i32
      %add3A_385 = vector.broadcast %add3A_384 : i32 to vector<16xi32>
      %add3A_386 = arith.addi %bitcast3A_377, %add3A_385 : vector<16xi32>
      %add3A_387 = arith.addi %add3A_386, %and3A_383 : vector<16xi32>
      %and3A_388 = arith.constant -65536 : i32
      %and3A_389 = vector.broadcast %and3A_388 : i32 to vector<16xi32>
      %and3A_390 = arith.andi %add3A_387, %and3A_389 : vector<16xi32>
      %bitcast3A_391 = vector.bitcast %and3A_390 : vector<16xi32> to vector<16xf32>
      %mul3A_392 = arith.constant 16 : i32
      %mul3A_393 = arith.muli %scan3A_324, %mul3A_392 : i32
      %swap3A_394 = arith.index_cast %mul3A_393 : i32 to index
      %swap3A_395 = tpu.vector_load %arg12[%swap3A_394] {strides = array<i32>} : memref<8192xf32, #tpu.memory_space<vmem>>, vector<16xf32>,
      tpu.vector_store %arg12[%swap3A_394], %bitcast3A_391 {strides = array<i32>} : memref<8192xf32, #tpu.memory_space<vmem>>, vector<16xf32>,
      %mul3A_396 = arith.mulf %gather3A_332, %gather3A_332 : vector<16xf32>
      %mul3A_397 = arith.mulf %gather3A_336, %gather3A_336 : vector<16xf32>
      %add3A_398 = arith.addf %mul3A_396, %mul3A_397 : vector<16xf32>
      %mul3A_399 = arith.mulf %gather3A_340, %gather3A_340 : vector<16xf32>
      %add3A_400 = arith.addf %add3A_398, %mul3A_399 : vector<16xf32>
      %mul3A_401 = arith.constant 16 : i32
      %mul3A_402 = arith.muli %scan3A_324, %mul3A_401 : i32
      %swap3A_403 = arith.index_cast %mul3A_402 : i32 to index
      %swap3A_404 = tpu.vector_load %arg13[%swap3A_403] {strides = array<i32>} : memref<8192xf32, #tpu.memory_space<vmem>>, vector<16xf32>,
      tpu.vector_store %arg13[%swap3A_403], %add3A_400 {strides = array<i32>} : memref<8192xf32, #tpu.memory_space<vmem>>, vector<16xf32>,
    }
    %scan3A_27 = arith.constant 512 : i32
    %get3A = arith.constant 0 : index
    %get3A_28 = tpu.vector_load %arg14[%get3A] {strides = array<i32>} : memref<128xi32, #tpu.memory_space<vmem>>, vector<16xi32>,
    %mul3A_29 = arith.constant 3 : i32
    %mul3A_30 = vector.broadcast %mul3A_29 : i32 to vector<16xi32>
    %mul3A_31 = arith.muli %get3A_28, %mul3A_30 : vector<16xi32>
    %gather3A = tpu.vector_load_idx %arg9[%mul3A_31] : memref<24576xf32, #tpu.memory_space<vmem>>[vector<16xi32>], vector<16xf32>,
    %add3A_32 = arith.constant 1 : i32
    %add3A_33 = vector.broadcast %add3A_32 : i32 to vector<16xi32>
    %add3A_34 = arith.addi %mul3A_31, %add3A_33 : vector<16xi32>
    %gather3A_35 = tpu.vector_load_idx %arg9[%add3A_34] : memref<24576xf32, #tpu.memory_space<vmem>>[vector<16xi32>], vector<16xf32>,
    %add3A_36 = arith.constant 2 : i32
    %add3A_37 = vector.broadcast %add3A_36 : i32 to vector<16xi32>
    %add3A_38 = arith.addi %mul3A_31, %add3A_37 : vector<16xi32>
    %gather3A_39 = tpu.vector_load_idx %arg9[%add3A_38] : memref<24576xf32, #tpu.memory_space<vmem>>[vector<16xi32>], vector<16xf32>,
    %swap3A = arith.constant 0 : index
    %swap3A_40 = tpu.vector_load %arg15[%swap3A] {strides = array<i32>} : memref<128xf32, #tpu.memory_space<vmem>>, vector<16xf32>,
    tpu.vector_store %arg15[%swap3A], %gather3A {strides = array<i32>} : memref<128xf32, #tpu.memory_space<vmem>>, vector<16xf32>,
    %swap3A_41 = arith.constant 0 : index
    %swap3A_42 = tpu.vector_load %arg16[%swap3A_41] {strides = array<i32>} : memref<128xf32, #tpu.memory_space<vmem>>, vector<16xf32>,
    tpu.vector_store %arg16[%swap3A_41], %gather3A_35 {strides = array<i32>} : memref<128xf32, #tpu.memory_space<vmem>>, vector<16xf32>,
    %swap3A_43 = arith.constant 0 : index
    %swap3A_44 = tpu.vector_load %arg17[%swap3A_43] {strides = array<i32>} : memref<128xf32, #tpu.memory_space<vmem>>, vector<16xf32>,
    tpu.vector_store %arg17[%swap3A_43], %gather3A_39 {strides = array<i32>} : memref<128xf32, #tpu.memory_space<vmem>>, vector<16xf32>,
    %add3A_45 = arith.constant 0 : i32
    %add3A_46 = vector.broadcast %add3A_45 : i32 to vector<16xi32>
    %add3A_47 = arith.addi %iota3A, %add3A_46 : vector<16xi32>
    %mul3A_48 = arith.constant 3 : i32
    %mul3A_49 = vector.broadcast %mul3A_48 : i32 to vector<16xi32>
    %mul3A_50 = arith.muli %mul3A_49, %add3A_47 : vector<16xi32>
    tpu.vector_store_idx %arg18[%mul3A_50], %gather3A : memref<384xf32, #tpu.memory_space<vmem>>[vector<16xi32>], vector<16xf32>,
    %add3A_51 = arith.constant 1 : i32
    %add3A_52 = vector.broadcast %add3A_51 : i32 to vector<16xi32>
    %add3A_53 = arith.addi %mul3A_50, %add3A_52 : vector<16xi32>
    tpu.vector_store_idx %arg18[%add3A_53], %gather3A_35 : memref<384xf32, #tpu.memory_space<vmem>>[vector<16xi32>], vector<16xf32>,
    %add3A_54 = arith.constant 2 : i32
    %add3A_55 = vector.broadcast %add3A_54 : i32 to vector<16xi32>
    %add3A_56 = arith.addi %mul3A_50, %add3A_55 : vector<16xi32>
    tpu.vector_store_idx %arg18[%add3A_56], %gather3A_39 : memref<384xf32, #tpu.memory_space<vmem>>[vector<16xi32>], vector<16xf32>,
    %get3A_57 = arith.constant 16 : index
    %get3A_58 = tpu.vector_load %arg14[%get3A_57] {strides = array<i32>} : memref<128xi32, #tpu.memory_space<vmem>>, vector<16xi32>,
    %mul3A_59 = arith.constant 3 : i32
    %mul3A_60 = vector.broadcast %mul3A_59 : i32 to vector<16xi32>
    %mul3A_61 = arith.muli %get3A_58, %mul3A_60 : vector<16xi32>
    %gather3A_62 = tpu.vector_load_idx %arg9[%mul3A_61] : memref<24576xf32, #tpu.memory_space<vmem>>[vector<16xi32>], vector<16xf32>,
    %add3A_63 = arith.constant 1 : i32
    %add3A_64 = vector.broadcast %add3A_63 : i32 to vector<16xi32>
    %add3A_65 = arith.addi %mul3A_61, %add3A_64 : vector<16xi32>
    %gather3A_66 = tpu.vector_load_idx %arg9[%add3A_65] : memref<24576xf32, #tpu.memory_space<vmem>>[vector<16xi32>], vector<16xf32>,
    %add3A_67 = arith.constant 2 : i32
    %add3A_68 = vector.broadcast %add3A_67 : i32 to vector<16xi32>
    %add3A_69 = arith.addi %mul3A_61, %add3A_68 : vector<16xi32>
    %gather3A_70 = tpu.vector_load_idx %arg9[%add3A_69] : memref<24576xf32, #tpu.memory_space<vmem>>[vector<16xi32>], vector<16xf32>,
    %swap3A_71 = arith.constant 16 : index
    %swap3A_72 = tpu.vector_load %arg15[%swap3A_71] {strides = array<i32>} : memref<128xf32, #tpu.memory_space<vmem>>, vector<16xf32>,
    tpu.vector_store %arg15[%swap3A_71], %gather3A_62 {strides = array<i32>} : memref<128xf32, #tpu.memory_space<vmem>>, vector<16xf32>,
    %swap3A_73 = arith.constant 16 : index
    %swap3A_74 = tpu.vector_load %arg16[%swap3A_73] {strides = array<i32>} : memref<128xf32, #tpu.memory_space<vmem>>, vector<16xf32>,
    tpu.vector_store %arg16[%swap3A_73], %gather3A_66 {strides = array<i32>} : memref<128xf32, #tpu.memory_space<vmem>>, vector<16xf32>,
    %swap3A_75 = arith.constant 16 : index
    %swap3A_76 = tpu.vector_load %arg17[%swap3A_75] {strides = array<i32>} : memref<128xf32, #tpu.memory_space<vmem>>, vector<16xf32>,
    tpu.vector_store %arg17[%swap3A_75], %gather3A_70 {strides = array<i32>} : memref<128xf32, #tpu.memory_space<vmem>>, vector<16xf32>,
    %add3A_77 = arith.constant 16 : i32
    %add3A_78 = vector.broadcast %add3A_77 : i32 to vector<16xi32>
    %add3A_79 = arith.addi %iota3A, %add3A_78 : vector<16xi32>
    %mul3A_80 = arith.constant 3 : i32
    %mul3A_81 = vector.broadcast %mul3A_80 : i32 to vector<16xi32>
    %mul3A_82 = arith.muli %mul3A_81, %add3A_79 : vector<16xi32>
    tpu.vector_store_idx %arg18[%mul3A_82], %gather3A_62 : memref<384xf32, #tpu.memory_space<vmem>>[vector<16xi32>], vector<16xf32>,
    %add3A_83 = arith.constant 1 : i32
    %add3A_84 = vector.broadcast %add3A_83 : i32 to vector<16xi32>
    %add3A_85 = arith.addi %mul3A_82, %add3A_84 : vector<16xi32>
    tpu.vector_store_idx %arg18[%add3A_85], %gather3A_66 : memref<384xf32, #tpu.memory_space<vmem>>[vector<16xi32>], vector<16xf32>,
    %add3A_86 = arith.constant 2 : i32
    %add3A_87 = vector.broadcast %add3A_86 : i32 to vector<16xi32>
    %add3A_88 = arith.addi %mul3A_82, %add3A_87 : vector<16xi32>
    tpu.vector_store_idx %arg18[%add3A_88], %gather3A_70 : memref<384xf32, #tpu.memory_space<vmem>>[vector<16xi32>], vector<16xf32>,
    %get3A_89 = arith.constant 32 : index
    %get3A_90 = tpu.vector_load %arg14[%get3A_89] {strides = array<i32>} : memref<128xi32, #tpu.memory_space<vmem>>, vector<16xi32>,
    %mul3A_91 = arith.constant 3 : i32
    %mul3A_92 = vector.broadcast %mul3A_91 : i32 to vector<16xi32>
    %mul3A_93 = arith.muli %get3A_90, %mul3A_92 : vector<16xi32>
    %gather3A_94 = tpu.vector_load_idx %arg9[%mul3A_93] : memref<24576xf32, #tpu.memory_space<vmem>>[vector<16xi32>], vector<16xf32>,
    %add3A_95 = arith.constant 1 : i32
    %add3A_96 = vector.broadcast %add3A_95 : i32 to vector<16xi32>
    %add3A_97 = arith.addi %mul3A_93, %add3A_96 : vector<16xi32>
    %gather3A_98 = tpu.vector_load_idx %arg9[%add3A_97] : memref<24576xf32, #tpu.memory_space<vmem>>[vector<16xi32>], vector<16xf32>,
    %add3A_99 = arith.constant 2 : i32
    %add3A_100 = vector.broadcast %add3A_99 : i32 to vector<16xi32>
    %add3A_101 = arith.addi %mul3A_93, %add3A_100 : vector<16xi32>
    %gather3A_102 = tpu.vector_load_idx %arg9[%add3A_101] : memref<24576xf32, #tpu.memory_space<vmem>>[vector<16xi32>], vector<16xf32>,
    %swap3A_103 = arith.constant 32 : index
    %swap3A_104 = tpu.vector_load %arg15[%swap3A_103] {strides = array<i32>} : memref<128xf32, #tpu.memory_space<vmem>>, vector<16xf32>,
    tpu.vector_store %arg15[%swap3A_103], %gather3A_94 {strides = array<i32>} : memref<128xf32, #tpu.memory_space<vmem>>, vector<16xf32>,
    %swap3A_105 = arith.constant 32 : index
    %swap3A_106 = tpu.vector_load %arg16[%swap3A_105] {strides = array<i32>} : memref<128xf32, #tpu.memory_space<vmem>>, vector<16xf32>,
    tpu.vector_store %arg16[%swap3A_105], %gather3A_98 {strides = array<i32>} : memref<128xf32, #tpu.memory_space<vmem>>, vector<16xf32>,
    %swap3A_107 = arith.constant 32 : index
    %swap3A_108 = tpu.vector_load %arg17[%swap3A_107] {strides = array<i32>} : memref<128xf32, #tpu.memory_space<vmem>>, vector<16xf32>,
    tpu.vector_store %arg17[%swap3A_107], %gather3A_102 {strides = array<i32>} : memref<128xf32, #tpu.memory_space<vmem>>, vector<16xf32>,
    %add3A_109 = arith.constant 32 : i32
    %add3A_110 = vector.broadcast %add3A_109 : i32 to vector<16xi32>
    %add3A_111 = arith.addi %iota3A, %add3A_110 : vector<16xi32>
    %mul3A_112 = arith.constant 3 : i32
    %mul3A_113 = vector.broadcast %mul3A_112 : i32 to vector<16xi32>
    %mul3A_114 = arith.muli %mul3A_113, %add3A_111 : vector<16xi32>
    tpu.vector_store_idx %arg18[%mul3A_114], %gather3A_94 : memref<384xf32, #tpu.memory_space<vmem>>[vector<16xi32>], vector<16xf32>,
    %add3A_115 = arith.constant 1 : i32
    %add3A_116 = vector.broadcast %add3A_115 : i32 to vector<16xi32>
    %add3A_117 = arith.addi %mul3A_114, %add3A_116 : vector<16xi32>
    tpu.vector_store_idx %arg18[%add3A_117], %gather3A_98 : memref<384xf32, #tpu.memory_space<vmem>>[vector<16xi32>], vector<16xf32>,
    %add3A_118 = arith.constant 2 : i32
    %add3A_119 = vector.broadcast %add3A_118 : i32 to vector<16xi32>
    %add3A_120 = arith.addi %mul3A_114, %add3A_119 : vector<16xi32>
    tpu.vector_store_idx %arg18[%add3A_120], %gather3A_102 : memref<384xf32, #tpu.memory_space<vmem>>[vector<16xi32>], vector<16xf32>,
    %get3A_121 = arith.constant 48 : index
    %get3A_122 = tpu.vector_load %arg14[%get3A_121] {strides = array<i32>} : memref<128xi32, #tpu.memory_space<vmem>>, vector<16xi32>,
    %mul3A_123 = arith.constant 3 : i32
    %mul3A_124 = vector.broadcast %mul3A_123 : i32 to vector<16xi32>
    %mul3A_125 = arith.muli %get3A_122, %mul3A_124 : vector<16xi32>
    %gather3A_126 = tpu.vector_load_idx %arg9[%mul3A_125] : memref<24576xf32, #tpu.memory_space<vmem>>[vector<16xi32>], vector<16xf32>,
    %add3A_127 = arith.constant 1 : i32
    %add3A_128 = vector.broadcast %add3A_127 : i32 to vector<16xi32>
    %add3A_129 = arith.addi %mul3A_125, %add3A_128 : vector<16xi32>
    %gather3A_130 = tpu.vector_load_idx %arg9[%add3A_129] : memref<24576xf32, #tpu.memory_space<vmem>>[vector<16xi32>], vector<16xf32>,
    %add3A_131 = arith.constant 2 : i32
    %add3A_132 = vector.broadcast %add3A_131 : i32 to vector<16xi32>
    %add3A_133 = arith.addi %mul3A_125, %add3A_132 : vector<16xi32>
    %gather3A_134 = tpu.vector_load_idx %arg9[%add3A_133] : memref<24576xf32, #tpu.memory_space<vmem>>[vector<16xi32>], vector<16xf32>,
    %swap3A_135 = arith.constant 48 : index
    %swap3A_136 = tpu.vector_load %arg15[%swap3A_135] {strides = array<i32>} : memref<128xf32, #tpu.memory_space<vmem>>, vector<16xf32>,
    tpu.vector_store %arg15[%swap3A_135], %gather3A_126 {strides = array<i32>} : memref<128xf32, #tpu.memory_space<vmem>>, vector<16xf32>,
    %swap3A_137 = arith.constant 48 : index
    %swap3A_138 = tpu.vector_load %arg16[%swap3A_137] {strides = array<i32>} : memref<128xf32, #tpu.memory_space<vmem>>, vector<16xf32>,
    tpu.vector_store %arg16[%swap3A_137], %gather3A_130 {strides = array<i32>} : memref<128xf32, #tpu.memory_space<vmem>>, vector<16xf32>,
    %swap3A_139 = arith.constant 48 : index
    %swap3A_140 = tpu.vector_load %arg17[%swap3A_139] {strides = array<i32>} : memref<128xf32, #tpu.memory_space<vmem>>, vector<16xf32>,
    tpu.vector_store %arg17[%swap3A_139], %gather3A_134 {strides = array<i32>} : memref<128xf32, #tpu.memory_space<vmem>>, vector<16xf32>,
    %add3A_141 = arith.constant 48 : i32
    %add3A_142 = vector.broadcast %add3A_141 : i32 to vector<16xi32>
    %add3A_143 = arith.addi %iota3A, %add3A_142 : vector<16xi32>
    %mul3A_144 = arith.constant 3 : i32
    %mul3A_145 = vector.broadcast %mul3A_144 : i32 to vector<16xi32>
    %mul3A_146 = arith.muli %mul3A_145, %add3A_143 : vector<16xi32>
    tpu.vector_store_idx %arg18[%mul3A_146], %gather3A_126 : memref<384xf32, #tpu.memory_space<vmem>>[vector<16xi32>], vector<16xf32>,
    %add3A_147 = arith.constant 1 : i32
    %add3A_148 = vector.broadcast %add3A_147 : i32 to vector<16xi32>
    %add3A_149 = arith.addi %mul3A_146, %add3A_148 : vector<16xi32>
    tpu.vector_store_idx %arg18[%add3A_149], %gather3A_130 : memref<384xf32, #tpu.memory_space<vmem>>[vector<16xi32>], vector<16xf32>,
    %add3A_150 = arith.constant 2 : i32
    %add3A_151 = vector.broadcast %add3A_150 : i32 to vector<16xi32>
    %add3A_152 = arith.addi %mul3A_146, %add3A_151 : vector<16xi32>
    tpu.vector_store_idx %arg18[%add3A_152], %gather3A_134 : memref<384xf32, #tpu.memory_space<vmem>>[vector<16xi32>], vector<16xf32>,
    %get3A_153 = arith.constant 64 : index
    %get3A_154 = tpu.vector_load %arg14[%get3A_153] {strides = array<i32>} : memref<128xi32, #tpu.memory_space<vmem>>, vector<16xi32>,
    %mul3A_155 = arith.constant 3 : i32
    %mul3A_156 = vector.broadcast %mul3A_155 : i32 to vector<16xi32>
    %mul3A_157 = arith.muli %get3A_154, %mul3A_156 : vector<16xi32>
    %gather3A_158 = tpu.vector_load_idx %arg9[%mul3A_157] : memref<24576xf32, #tpu.memory_space<vmem>>[vector<16xi32>], vector<16xf32>,
    %add3A_159 = arith.constant 1 : i32
    %add3A_160 = vector.broadcast %add3A_159 : i32 to vector<16xi32>
    %add3A_161 = arith.addi %mul3A_157, %add3A_160 : vector<16xi32>
    %gather3A_162 = tpu.vector_load_idx %arg9[%add3A_161] : memref<24576xf32, #tpu.memory_space<vmem>>[vector<16xi32>], vector<16xf32>,
    %add3A_163 = arith.constant 2 : i32
    %add3A_164 = vector.broadcast %add3A_163 : i32 to vector<16xi32>
    %add3A_165 = arith.addi %mul3A_157, %add3A_164 : vector<16xi32>
    %gather3A_166 = tpu.vector_load_idx %arg9[%add3A_165] : memref<24576xf32, #tpu.memory_space<vmem>>[vector<16xi32>], vector<16xf32>,
    %swap3A_167 = arith.constant 64 : index
    %swap3A_168 = tpu.vector_load %arg15[%swap3A_167] {strides = array<i32>} : memref<128xf32, #tpu.memory_space<vmem>>, vector<16xf32>,
    tpu.vector_store %arg15[%swap3A_167], %gather3A_158 {strides = array<i32>} : memref<128xf32, #tpu.memory_space<vmem>>, vector<16xf32>,
    %swap3A_169 = arith.constant 64 : index
    %swap3A_170 = tpu.vector_load %arg16[%swap3A_169] {strides = array<i32>} : memref<128xf32, #tpu.memory_space<vmem>>, vector<16xf32>,
    tpu.vector_store %arg16[%swap3A_169], %gather3A_162 {strides = array<i32>} : memref<128xf32, #tpu.memory_space<vmem>>, vector<16xf32>,
    %swap3A_171 = arith.constant 64 : index
    %swap3A_172 = tpu.vector_load %arg17[%swap3A_171] {strides = array<i32>} : memref<128xf32, #tpu.memory_space<vmem>>, vector<16xf32>,
    tpu.vector_store %arg17[%swap3A_171], %gather3A_166 {strides = array<i32>} : memref<128xf32, #tpu.memory_space<vmem>>, vector<16xf32>,
    %add3A_173 = arith.constant 64 : i32
    %add3A_174 = vector.broadcast %add3A_173 : i32 to vector<16xi32>
    %add3A_175 = arith.addi %iota3A, %add3A_174 : vector<16xi32>
    %mul3A_176 = arith.constant 3 : i32
    %mul3A_177 = vector.broadcast %mul3A_176 : i32 to vector<16xi32>
    %mul3A_178 = arith.muli %mul3A_177, %add3A_175 : vector<16xi32>
    tpu.vector_store_idx %arg18[%mul3A_178], %gather3A_158 : memref<384xf32, #tpu.memory_space<vmem>>[vector<16xi32>], vector<16xf32>,
    %add3A_179 = arith.constant 1 : i32
    %add3A_180 = vector.broadcast %add3A_179 : i32 to vector<16xi32>
    %add3A_181 = arith.addi %mul3A_178, %add3A_180 : vector<16xi32>
    tpu.vector_store_idx %arg18[%add3A_181], %gather3A_162 : memref<384xf32, #tpu.memory_space<vmem>>[vector<16xi32>], vector<16xf32>,
    %add3A_182 = arith.constant 2 : i32
    %add3A_183 = vector.broadcast %add3A_182 : i32 to vector<16xi32>
    %add3A_184 = arith.addi %mul3A_178, %add3A_183 : vector<16xi32>
    tpu.vector_store_idx %arg18[%add3A_184], %gather3A_166 : memref<384xf32, #tpu.memory_space<vmem>>[vector<16xi32>], vector<16xf32>,
    %get3A_185 = arith.constant 80 : index
    %get3A_186 = tpu.vector_load %arg14[%get3A_185] {strides = array<i32>} : memref<128xi32, #tpu.memory_space<vmem>>, vector<16xi32>,
    %mul3A_187 = arith.constant 3 : i32
    %mul3A_188 = vector.broadcast %mul3A_187 : i32 to vector<16xi32>
    %mul3A_189 = arith.muli %get3A_186, %mul3A_188 : vector<16xi32>
    %gather3A_190 = tpu.vector_load_idx %arg9[%mul3A_189] : memref<24576xf32, #tpu.memory_space<vmem>>[vector<16xi32>], vector<16xf32>,
    %add3A_191 = arith.constant 1 : i32
    %add3A_192 = vector.broadcast %add3A_191 : i32 to vector<16xi32>
    %add3A_193 = arith.addi %mul3A_189, %add3A_192 : vector<16xi32>
    %gather3A_194 = tpu.vector_load_idx %arg9[%add3A_193] : memref<24576xf32, #tpu.memory_space<vmem>>[vector<16xi32>], vector<16xf32>,
    %add3A_195 = arith.constant 2 : i32
    %add3A_196 = vector.broadcast %add3A_195 : i32 to vector<16xi32>
    %add3A_197 = arith.addi %mul3A_189, %add3A_196 : vector<16xi32>
    %gather3A_198 = tpu.vector_load_idx %arg9[%add3A_197] : memref<24576xf32, #tpu.memory_space<vmem>>[vector<16xi32>], vector<16xf32>,
    %swap3A_199 = arith.constant 80 : index
    %swap3A_200 = tpu.vector_load %arg15[%swap3A_199] {strides = array<i32>} : memref<128xf32, #tpu.memory_space<vmem>>, vector<16xf32>,
    tpu.vector_store %arg15[%swap3A_199], %gather3A_190 {strides = array<i32>} : memref<128xf32, #tpu.memory_space<vmem>>, vector<16xf32>,
    %swap3A_201 = arith.constant 80 : index
    %swap3A_202 = tpu.vector_load %arg16[%swap3A_201] {strides = array<i32>} : memref<128xf32, #tpu.memory_space<vmem>>, vector<16xf32>,
    tpu.vector_store %arg16[%swap3A_201], %gather3A_194 {strides = array<i32>} : memref<128xf32, #tpu.memory_space<vmem>>, vector<16xf32>,
    %swap3A_203 = arith.constant 80 : index
    %swap3A_204 = tpu.vector_load %arg17[%swap3A_203] {strides = array<i32>} : memref<128xf32, #tpu.memory_space<vmem>>, vector<16xf32>,
    tpu.vector_store %arg17[%swap3A_203], %gather3A_198 {strides = array<i32>} : memref<128xf32, #tpu.memory_space<vmem>>, vector<16xf32>,
    %add3A_205 = arith.constant 80 : i32
    %add3A_206 = vector.broadcast %add3A_205 : i32 to vector<16xi32>
    %add3A_207 = arith.addi %iota3A, %add3A_206 : vector<16xi32>
    %mul3A_208 = arith.constant 3 : i32
    %mul3A_209 = vector.broadcast %mul3A_208 : i32 to vector<16xi32>
    %mul3A_210 = arith.muli %mul3A_209, %add3A_207 : vector<16xi32>
    tpu.vector_store_idx %arg18[%mul3A_210], %gather3A_190 : memref<384xf32, #tpu.memory_space<vmem>>[vector<16xi32>], vector<16xf32>,
    %add3A_211 = arith.constant 1 : i32
    %add3A_212 = vector.broadcast %add3A_211 : i32 to vector<16xi32>
    %add3A_213 = arith.addi %mul3A_210, %add3A_212 : vector<16xi32>
    tpu.vector_store_idx %arg18[%add3A_213], %gather3A_194 : memref<384xf32, #tpu.memory_space<vmem>>[vector<16xi32>], vector<16xf32>,
    %add3A_214 = arith.constant 2 : i32
    %add3A_215 = vector.broadcast %add3A_214 : i32 to vector<16xi32>
    %add3A_216 = arith.addi %mul3A_210, %add3A_215 : vector<16xi32>
    tpu.vector_store_idx %arg18[%add3A_216], %gather3A_198 : memref<384xf32, #tpu.memory_space<vmem>>[vector<16xi32>], vector<16xf32>,
    %get3A_217 = arith.constant 96 : index
    %get3A_218 = tpu.vector_load %arg14[%get3A_217] {strides = array<i32>} : memref<128xi32, #tpu.memory_space<vmem>>, vector<16xi32>,
    %mul3A_219 = arith.constant 3 : i32
    %mul3A_220 = vector.broadcast %mul3A_219 : i32 to vector<16xi32>
    %mul3A_221 = arith.muli %get3A_218, %mul3A_220 : vector<16xi32>
    %gather3A_222 = tpu.vector_load_idx %arg9[%mul3A_221] : memref<24576xf32, #tpu.memory_space<vmem>>[vector<16xi32>], vector<16xf32>,
    %add3A_223 = arith.constant 1 : i32
    %add3A_224 = vector.broadcast %add3A_223 : i32 to vector<16xi32>
    %add3A_225 = arith.addi %mul3A_221, %add3A_224 : vector<16xi32>
    %gather3A_226 = tpu.vector_load_idx %arg9[%add3A_225] : memref<24576xf32, #tpu.memory_space<vmem>>[vector<16xi32>], vector<16xf32>,
    %add3A_227 = arith.constant 2 : i32
    %add3A_228 = vector.broadcast %add3A_227 : i32 to vector<16xi32>
    %add3A_229 = arith.addi %mul3A_221, %add3A_228 : vector<16xi32>
    %gather3A_230 = tpu.vector_load_idx %arg9[%add3A_229] : memref<24576xf32, #tpu.memory_space<vmem>>[vector<16xi32>], vector<16xf32>,
    %swap3A_231 = arith.constant 96 : index
    %swap3A_232 = tpu.vector_load %arg15[%swap3A_231] {strides = array<i32>} : memref<128xf32, #tpu.memory_space<vmem>>, vector<16xf32>,
    tpu.vector_store %arg15[%swap3A_231], %gather3A_222 {strides = array<i32>} : memref<128xf32, #tpu.memory_space<vmem>>, vector<16xf32>,
    %swap3A_233 = arith.constant 96 : index
    %swap3A_234 = tpu.vector_load %arg16[%swap3A_233] {strides = array<i32>} : memref<128xf32, #tpu.memory_space<vmem>>, vector<16xf32>,
    tpu.vector_store %arg16[%swap3A_233], %gather3A_226 {strides = array<i32>} : memref<128xf32, #tpu.memory_space<vmem>>, vector<16xf32>,
    %swap3A_235 = arith.constant 96 : index
    %swap3A_236 = tpu.vector_load %arg17[%swap3A_235] {strides = array<i32>} : memref<128xf32, #tpu.memory_space<vmem>>, vector<16xf32>,
    tpu.vector_store %arg17[%swap3A_235], %gather3A_230 {strides = array<i32>} : memref<128xf32, #tpu.memory_space<vmem>>, vector<16xf32>,
    %add3A_237 = arith.constant 96 : i32
    %add3A_238 = vector.broadcast %add3A_237 : i32 to vector<16xi32>
    %add3A_239 = arith.addi %iota3A, %add3A_238 : vector<16xi32>
    %mul3A_240 = arith.constant 3 : i32
    %mul3A_241 = vector.broadcast %mul3A_240 : i32 to vector<16xi32>
    %mul3A_242 = arith.muli %mul3A_241, %add3A_239 : vector<16xi32>
    tpu.vector_store_idx %arg18[%mul3A_242], %gather3A_222 : memref<384xf32, #tpu.memory_space<vmem>>[vector<16xi32>], vector<16xf32>,
    %add3A_243 = arith.constant 1 : i32
    %add3A_244 = vector.broadcast %add3A_243 : i32 to vector<16xi32>
    %add3A_245 = arith.addi %mul3A_242, %add3A_244 : vector<16xi32>
    tpu.vector_store_idx %arg18[%add3A_245], %gather3A_226 : memref<384xf32, #tpu.memory_space<vmem>>[vector<16xi32>], vector<16xf32>,
    %add3A_246 = arith.constant 2 : i32
    %add3A_247 = vector.broadcast %add3A_246 : i32 to vector<16xi32>
    %add3A_248 = arith.addi %mul3A_242, %add3A_247 : vector<16xi32>
    tpu.vector_store_idx %arg18[%add3A_248], %gather3A_230 : memref<384xf32, #tpu.memory_space<vmem>>[vector<16xi32>], vector<16xf32>,
    %get3A_249 = arith.constant 112 : index
    %get3A_250 = tpu.vector_load %arg14[%get3A_249] {strides = array<i32>} : memref<128xi32, #tpu.memory_space<vmem>>, vector<16xi32>,
    %mul3A_251 = arith.constant 3 : i32
    %mul3A_252 = vector.broadcast %mul3A_251 : i32 to vector<16xi32>
    %mul3A_253 = arith.muli %get3A_250, %mul3A_252 : vector<16xi32>
    %gather3A_254 = tpu.vector_load_idx %arg9[%mul3A_253] : memref<24576xf32, #tpu.memory_space<vmem>>[vector<16xi32>], vector<16xf32>,
    %add3A_255 = arith.constant 1 : i32
    %add3A_256 = vector.broadcast %add3A_255 : i32 to vector<16xi32>
    %add3A_257 = arith.addi %mul3A_253, %add3A_256 : vector<16xi32>
    %gather3A_258 = tpu.vector_load_idx %arg9[%add3A_257] : memref<24576xf32, #tpu.memory_space<vmem>>[vector<16xi32>], vector<16xf32>,
    %add3A_259 = arith.constant 2 : i32
    %add3A_260 = vector.broadcast %add3A_259 : i32 to vector<16xi32>
    %add3A_261 = arith.addi %mul3A_253, %add3A_260 : vector<16xi32>
    %gather3A_262 = tpu.vector_load_idx %arg9[%add3A_261] : memref<24576xf32, #tpu.memory_space<vmem>>[vector<16xi32>], vector<16xf32>,
    %swap3A_263 = arith.constant 112 : index
    %swap3A_264 = tpu.vector_load %arg15[%swap3A_263] {strides = array<i32>} : memref<128xf32, #tpu.memory_space<vmem>>, vector<16xf32>,
    tpu.vector_store %arg15[%swap3A_263], %gather3A_254 {strides = array<i32>} : memref<128xf32, #tpu.memory_space<vmem>>, vector<16xf32>,
    %swap3A_265 = arith.constant 112 : index
    %swap3A_266 = tpu.vector_load %arg16[%swap3A_265] {strides = array<i32>} : memref<128xf32, #tpu.memory_space<vmem>>, vector<16xf32>,
    tpu.vector_store %arg16[%swap3A_265], %gather3A_258 {strides = array<i32>} : memref<128xf32, #tpu.memory_space<vmem>>, vector<16xf32>,
    %swap3A_267 = arith.constant 112 : index
    %swap3A_268 = tpu.vector_load %arg17[%swap3A_267] {strides = array<i32>} : memref<128xf32, #tpu.memory_space<vmem>>, vector<16xf32>,
    tpu.vector_store %arg17[%swap3A_267], %gather3A_262 {strides = array<i32>} : memref<128xf32, #tpu.memory_space<vmem>>, vector<16xf32>,
    %add3A_269 = arith.constant 112 : i32
    %add3A_270 = vector.broadcast %add3A_269 : i32 to vector<16xi32>
    %add3A_271 = arith.addi %iota3A, %add3A_270 : vector<16xi32>
    %mul3A_272 = arith.constant 3 : i32
    %mul3A_273 = vector.broadcast %mul3A_272 : i32 to vector<16xi32>
    %mul3A_274 = arith.muli %mul3A_273, %add3A_271 : vector<16xi32>
    tpu.vector_store_idx %arg18[%mul3A_274], %gather3A_254 : memref<384xf32, #tpu.memory_space<vmem>>[vector<16xi32>], vector<16xf32>,
    %add3A_275 = arith.constant 1 : i32
    %add3A_276 = vector.broadcast %add3A_275 : i32 to vector<16xi32>
    %add3A_277 = arith.addi %mul3A_274, %add3A_276 : vector<16xi32>
    tpu.vector_store_idx %arg18[%add3A_277], %gather3A_258 : memref<384xf32, #tpu.memory_space<vmem>>[vector<16xi32>], vector<16xf32>,
    %add3A_278 = arith.constant 2 : i32
    %add3A_279 = vector.broadcast %add3A_278 : i32 to vector<16xi32>
    %add3A_280 = arith.addi %mul3A_274, %add3A_279 : vector<16xi32>
    tpu.vector_store_idx %arg18[%add3A_280], %gather3A_262 : memref<384xf32, #tpu.memory_space<vmem>>[vector<16xi32>], vector<16xf32>,
    %mul3A_281 = arith.constant 128 : i32
    %mul3A_282 = arith.muli %add3A, %mul3A_281 : i32
    %mul3A_283 = arith.constant 3 : i32
    %mul3A_284 = arith.muli %mul3A_282, %mul3A_283 : i32
    "tpu.region"() ({
      %run_scoped3A = tpu.sem_alloc : memref<!tpu.dma_semaphore, #tpu.memory_space<semaphore_mem>>
      %dma_start3A = tpu.memref_slice %arg5[%mul3A_284] : memref<12288xf32, #tpu.memory_space<hbm>> -> memref<384xf32, #tpu.memory_space<hbm>>
      %dma_start3A_324 = tpu.memref_slice %arg5[%mul3A_284] : memref<12288xf32, #tpu.memory_space<hbm>> -> memref<384xf32, #tpu.memory_space<hbm>>
      tpu.enqueue_dma source(%arg18 : memref<384xf32, #tpu.memory_space<vmem>>) target(%dma_start3A_324 : memref<384xf32, #tpu.memory_space<hbm>>) target_semaphore(%run_scoped3A : memref<!tpu.dma_semaphore, #tpu.memory_space<semaphore_mem>>)
      %dma_wait3A_325 = tpu.memref_slice %arg5[%mul3A_284] : memref<12288xf32, #tpu.memory_space<hbm>> -> memref<384xf32, #tpu.memory_space<hbm>>
      %dma_wait3A_326 = tpu.memref_slice %arg5[%mul3A_284] : memref<12288xf32, #tpu.memory_space<hbm>> -> memref<384xf32, #tpu.memory_space<hbm>>
      tpu.wait_dma2 semaphore(%run_scoped3A : memref<!tpu.dma_semaphore, #tpu.memory_space<semaphore_mem>>) src(%arg18 : memref<384xf32, #tpu.memory_space<vmem>>) dst(%dma_wait3A_326 : memref<384xf32, #tpu.memory_space<hbm>>)
      tpu.yield
    }) : () -> ()
    %broadcast_in_dim3A = arith.constant 0 : i32
    %broadcast_in_dim3A_285 = vector.broadcast %broadcast_in_dim3A : i32 to vector<16xi32>
    %broadcast_in_dim3A_286 = arith.constant 1 : i32
    %broadcast_in_dim3A_287 = vector.broadcast %broadcast_in_dim3A_286 : i32 to vector<16xi32>
    %mul3A_288 = arith.constant 8192 : i32
    %mul3A_289 = arith.muli %select_n3A, %mul3A_288 : i32
    %mul3A_290 = arith.constant 128 : i32
    %mul3A_291 = arith.muli %add3A, %mul3A_290 : i32
    %mul3A_292 = arith.constant 32 : i32
    %mul3A_293 = arith.muli %mul3A_291, %mul3A_292 : i32
    %scan3A_294 = arith.constant 0 : i32
    %scan3A_295 = arith.constant 0 : i32
    %scan3A_296 = arith.constant 16 : i32
    %scan3A_297 = arith.addi %scan3A_295, %scan3A_296 : i32
    %scan3A_298 = arith.constant 1 : i32
    scf.for %scan3A_324 = %scan3A_295 to %scan3A_297 step %scan3A_298  : i32 {
      %mul3A_325 = arith.constant 2 : i32
      %mul3A_326 = arith.muli %scan3A_324, %mul3A_325 : i32
      %add3A_327 = arith.constant 0 : i32
      %add3A_328 = arith.addi %mul3A_326, %add3A_327 : i32
      %mul3A_329 = arith.constant 4 : i32
      %mul3A_330 = arith.muli %add3A_328, %mul3A_329 : i32
      %add3A_331 = arith.constant 0 : i32
      %add3A_332 = arith.addi %mul3A_330, %add3A_331 : i32
      %broadcast_in_dim3A_333 = vector.broadcast %add3A_332 : i32 to vector<16xi32>
      %gather3A_334 = tpu.vector_load_idx %arg15[%broadcast_in_dim3A_333] : memref<128xf32, #tpu.memory_space<vmem>>[vector<16xi32>], vector<16xf32>,
      %gather3A_335 = tpu.vector_load_idx %arg16[%broadcast_in_dim3A_333] : memref<128xf32, #tpu.memory_space<vmem>>[vector<16xi32>], vector<16xf32>,
      %gather3A_336 = tpu.vector_load_idx %arg17[%broadcast_in_dim3A_333] : memref<128xf32, #tpu.memory_space<vmem>>[vector<16xi32>], vector<16xf32>,
      %mul3A_337 = arith.mulf %gather3A_334, %gather3A_334 : vector<16xf32>
      %mul3A_338 = arith.mulf %gather3A_335, %gather3A_335 : vector<16xf32>
      %add3A_339 = arith.addf %mul3A_337, %mul3A_338 : vector<16xf32>
      %mul3A_340 = arith.mulf %gather3A_336, %gather3A_336 : vector<16xf32>
      %add3A_341 = arith.addf %add3A_339, %mul3A_340 : vector<16xf32>
      %bitcast3A = vector.bitcast %gather3A_334 : vector<16xf32> to vector<16xi32>
      %shift_right_logical3A = arith.constant 16 : i32
      %shift_right_logical3A_342 = vector.broadcast %shift_right_logical3A : i32 to vector<16xi32>
      %shift_right_logical3A_343 = arith.shrui %bitcast3A, %shift_right_logical3A_342 : vector<16xi32>
      %and3A_344 = arith.constant 1 : i32
      %and3A_345 = vector.broadcast %and3A_344 : i32 to vector<16xi32>
      %and3A_346 = arith.andi %shift_right_logical3A_343, %and3A_345 : vector<16xi32>
      %add3A_347 = arith.constant 32767 : i32
      %add3A_348 = vector.broadcast %add3A_347 : i32 to vector<16xi32>
      %add3A_349 = arith.addi %bitcast3A, %add3A_348 : vector<16xi32>
      %add3A_350 = arith.addi %add3A_349, %and3A_346 : vector<16xi32>
      %and3A_351 = arith.constant -65536 : i32
      %and3A_352 = vector.broadcast %and3A_351 : i32 to vector<16xi32>
      %and3A_353 = arith.andi %add3A_350, %and3A_352 : vector<16xi32>
      %bitcast3A_354 = vector.bitcast %and3A_353 : vector<16xi32> to vector<16xf32>
      %bitcast3A_355 = vector.bitcast %gather3A_335 : vector<16xf32> to vector<16xi32>
      %shift_right_logical3A_356 = arith.constant 16 : i32
      %shift_right_logical3A_357 = vector.broadcast %shift_right_logical3A_356 : i32 to vector<16xi32>
      %shift_right_logical3A_358 = arith.shrui %bitcast3A_355, %shift_right_logical3A_357 : vector<16xi32>
      %and3A_359 = arith.constant 1 : i32
      %and3A_360 = vector.broadcast %and3A_359 : i32 to vector<16xi32>
      %and3A_361 = arith.andi %shift_right_logical3A_358, %and3A_360 : vector<16xi32>
      %add3A_362 = arith.constant 32767 : i32
      %add3A_363 = vector.broadcast %add3A_362 : i32 to vector<16xi32>
      %add3A_364 = arith.addi %bitcast3A_355, %add3A_363 : vector<16xi32>
      %add3A_365 = arith.addi %add3A_364, %and3A_361 : vector<16xi32>
      %and3A_366 = arith.constant -65536 : i32
      %and3A_367 = vector.broadcast %and3A_366 : i32 to vector<16xi32>
      %and3A_368 = arith.andi %add3A_365, %and3A_367 : vector<16xi32>
      %bitcast3A_369 = vector.bitcast %and3A_368 : vector<16xi32> to vector<16xf32>
      %bitcast3A_370 = vector.bitcast %gather3A_336 : vector<16xf32> to vector<16xi32>
      %shift_right_logical3A_371 = arith.constant 16 : i32
      %shift_right_logical3A_372 = vector.broadcast %shift_right_logical3A_371 : i32 to vector<16xi32>
      %shift_right_logical3A_373 = arith.shrui %bitcast3A_370, %shift_right_logical3A_372 : vector<16xi32>
      %and3A_374 = arith.constant 1 : i32
      %and3A_375 = vector.broadcast %and3A_374 : i32 to vector<16xi32>
      %and3A_376 = arith.andi %shift_right_logical3A_373, %and3A_375 : vector<16xi32>
      %add3A_377 = arith.constant 32767 : i32
      %add3A_378 = vector.broadcast %add3A_377 : i32 to vector<16xi32>
      %add3A_379 = arith.addi %bitcast3A_370, %add3A_378 : vector<16xi32>
      %add3A_380 = arith.addi %add3A_379, %and3A_376 : vector<16xi32>
      %and3A_381 = arith.constant -65536 : i32
      %and3A_382 = vector.broadcast %and3A_381 : i32 to vector<16xi32>
      %and3A_383 = arith.andi %add3A_380, %and3A_382 : vector<16xi32>
      %bitcast3A_384 = vector.bitcast %and3A_383 : vector<16xi32> to vector<16xf32>
      %while3A = arith.constant 0 : i32
      %while3A_385 = arith.constant 0 : i32
      %while3A_386:2 = scf.while (%while3A_1521 = %while3A, %while3A_1522 = %while3A_385) : (i32, i32) -> (i32, i32) {
        %lt3A_1523 = arith.constant 512 : i32
        %lt3A_1524 = arith.cmpi slt, %while3A_1521, %lt3A_1523 : i32
        %lt3A_1525 = arith.constant 32 : i32
        %lt3A_1526 = arith.cmpi slt, %while3A_1522, %lt3A_1525 : i32
        %and3A_1527 = arith.andi %lt3A_1524, %lt3A_1526 : i1
        scf.condition(%and3A_1527) %while3A_1521, %while3A_1522 : i32, i32
      } do {
      ^bb0(%while3A_1521: i32, %while3A_1522: i32):
        %mul3A_1523 = arith.constant 16 : i32
        %mul3A_1524 = arith.muli %while3A_1521, %mul3A_1523 : i32
        %get3A_1525 = arith.index_cast %mul3A_1524 : i32 to index
        %get3A_1526 = tpu.vector_load %arg10[%get3A_1525] {strides = array<i32>} : memref<8192xf32, #tpu.memory_space<vmem>>, vector<16xf32>,
        %mul3A_1527 = arith.mulf %bitcast3A_354, %get3A_1526 : vector<16xf32>
        %mul3A_1528 = arith.constant 16 : i32
        %mul3A_1529 = arith.muli %while3A_1521, %mul3A_1528 : i32
        %get3A_1530 = arith.index_cast %mul3A_1529 : i32 to index
        %get3A_1531 = tpu.vector_load %arg11[%get3A_1530] {strides = array<i32>} : memref<8192xf32, #tpu.memory_space<vmem>>, vector<16xf32>,
        %mul3A_1532 = arith.mulf %bitcast3A_369, %get3A_1531 : vector<16xf32>
        %add3A_1533 = arith.addf %mul3A_1527, %mul3A_1532 : vector<16xf32>
        %mul3A_1534 = arith.constant 16 : i32
        %mul3A_1535 = arith.muli %while3A_1521, %mul3A_1534 : i32
        %get3A_1536 = arith.index_cast %mul3A_1535 : i32 to index
        %get3A_1537 = tpu.vector_load %arg12[%get3A_1536] {strides = array<i32>} : memref<8192xf32, #tpu.memory_space<vmem>>, vector<16xf32>,
        %mul3A_1538 = arith.mulf %bitcast3A_384, %get3A_1537 : vector<16xf32>
        %add3A_1539 = arith.addf %add3A_1533, %mul3A_1538 : vector<16xf32>
        %mul3A_1540 = arith.constant 16 : i32
        %mul3A_1541 = arith.muli %while3A_1521, %mul3A_1540 : i32
        %get3A_1542 = arith.index_cast %mul3A_1541 : i32 to index
        %get3A_1543 = tpu.vector_load %arg13[%get3A_1542] {strides = array<i32>} : memref<8192xf32, #tpu.memory_space<vmem>>, vector<16xf32>,
        %add3A_1544 = arith.addf %add3A_341, %get3A_1543 : vector<16xf32>
        %mul3A_1545 = arith.constant 2.000000e+00 : f32
        %mul3A_1546 = vector.broadcast %mul3A_1545 : f32 to vector<16xf32>
        %mul3A_1547 = arith.mulf %mul3A_1546, %add3A_1539 : vector<16xf32>
        %sub3A_1548 = arith.subf %add3A_1544, %mul3A_1547 : vector<16xf32>
        %lt3A_1549 = arith.constant 0.160000011 : f32
        %lt3A_1550 = vector.broadcast %lt3A_1549 : f32 to vector<16xf32>
        %lt3A_1551 = arith.cmpf olt, %sub3A_1548, %lt3A_1550 : vector<16xf32>
        %mul3A_1552 = arith.constant 16 : i32
        %mul3A_1553 = arith.muli %while3A_1521, %mul3A_1552 : i32
        %add3A_1554 = vector.broadcast %mul3A_1553 : i32 to vector<16xi32>
        %add3A_1555 = arith.addi %iota3A, %add3A_1554 : vector<16xi32>
        %swap3A_1556 = arith.index_cast %while3A_1522 : i32 to index
        %swap3A_1557 = tpu.vector_load %arg19[%swap3A_1556] masked %lt3A_1551 {strides = array<i32>} : memref<48xi32, #tpu.memory_space<vmem>>, vector<16xi32>, vector<16xi1>
        tpu.vector_store %arg19[%swap3A_1556], %add3A_1555 masked %lt3A_1551 {strides = array<i32>} : memref<48xi32, #tpu.memory_space<vmem>>, vector<16xi32>, vector<16xi1>
        %select_n3A_1558 = arith.select %lt3A_1551, %broadcast_in_dim3A_287, %broadcast_in_dim3A_285 : vector<16xi1>, vector<16xi32>
        %reduce_sum3A = arith.constant true
        %reduce_sum3A_1559 = vector.broadcast %reduce_sum3A : i1 to vector<16xi1>
        %reduce_sum3A_1560 = tpu.scan <sum>, %select_n3A_1558 masked %reduce_sum3A_1559 : vector<16xi32>, vector<16xi1> -> vector<16xi32>
        %reduce_sum3A_1561 = vector.extract %reduce_sum3A_1560[15] : i32 from vector<16xi32>
        %add3A_1562 = arith.addi %while3A_1522, %reduce_sum3A_1561 : i32
        %add3A_1563 = arith.constant 1 : i32
        %add3A_1564 = arith.addi %while3A_1521, %add3A_1563 : i32
        scf.yield %add3A_1564, %add3A_1562 : i32, i32
      }
      %get3A_387 = arith.constant 0 : index
      %get3A_388 = tpu.vector_load %arg19[%get3A_387] {strides = array<i32>} : memref<48xi32, #tpu.memory_space<vmem>>, vector<16xi32>,
      %get3A_389 = arith.constant 16 : index
      %get3A_390 = tpu.vector_load %arg19[%get3A_389] {strides = array<i32>} : memref<48xi32, #tpu.memory_space<vmem>>, vector<16xi32>,
      %broadcast_in_dim3A_391 = vector.broadcast %while3A_386#1 : i32 to vector<16xi32>
      %gather3A_392 = tpu.vector_load_idx %arg19[%broadcast_in_dim3A_285] : memref<48xi32, #tpu.memory_space<vmem>>[vector<16xi32>], vector<16xi32>,
      %gt3A = arith.constant 0 : i32
      %gt3A_393 = vector.broadcast %gt3A : i32 to vector<16xi32>
      %gt3A_394 = arith.cmpi sgt, %broadcast_in_dim3A_391, %gt3A_393 : vector<16xi32>
      %select_n3A_395 = arith.select %gt3A_394, %gather3A_392, %broadcast_in_dim3A_285 : vector<16xi1>, vector<16xi32>
      %lt3A = arith.cmpi slt, %iota3A, %broadcast_in_dim3A_391 : vector<16xi32>
      %select_n3A_396 = arith.select %lt3A, %get3A_388, %select_n3A_395 : vector<16xi1>, vector<16xi32>
      %add3A_397 = arith.constant 16 : i32
      %add3A_398 = vector.broadcast %add3A_397 : i32 to vector<16xi32>
      %add3A_399 = arith.addi %iota3A, %add3A_398 : vector<16xi32>
      %lt3A_400 = arith.cmpi slt, %add3A_399, %broadcast_in_dim3A_391 : vector<16xi32>
      %select_n3A_401 = arith.select %lt3A_400, %get3A_390, %select_n3A_395 : vector<16xi1>, vector<16xi32>
      %mul3A_402 = arith.constant 32 : i32
      %mul3A_403 = arith.muli %add3A_332, %mul3A_402 : i32
      %swap3A_404 = arith.index_cast %mul3A_403 : i32 to index
      %swap3A_405 = tpu.vector_load %arg20[%swap3A_404] {strides = array<i32>} : memref<4096xi32, #tpu.memory_space<vmem>>, vector<16xi32>,
      tpu.vector_store %arg20[%swap3A_404], %select_n3A_396 {strides = array<i32>} : memref<4096xi32, #tpu.memory_space<vmem>>, vector<16xi32>,
      %add3A_406 = arith.constant 16 : i32
      %add3A_407 = arith.addi %mul3A_403, %add3A_406 : i32
      %swap3A_408 = arith.index_cast %add3A_407 : i32 to index
      %swap3A_409 = tpu.vector_load %arg20[%swap3A_408] {strides = array<i32>} : memref<4096xi32, #tpu.memory_space<vmem>>, vector<16xi32>,
      tpu.vector_store %arg20[%swap3A_408], %select_n3A_401 {strides = array<i32>} : memref<4096xi32, #tpu.memory_space<vmem>>, vector<16xi32>,
      %add3A_410 = vector.broadcast %mul3A_289 : i32 to vector<16xi32>
      %add3A_411 = arith.addi %select_n3A_396, %add3A_410 : vector<16xi32>
      %swap3A_412 = arith.index_cast %add3A_328 : i32 to index
      %swap3A_413 = arith.constant 0 : index
      %swap3A_414 = tpu.vector_load %arg21[%swap3A_412, %swap3A_413] {strides = array<i32>} : memref<32x128xi32, #tpu.memory_space<vmem>>, vector<16xi32>,
      tpu.vector_store %arg21[%swap3A_412, %swap3A_413], %add3A_411 {strides = array<i32>} : memref<32x128xi32, #tpu.memory_space<vmem>>, vector<16xi32>,
      %add3A_415 = vector.broadcast %mul3A_289 : i32 to vector<16xi32>
      %add3A_416 = arith.addi %select_n3A_401, %add3A_415 : vector<16xi32>
      %swap3A_417 = arith.index_cast %add3A_328 : i32 to index
      %swap3A_418 = arith.constant 16 : index
      %swap3A_419 = tpu.vector_load %arg21[%swap3A_417, %swap3A_418] {strides = array<i32>} : memref<32x128xi32, #tpu.memory_space<vmem>>, vector<16xi32>,
      tpu.vector_store %arg21[%swap3A_417, %swap3A_418], %add3A_416 {strides = array<i32>} : memref<32x128xi32, #tpu.memory_space<vmem>>, vector<16xi32>,
      %mul3A_420 = arith.constant 3 : i32
      %mul3A_421 = vector.broadcast %mul3A_420 : i32 to vector<16xi32>
      %mul3A_422 = arith.muli %select_n3A_396, %mul3A_421 : vector<16xi32>
      %mul3A_423 = arith.constant 3 : i32
      %mul3A_424 = vector.broadcast %mul3A_423 : i32 to vector<16xi32>
      %mul3A_425 = arith.muli %select_n3A_401, %mul3A_424 : vector<16xi32>
      %gather3A_426 = tpu.vector_load_idx %arg9[%mul3A_422] : memref<24576xf32, #tpu.memory_space<vmem>>[vector<16xi32>], vector<16xf32>,
      %sub3A_427 = arith.subf %gather3A_426, %gather3A_334 : vector<16xf32>
      %swap3A_428 = arith.index_cast %mul3A_403 : i32 to index
      %swap3A_429 = tpu.vector_load %arg22[%swap3A_428] {strides = array<i32>} : memref<4096xf32, #tpu.memory_space<vmem>>, vector<16xf32>,
      tpu.vector_store %arg22[%swap3A_428], %sub3A_427 {strides = array<i32>} : memref<4096xf32, #tpu.memory_space<vmem>>, vector<16xf32>,
      %gather3A_430 = tpu.vector_load_idx %arg9[%mul3A_425] : memref<24576xf32, #tpu.memory_space<vmem>>[vector<16xi32>], vector<16xf32>,
      %sub3A_431 = arith.subf %gather3A_430, %gather3A_334 : vector<16xf32>
      %add3A_432 = arith.constant 16 : i32
      %add3A_433 = arith.addi %mul3A_403, %add3A_432 : i32
      %swap3A_434 = arith.index_cast %add3A_433 : i32 to index
      %swap3A_435 = tpu.vector_load %arg22[%swap3A_434] {strides = array<i32>} : memref<4096xf32, #tpu.memory_space<vmem>>, vector<16xf32>,
      tpu.vector_store %arg22[%swap3A_434], %sub3A_431 {strides = array<i32>} : memref<4096xf32, #tpu.memory_space<vmem>>, vector<16xf32>,
      %add3A_436 = arith.constant 1 : i32
      %add3A_437 = vector.broadcast %add3A_436 : i32 to vector<16xi32>
      %add3A_438 = arith.addi %mul3A_422, %add3A_437 : vector<16xi32>
      %gather3A_439 = tpu.vector_load_idx %arg9[%add3A_438] : memref<24576xf32, #tpu.memory_space<vmem>>[vector<16xi32>], vector<16xf32>,
      %sub3A_440 = arith.subf %gather3A_439, %gather3A_335 : vector<16xf32>
      %swap3A_441 = arith.index_cast %mul3A_403 : i32 to index
      %swap3A_442 = tpu.vector_load %arg23[%swap3A_441] {strides = array<i32>} : memref<4096xf32, #tpu.memory_space<vmem>>, vector<16xf32>,
      tpu.vector_store %arg23[%swap3A_441], %sub3A_440 {strides = array<i32>} : memref<4096xf32, #tpu.memory_space<vmem>>, vector<16xf32>,
      %add3A_443 = arith.constant 1 : i32
      %add3A_444 = vector.broadcast %add3A_443 : i32 to vector<16xi32>
      %add3A_445 = arith.addi %mul3A_425, %add3A_444 : vector<16xi32>
      %gather3A_446 = tpu.vector_load_idx %arg9[%add3A_445] : memref<24576xf32, #tpu.memory_space<vmem>>[vector<16xi32>], vector<16xf32>,
      %sub3A_447 = arith.subf %gather3A_446, %gather3A_335 : vector<16xf32>
      %add3A_448 = arith.constant 16 : i32
      %add3A_449 = arith.addi %mul3A_403, %add3A_448 : i32
      %swap3A_450 = arith.index_cast %add3A_449 : i32 to index
      %swap3A_451 = tpu.vector_load %arg23[%swap3A_450] {strides = array<i32>} : memref<4096xf32, #tpu.memory_space<vmem>>, vector<16xf32>,
      tpu.vector_store %arg23[%swap3A_450], %sub3A_447 {strides = array<i32>} : memref<4096xf32, #tpu.memory_space<vmem>>, vector<16xf32>,
      %add3A_452 = arith.constant 2 : i32
      %add3A_453 = vector.broadcast %add3A_452 : i32 to vector<16xi32>
      %add3A_454 = arith.addi %mul3A_422, %add3A_453 : vector<16xi32>
      %gather3A_455 = tpu.vector_load_idx %arg9[%add3A_454] : memref<24576xf32, #tpu.memory_space<vmem>>[vector<16xi32>], vector<16xf32>,
      %sub3A_456 = arith.subf %gather3A_455, %gather3A_336 : vector<16xf32>
      %swap3A_457 = arith.index_cast %mul3A_403 : i32 to index
      %swap3A_458 = tpu.vector_load %arg24[%swap3A_457] {strides = array<i32>} : memref<4096xf32, #tpu.memory_space<vmem>>, vector<16xf32>,
      tpu.vector_store %arg24[%swap3A_457], %sub3A_456 {strides = array<i32>} : memref<4096xf32, #tpu.memory_space<vmem>>, vector<16xf32>,
      %add3A_459 = arith.constant 2 : i32
      %add3A_460 = vector.broadcast %add3A_459 : i32 to vector<16xi32>
      %add3A_461 = arith.addi %mul3A_425, %add3A_460 : vector<16xi32>
      %gather3A_462 = tpu.vector_load_idx %arg9[%add3A_461] : memref<24576xf32, #tpu.memory_space<vmem>>[vector<16xi32>], vector<16xf32>,
      %sub3A_463 = arith.subf %gather3A_462, %gather3A_336 : vector<16xf32>
      %add3A_464 = arith.constant 16 : i32
      %add3A_465 = arith.addi %mul3A_403, %add3A_464 : i32
      %swap3A_466 = arith.index_cast %add3A_465 : i32 to index
      %swap3A_467 = tpu.vector_load %arg24[%swap3A_466] {strides = array<i32>} : memref<4096xf32, #tpu.memory_space<vmem>>, vector<16xf32>,
      tpu.vector_store %arg24[%swap3A_466], %sub3A_463 {strides = array<i32>} : memref<4096xf32, #tpu.memory_space<vmem>>, vector<16xf32>,
      %mul3A_468 = arith.constant 4 : i32
      %mul3A_469 = arith.muli %add3A_328, %mul3A_468 : i32
      %add3A_470 = arith.constant 1 : i32
      %add3A_471 = arith.addi %mul3A_469, %add3A_470 : i32
      %broadcast_in_dim3A_472 = vector.broadcast %add3A_471 : i32 to vector<16xi32>
      %gather3A_473 = tpu.vector_load_idx %arg15[%broadcast_in_dim3A_472] : memref<128xf32, #tpu.memory_space<vmem>>[vector<16xi32>], vector<16xf32>,
      %gather3A_474 = tpu.vector_load_idx %arg16[%broadcast_in_dim3A_472] : memref<128xf32, #tpu.memory_space<vmem>>[vector<16xi32>], vector<16xf32>,
      %gather3A_475 = tpu.vector_load_idx %arg17[%broadcast_in_dim3A_472] : memref<128xf32, #tpu.memory_space<vmem>>[vector<16xi32>], vector<16xf32>,
      %mul3A_476 = arith.mulf %gather3A_473, %gather3A_473 : vector<16xf32>
      %mul3A_477 = arith.mulf %gather3A_474, %gather3A_474 : vector<16xf32>
      %add3A_478 = arith.addf %mul3A_476, %mul3A_477 : vector<16xf32>
      %mul3A_479 = arith.mulf %gather3A_475, %gather3A_475 : vector<16xf32>
      %add3A_480 = arith.addf %add3A_478, %mul3A_479 : vector<16xf32>
      %bitcast3A_481 = vector.bitcast %gather3A_473 : vector<16xf32> to vector<16xi32>
      %shift_right_logical3A_482 = arith.constant 16 : i32
      %shift_right_logical3A_483 = vector.broadcast %shift_right_logical3A_482 : i32 to vector<16xi32>
      %shift_right_logical3A_484 = arith.shrui %bitcast3A_481, %shift_right_logical3A_483 : vector<16xi32>
      %and3A_485 = arith.constant 1 : i32
      %and3A_486 = vector.broadcast %and3A_485 : i32 to vector<16xi32>
      %and3A_487 = arith.andi %shift_right_logical3A_484, %and3A_486 : vector<16xi32>
      %add3A_488 = arith.constant 32767 : i32
      %add3A_489 = vector.broadcast %add3A_488 : i32 to vector<16xi32>
      %add3A_490 = arith.addi %bitcast3A_481, %add3A_489 : vector<16xi32>
      %add3A_491 = arith.addi %add3A_490, %and3A_487 : vector<16xi32>
      %and3A_492 = arith.constant -65536 : i32
      %and3A_493 = vector.broadcast %and3A_492 : i32 to vector<16xi32>
      %and3A_494 = arith.andi %add3A_491, %and3A_493 : vector<16xi32>
      %bitcast3A_495 = vector.bitcast %and3A_494 : vector<16xi32> to vector<16xf32>
      %bitcast3A_496 = vector.bitcast %gather3A_474 : vector<16xf32> to vector<16xi32>
      %shift_right_logical3A_497 = arith.constant 16 : i32
      %shift_right_logical3A_498 = vector.broadcast %shift_right_logical3A_497 : i32 to vector<16xi32>
      %shift_right_logical3A_499 = arith.shrui %bitcast3A_496, %shift_right_logical3A_498 : vector<16xi32>
      %and3A_500 = arith.constant 1 : i32
      %and3A_501 = vector.broadcast %and3A_500 : i32 to vector<16xi32>
      %and3A_502 = arith.andi %shift_right_logical3A_499, %and3A_501 : vector<16xi32>
      %add3A_503 = arith.constant 32767 : i32
      %add3A_504 = vector.broadcast %add3A_503 : i32 to vector<16xi32>
      %add3A_505 = arith.addi %bitcast3A_496, %add3A_504 : vector<16xi32>
      %add3A_506 = arith.addi %add3A_505, %and3A_502 : vector<16xi32>
      %and3A_507 = arith.constant -65536 : i32
      %and3A_508 = vector.broadcast %and3A_507 : i32 to vector<16xi32>
      %and3A_509 = arith.andi %add3A_506, %and3A_508 : vector<16xi32>
      %bitcast3A_510 = vector.bitcast %and3A_509 : vector<16xi32> to vector<16xf32>
      %bitcast3A_511 = vector.bitcast %gather3A_475 : vector<16xf32> to vector<16xi32>
      %shift_right_logical3A_512 = arith.constant 16 : i32
      %shift_right_logical3A_513 = vector.broadcast %shift_right_logical3A_512 : i32 to vector<16xi32>
      %shift_right_logical3A_514 = arith.shrui %bitcast3A_511, %shift_right_logical3A_513 : vector<16xi32>
      %and3A_515 = arith.constant 1 : i32
      %and3A_516 = vector.broadcast %and3A_515 : i32 to vector<16xi32>
      %and3A_517 = arith.andi %shift_right_logical3A_514, %and3A_516 : vector<16xi32>
      %add3A_518 = arith.constant 32767 : i32
      %add3A_519 = vector.broadcast %add3A_518 : i32 to vector<16xi32>
      %add3A_520 = arith.addi %bitcast3A_511, %add3A_519 : vector<16xi32>
      %add3A_521 = arith.addi %add3A_520, %and3A_517 : vector<16xi32>
      %and3A_522 = arith.constant -65536 : i32
      %and3A_523 = vector.broadcast %and3A_522 : i32 to vector<16xi32>
      %and3A_524 = arith.andi %add3A_521, %and3A_523 : vector<16xi32>
      %bitcast3A_525 = vector.bitcast %and3A_524 : vector<16xi32> to vector<16xf32>
      %while3A_526 = arith.constant 0 : i32
      %while3A_527 = arith.constant 0 : i32
      %while3A_528:2 = scf.while (%while3A_1521 = %while3A_526, %while3A_1522 = %while3A_527) : (i32, i32) -> (i32, i32) {
        %lt3A_1523 = arith.constant 512 : i32
        %lt3A_1524 = arith.cmpi slt, %while3A_1521, %lt3A_1523 : i32
        %lt3A_1525 = arith.constant 32 : i32
        %lt3A_1526 = arith.cmpi slt, %while3A_1522, %lt3A_1525 : i32
        %and3A_1527 = arith.andi %lt3A_1524, %lt3A_1526 : i1
        scf.condition(%and3A_1527) %while3A_1521, %while3A_1522 : i32, i32
      } do {
      ^bb0(%while3A_1521: i32, %while3A_1522: i32):
        %mul3A_1523 = arith.constant 16 : i32
        %mul3A_1524 = arith.muli %while3A_1521, %mul3A_1523 : i32
        %get3A_1525 = arith.index_cast %mul3A_1524 : i32 to index
        %get3A_1526 = tpu.vector_load %arg10[%get3A_1525] {strides = array<i32>} : memref<8192xf32, #tpu.memory_space<vmem>>, vector<16xf32>,
        %mul3A_1527 = arith.mulf %bitcast3A_495, %get3A_1526 : vector<16xf32>
        %mul3A_1528 = arith.constant 16 : i32
        %mul3A_1529 = arith.muli %while3A_1521, %mul3A_1528 : i32
        %get3A_1530 = arith.index_cast %mul3A_1529 : i32 to index
        %get3A_1531 = tpu.vector_load %arg11[%get3A_1530] {strides = array<i32>} : memref<8192xf32, #tpu.memory_space<vmem>>, vector<16xf32>,
        %mul3A_1532 = arith.mulf %bitcast3A_510, %get3A_1531 : vector<16xf32>
        %add3A_1533 = arith.addf %mul3A_1527, %mul3A_1532 : vector<16xf32>
        %mul3A_1534 = arith.constant 16 : i32
        %mul3A_1535 = arith.muli %while3A_1521, %mul3A_1534 : i32
        %get3A_1536 = arith.index_cast %mul3A_1535 : i32 to index
        %get3A_1537 = tpu.vector_load %arg12[%get3A_1536] {strides = array<i32>} : memref<8192xf32, #tpu.memory_space<vmem>>, vector<16xf32>,
        %mul3A_1538 = arith.mulf %bitcast3A_525, %get3A_1537 : vector<16xf32>
        %add3A_1539 = arith.addf %add3A_1533, %mul3A_1538 : vector<16xf32>
        %mul3A_1540 = arith.constant 16 : i32
        %mul3A_1541 = arith.muli %while3A_1521, %mul3A_1540 : i32
        %get3A_1542 = arith.index_cast %mul3A_1541 : i32 to index
        %get3A_1543 = tpu.vector_load %arg13[%get3A_1542] {strides = array<i32>} : memref<8192xf32, #tpu.memory_space<vmem>>, vector<16xf32>,
        %add3A_1544 = arith.addf %add3A_480, %get3A_1543 : vector<16xf32>
        %mul3A_1545 = arith.constant 2.000000e+00 : f32
        %mul3A_1546 = vector.broadcast %mul3A_1545 : f32 to vector<16xf32>
        %mul3A_1547 = arith.mulf %mul3A_1546, %add3A_1539 : vector<16xf32>
        %sub3A_1548 = arith.subf %add3A_1544, %mul3A_1547 : vector<16xf32>
        %lt3A_1549 = arith.constant 0.160000011 : f32
        %lt3A_1550 = vector.broadcast %lt3A_1549 : f32 to vector<16xf32>
        %lt3A_1551 = arith.cmpf olt, %sub3A_1548, %lt3A_1550 : vector<16xf32>
        %mul3A_1552 = arith.constant 16 : i32
        %mul3A_1553 = arith.muli %while3A_1521, %mul3A_1552 : i32
        %add3A_1554 = vector.broadcast %mul3A_1553 : i32 to vector<16xi32>
        %add3A_1555 = arith.addi %iota3A, %add3A_1554 : vector<16xi32>
        %swap3A_1556 = arith.index_cast %while3A_1522 : i32 to index
        %swap3A_1557 = tpu.vector_load %arg19[%swap3A_1556] masked %lt3A_1551 {strides = array<i32>} : memref<48xi32, #tpu.memory_space<vmem>>, vector<16xi32>, vector<16xi1>
        tpu.vector_store %arg19[%swap3A_1556], %add3A_1555 masked %lt3A_1551 {strides = array<i32>} : memref<48xi32, #tpu.memory_space<vmem>>, vector<16xi32>, vector<16xi1>
        %select_n3A_1558 = arith.select %lt3A_1551, %broadcast_in_dim3A_287, %broadcast_in_dim3A_285 : vector<16xi1>, vector<16xi32>
        %reduce_sum3A = arith.constant true
        %reduce_sum3A_1559 = vector.broadcast %reduce_sum3A : i1 to vector<16xi1>
        %reduce_sum3A_1560 = tpu.scan <sum>, %select_n3A_1558 masked %reduce_sum3A_1559 : vector<16xi32>, vector<16xi1> -> vector<16xi32>
        %reduce_sum3A_1561 = vector.extract %reduce_sum3A_1560[15] : i32 from vector<16xi32>
        %add3A_1562 = arith.addi %while3A_1522, %reduce_sum3A_1561 : i32
        %add3A_1563 = arith.constant 1 : i32
        %add3A_1564 = arith.addi %while3A_1521, %add3A_1563 : i32
        scf.yield %add3A_1564, %add3A_1562 : i32, i32
      }
      %get3A_529 = arith.constant 0 : index
      %get3A_530 = tpu.vector_load %arg19[%get3A_529] {strides = array<i32>} : memref<48xi32, #tpu.memory_space<vmem>>, vector<16xi32>,
      %get3A_531 = arith.constant 16 : index
      %get3A_532 = tpu.vector_load %arg19[%get3A_531] {strides = array<i32>} : memref<48xi32, #tpu.memory_space<vmem>>, vector<16xi32>,
      %broadcast_in_dim3A_533 = vector.broadcast %while3A_528#1 : i32 to vector<16xi32>
      %gather3A_534 = tpu.vector_load_idx %arg19[%broadcast_in_dim3A_285] : memref<48xi32, #tpu.memory_space<vmem>>[vector<16xi32>], vector<16xi32>,
      %gt3A_535 = arith.constant 0 : i32
      %gt3A_536 = vector.broadcast %gt3A_535 : i32 to vector<16xi32>
      %gt3A_537 = arith.cmpi sgt, %broadcast_in_dim3A_533, %gt3A_536 : vector<16xi32>
      %select_n3A_538 = arith.select %gt3A_537, %gather3A_534, %broadcast_in_dim3A_285 : vector<16xi1>, vector<16xi32>
      %lt3A_539 = arith.cmpi slt, %iota3A, %broadcast_in_dim3A_533 : vector<16xi32>
      %select_n3A_540 = arith.select %lt3A_539, %get3A_530, %select_n3A_538 : vector<16xi1>, vector<16xi32>
      %add3A_541 = arith.constant 16 : i32
      %add3A_542 = vector.broadcast %add3A_541 : i32 to vector<16xi32>
      %add3A_543 = arith.addi %iota3A, %add3A_542 : vector<16xi32>
      %lt3A_544 = arith.cmpi slt, %add3A_543, %broadcast_in_dim3A_533 : vector<16xi32>
      %select_n3A_545 = arith.select %lt3A_544, %get3A_532, %select_n3A_538 : vector<16xi1>, vector<16xi32>
      %mul3A_546 = arith.constant 32 : i32
      %mul3A_547 = arith.muli %add3A_471, %mul3A_546 : i32
      %swap3A_548 = arith.index_cast %mul3A_547 : i32 to index
      %swap3A_549 = tpu.vector_load %arg20[%swap3A_548] {strides = array<i32>} : memref<4096xi32, #tpu.memory_space<vmem>>, vector<16xi32>,
      tpu.vector_store %arg20[%swap3A_548], %select_n3A_540 {strides = array<i32>} : memref<4096xi32, #tpu.memory_space<vmem>>, vector<16xi32>,
      %add3A_550 = arith.constant 16 : i32
      %add3A_551 = arith.addi %mul3A_547, %add3A_550 : i32
      %swap3A_552 = arith.index_cast %add3A_551 : i32 to index
      %swap3A_553 = tpu.vector_load %arg20[%swap3A_552] {strides = array<i32>} : memref<4096xi32, #tpu.memory_space<vmem>>, vector<16xi32>,
      tpu.vector_store %arg20[%swap3A_552], %select_n3A_545 {strides = array<i32>} : memref<4096xi32, #tpu.memory_space<vmem>>, vector<16xi32>,
      %add3A_554 = vector.broadcast %mul3A_289 : i32 to vector<16xi32>
      %add3A_555 = arith.addi %select_n3A_540, %add3A_554 : vector<16xi32>
      %swap3A_556 = arith.index_cast %add3A_328 : i32 to index
      %swap3A_557 = arith.constant 32 : index
      %swap3A_558 = tpu.vector_load %arg21[%swap3A_556, %swap3A_557] {strides = array<i32>} : memref<32x128xi32, #tpu.memory_space<vmem>>, vector<16xi32>,
      tpu.vector_store %arg21[%swap3A_556, %swap3A_557], %add3A_555 {strides = array<i32>} : memref<32x128xi32, #tpu.memory_space<vmem>>, vector<16xi32>,
      %add3A_559 = vector.broadcast %mul3A_289 : i32 to vector<16xi32>
      %add3A_560 = arith.addi %select_n3A_545, %add3A_559 : vector<16xi32>
      %swap3A_561 = arith.index_cast %add3A_328 : i32 to index
      %swap3A_562 = arith.constant 48 : index
      %swap3A_563 = tpu.vector_load %arg21[%swap3A_561, %swap3A_562] {strides = array<i32>} : memref<32x128xi32, #tpu.memory_space<vmem>>, vector<16xi32>,
      tpu.vector_store %arg21[%swap3A_561, %swap3A_562], %add3A_560 {strides = array<i32>} : memref<32x128xi32, #tpu.memory_space<vmem>>, vector<16xi32>,
      %mul3A_564 = arith.constant 3 : i32
      %mul3A_565 = vector.broadcast %mul3A_564 : i32 to vector<16xi32>
      %mul3A_566 = arith.muli %select_n3A_540, %mul3A_565 : vector<16xi32>
      %mul3A_567 = arith.constant 3 : i32
      %mul3A_568 = vector.broadcast %mul3A_567 : i32 to vector<16xi32>
      %mul3A_569 = arith.muli %select_n3A_545, %mul3A_568 : vector<16xi32>
      %gather3A_570 = tpu.vector_load_idx %arg9[%mul3A_566] : memref<24576xf32, #tpu.memory_space<vmem>>[vector<16xi32>], vector<16xf32>,
      %sub3A_571 = arith.subf %gather3A_570, %gather3A_473 : vector<16xf32>
      %swap3A_572 = arith.index_cast %mul3A_547 : i32 to index
      %swap3A_573 = tpu.vector_load %arg22[%swap3A_572] {strides = array<i32>} : memref<4096xf32, #tpu.memory_space<vmem>>, vector<16xf32>,
      tpu.vector_store %arg22[%swap3A_572], %sub3A_571 {strides = array<i32>} : memref<4096xf32, #tpu.memory_space<vmem>>, vector<16xf32>,
      %gather3A_574 = tpu.vector_load_idx %arg9[%mul3A_569] : memref<24576xf32, #tpu.memory_space<vmem>>[vector<16xi32>], vector<16xf32>,
      %sub3A_575 = arith.subf %gather3A_574, %gather3A_473 : vector<16xf32>
      %add3A_576 = arith.constant 16 : i32
      %add3A_577 = arith.addi %mul3A_547, %add3A_576 : i32
      %swap3A_578 = arith.index_cast %add3A_577 : i32 to index
      %swap3A_579 = tpu.vector_load %arg22[%swap3A_578] {strides = array<i32>} : memref<4096xf32, #tpu.memory_space<vmem>>, vector<16xf32>,
      tpu.vector_store %arg22[%swap3A_578], %sub3A_575 {strides = array<i32>} : memref<4096xf32, #tpu.memory_space<vmem>>, vector<16xf32>,
      %add3A_580 = arith.constant 1 : i32
      %add3A_581 = vector.broadcast %add3A_580 : i32 to vector<16xi32>
      %add3A_582 = arith.addi %mul3A_566, %add3A_581 : vector<16xi32>
      %gather3A_583 = tpu.vector_load_idx %arg9[%add3A_582] : memref<24576xf32, #tpu.memory_space<vmem>>[vector<16xi32>], vector<16xf32>,
      %sub3A_584 = arith.subf %gather3A_583, %gather3A_474 : vector<16xf32>
      %swap3A_585 = arith.index_cast %mul3A_547 : i32 to index
      %swap3A_586 = tpu.vector_load %arg23[%swap3A_585] {strides = array<i32>} : memref<4096xf32, #tpu.memory_space<vmem>>, vector<16xf32>,
      tpu.vector_store %arg23[%swap3A_585], %sub3A_584 {strides = array<i32>} : memref<4096xf32, #tpu.memory_space<vmem>>, vector<16xf32>,
      %add3A_587 = arith.constant 1 : i32
      %add3A_588 = vector.broadcast %add3A_587 : i32 to vector<16xi32>
      %add3A_589 = arith.addi %mul3A_569, %add3A_588 : vector<16xi32>
      %gather3A_590 = tpu.vector_load_idx %arg9[%add3A_589] : memref<24576xf32, #tpu.memory_space<vmem>>[vector<16xi32>], vector<16xf32>,
      %sub3A_591 = arith.subf %gather3A_590, %gather3A_474 : vector<16xf32>
      %add3A_592 = arith.constant 16 : i32
      %add3A_593 = arith.addi %mul3A_547, %add3A_592 : i32
      %swap3A_594 = arith.index_cast %add3A_593 : i32 to index
      %swap3A_595 = tpu.vector_load %arg23[%swap3A_594] {strides = array<i32>} : memref<4096xf32, #tpu.memory_space<vmem>>, vector<16xf32>,
      tpu.vector_store %arg23[%swap3A_594], %sub3A_591 {strides = array<i32>} : memref<4096xf32, #tpu.memory_space<vmem>>, vector<16xf32>,
      %add3A_596 = arith.constant 2 : i32
      %add3A_597 = vector.broadcast %add3A_596 : i32 to vector<16xi32>
      %add3A_598 = arith.addi %mul3A_566, %add3A_597 : vector<16xi32>
      %gather3A_599 = tpu.vector_load_idx %arg9[%add3A_598] : memref<24576xf32, #tpu.memory_space<vmem>>[vector<16xi32>], vector<16xf32>,
      %sub3A_600 = arith.subf %gather3A_599, %gather3A_475 : vector<16xf32>
      %swap3A_601 = arith.index_cast %mul3A_547 : i32 to index
      %swap3A_602 = tpu.vector_load %arg24[%swap3A_601] {strides = array<i32>} : memref<4096xf32, #tpu.memory_space<vmem>>, vector<16xf32>,
      tpu.vector_store %arg24[%swap3A_601], %sub3A_600 {strides = array<i32>} : memref<4096xf32, #tpu.memory_space<vmem>>, vector<16xf32>,
      %add3A_603 = arith.constant 2 : i32
      %add3A_604 = vector.broadcast %add3A_603 : i32 to vector<16xi32>
      %add3A_605 = arith.addi %mul3A_569, %add3A_604 : vector<16xi32>
      %gather3A_606 = tpu.vector_load_idx %arg9[%add3A_605] : memref<24576xf32, #tpu.memory_space<vmem>>[vector<16xi32>], vector<16xf32>,
      %sub3A_607 = arith.subf %gather3A_606, %gather3A_475 : vector<16xf32>
      %add3A_608 = arith.constant 16 : i32
      %add3A_609 = arith.addi %mul3A_547, %add3A_608 : i32
      %swap3A_610 = arith.index_cast %add3A_609 : i32 to index
      %swap3A_611 = tpu.vector_load %arg24[%swap3A_610] {strides = array<i32>} : memref<4096xf32, #tpu.memory_space<vmem>>, vector<16xf32>,
      tpu.vector_store %arg24[%swap3A_610], %sub3A_607 {strides = array<i32>} : memref<4096xf32, #tpu.memory_space<vmem>>, vector<16xf32>,
      %mul3A_612 = arith.constant 4 : i32
      %mul3A_613 = arith.muli %add3A_328, %mul3A_612 : i32
      %add3A_614 = arith.constant 2 : i32
      %add3A_615 = arith.addi %mul3A_613, %add3A_614 : i32
      %broadcast_in_dim3A_616 = vector.broadcast %add3A_615 : i32 to vector<16xi32>
      %gather3A_617 = tpu.vector_load_idx %arg15[%broadcast_in_dim3A_616] : memref<128xf32, #tpu.memory_space<vmem>>[vector<16xi32>], vector<16xf32>,
      %gather3A_618 = tpu.vector_load_idx %arg16[%broadcast_in_dim3A_616] : memref<128xf32, #tpu.memory_space<vmem>>[vector<16xi32>], vector<16xf32>,
      %gather3A_619 = tpu.vector_load_idx %arg17[%broadcast_in_dim3A_616] : memref<128xf32, #tpu.memory_space<vmem>>[vector<16xi32>], vector<16xf32>,
      %mul3A_620 = arith.mulf %gather3A_617, %gather3A_617 : vector<16xf32>
      %mul3A_621 = arith.mulf %gather3A_618, %gather3A_618 : vector<16xf32>
      %add3A_622 = arith.addf %mul3A_620, %mul3A_621 : vector<16xf32>
      %mul3A_623 = arith.mulf %gather3A_619, %gather3A_619 : vector<16xf32>
      %add3A_624 = arith.addf %add3A_622, %mul3A_623 : vector<16xf32>
      %bitcast3A_625 = vector.bitcast %gather3A_617 : vector<16xf32> to vector<16xi32>
      %shift_right_logical3A_626 = arith.constant 16 : i32
      %shift_right_logical3A_627 = vector.broadcast %shift_right_logical3A_626 : i32 to vector<16xi32>
      %shift_right_logical3A_628 = arith.shrui %bitcast3A_625, %shift_right_logical3A_627 : vector<16xi32>
      %and3A_629 = arith.constant 1 : i32
      %and3A_630 = vector.broadcast %and3A_629 : i32 to vector<16xi32>
      %and3A_631 = arith.andi %shift_right_logical3A_628, %and3A_630 : vector<16xi32>
      %add3A_632 = arith.constant 32767 : i32
      %add3A_633 = vector.broadcast %add3A_632 : i32 to vector<16xi32>
      %add3A_634 = arith.addi %bitcast3A_625, %add3A_633 : vector<16xi32>
      %add3A_635 = arith.addi %add3A_634, %and3A_631 : vector<16xi32>
      %and3A_636 = arith.constant -65536 : i32
      %and3A_637 = vector.broadcast %and3A_636 : i32 to vector<16xi32>
      %and3A_638 = arith.andi %add3A_635, %and3A_637 : vector<16xi32>
      %bitcast3A_639 = vector.bitcast %and3A_638 : vector<16xi32> to vector<16xf32>
      %bitcast3A_640 = vector.bitcast %gather3A_618 : vector<16xf32> to vector<16xi32>
      %shift_right_logical3A_641 = arith.constant 16 : i32
      %shift_right_logical3A_642 = vector.broadcast %shift_right_logical3A_641 : i32 to vector<16xi32>
      %shift_right_logical3A_643 = arith.shrui %bitcast3A_640, %shift_right_logical3A_642 : vector<16xi32>
      %and3A_644 = arith.constant 1 : i32
      %and3A_645 = vector.broadcast %and3A_644 : i32 to vector<16xi32>
      %and3A_646 = arith.andi %shift_right_logical3A_643, %and3A_645 : vector<16xi32>
      %add3A_647 = arith.constant 32767 : i32
      %add3A_648 = vector.broadcast %add3A_647 : i32 to vector<16xi32>
      %add3A_649 = arith.addi %bitcast3A_640, %add3A_648 : vector<16xi32>
      %add3A_650 = arith.addi %add3A_649, %and3A_646 : vector<16xi32>
      %and3A_651 = arith.constant -65536 : i32
      %and3A_652 = vector.broadcast %and3A_651 : i32 to vector<16xi32>
      %and3A_653 = arith.andi %add3A_650, %and3A_652 : vector<16xi32>
      %bitcast3A_654 = vector.bitcast %and3A_653 : vector<16xi32> to vector<16xf32>
      %bitcast3A_655 = vector.bitcast %gather3A_619 : vector<16xf32> to vector<16xi32>
      %shift_right_logical3A_656 = arith.constant 16 : i32
      %shift_right_logical3A_657 = vector.broadcast %shift_right_logical3A_656 : i32 to vector<16xi32>
      %shift_right_logical3A_658 = arith.shrui %bitcast3A_655, %shift_right_logical3A_657 : vector<16xi32>
      %and3A_659 = arith.constant 1 : i32
      %and3A_660 = vector.broadcast %and3A_659 : i32 to vector<16xi32>
      %and3A_661 = arith.andi %shift_right_logical3A_658, %and3A_660 : vector<16xi32>
      %add3A_662 = arith.constant 32767 : i32
      %add3A_663 = vector.broadcast %add3A_662 : i32 to vector<16xi32>
      %add3A_664 = arith.addi %bitcast3A_655, %add3A_663 : vector<16xi32>
      %add3A_665 = arith.addi %add3A_664, %and3A_661 : vector<16xi32>
      %and3A_666 = arith.constant -65536 : i32
      %and3A_667 = vector.broadcast %and3A_666 : i32 to vector<16xi32>
      %and3A_668 = arith.andi %add3A_665, %and3A_667 : vector<16xi32>
      %bitcast3A_669 = vector.bitcast %and3A_668 : vector<16xi32> to vector<16xf32>
      %while3A_670 = arith.constant 0 : i32
      %while3A_671 = arith.constant 0 : i32
      %while3A_672:2 = scf.while (%while3A_1521 = %while3A_670, %while3A_1522 = %while3A_671) : (i32, i32) -> (i32, i32) {
        %lt3A_1523 = arith.constant 512 : i32
        %lt3A_1524 = arith.cmpi slt, %while3A_1521, %lt3A_1523 : i32
        %lt3A_1525 = arith.constant 32 : i32
        %lt3A_1526 = arith.cmpi slt, %while3A_1522, %lt3A_1525 : i32
        %and3A_1527 = arith.andi %lt3A_1524, %lt3A_1526 : i1
        scf.condition(%and3A_1527) %while3A_1521, %while3A_1522 : i32, i32
      } do {
      ^bb0(%while3A_1521: i32, %while3A_1522: i32):
        %mul3A_1523 = arith.constant 16 : i32
        %mul3A_1524 = arith.muli %while3A_1521, %mul3A_1523 : i32
        %get3A_1525 = arith.index_cast %mul3A_1524 : i32 to index
        %get3A_1526 = tpu.vector_load %arg10[%get3A_1525] {strides = array<i32>} : memref<8192xf32, #tpu.memory_space<vmem>>, vector<16xf32>,
        %mul3A_1527 = arith.mulf %bitcast3A_639, %get3A_1526 : vector<16xf32>
        %mul3A_1528 = arith.constant 16 : i32
        %mul3A_1529 = arith.muli %while3A_1521, %mul3A_1528 : i32
        %get3A_1530 = arith.index_cast %mul3A_1529 : i32 to index
        %get3A_1531 = tpu.vector_load %arg11[%get3A_1530] {strides = array<i32>} : memref<8192xf32, #tpu.memory_space<vmem>>, vector<16xf32>,
        %mul3A_1532 = arith.mulf %bitcast3A_654, %get3A_1531 : vector<16xf32>
        %add3A_1533 = arith.addf %mul3A_1527, %mul3A_1532 : vector<16xf32>
        %mul3A_1534 = arith.constant 16 : i32
        %mul3A_1535 = arith.muli %while3A_1521, %mul3A_1534 : i32
        %get3A_1536 = arith.index_cast %mul3A_1535 : i32 to index
        %get3A_1537 = tpu.vector_load %arg12[%get3A_1536] {strides = array<i32>} : memref<8192xf32, #tpu.memory_space<vmem>>, vector<16xf32>,
        %mul3A_1538 = arith.mulf %bitcast3A_669, %get3A_1537 : vector<16xf32>
        %add3A_1539 = arith.addf %add3A_1533, %mul3A_1538 : vector<16xf32>
        %mul3A_1540 = arith.constant 16 : i32
        %mul3A_1541 = arith.muli %while3A_1521, %mul3A_1540 : i32
        %get3A_1542 = arith.index_cast %mul3A_1541 : i32 to index
        %get3A_1543 = tpu.vector_load %arg13[%get3A_1542] {strides = array<i32>} : memref<8192xf32, #tpu.memory_space<vmem>>, vector<16xf32>,
        %add3A_1544 = arith.addf %add3A_624, %get3A_1543 : vector<16xf32>
        %mul3A_1545 = arith.constant 2.000000e+00 : f32
        %mul3A_1546 = vector.broadcast %mul3A_1545 : f32 to vector<16xf32>
        %mul3A_1547 = arith.mulf %mul3A_1546, %add3A_1539 : vector<16xf32>
        %sub3A_1548 = arith.subf %add3A_1544, %mul3A_1547 : vector<16xf32>
        %lt3A_1549 = arith.constant 0.160000011 : f32
        %lt3A_1550 = vector.broadcast %lt3A_1549 : f32 to vector<16xf32>
        %lt3A_1551 = arith.cmpf olt, %sub3A_1548, %lt3A_1550 : vector<16xf32>
        %mul3A_1552 = arith.constant 16 : i32
        %mul3A_1553 = arith.muli %while3A_1521, %mul3A_1552 : i32
        %add3A_1554 = vector.broadcast %mul3A_1553 : i32 to vector<16xi32>
        %add3A_1555 = arith.addi %iota3A, %add3A_1554 : vector<16xi32>
        %swap3A_1556 = arith.index_cast %while3A_1522 : i32 to index
        %swap3A_1557 = tpu.vector_load %arg19[%swap3A_1556] masked %lt3A_1551 {strides = array<i32>} : memref<48xi32, #tpu.memory_space<vmem>>, vector<16xi32>, vector<16xi1>
        tpu.vector_store %arg19[%swap3A_1556], %add3A_1555 masked %lt3A_1551 {strides = array<i32>} : memref<48xi32, #tpu.memory_space<vmem>>, vector<16xi32>, vector<16xi1>
        %select_n3A_1558 = arith.select %lt3A_1551, %broadcast_in_dim3A_287, %broadcast_in_dim3A_285 : vector<16xi1>, vector<16xi32>
        %reduce_sum3A = arith.constant true
        %reduce_sum3A_1559 = vector.broadcast %reduce_sum3A : i1 to vector<16xi1>
        %reduce_sum3A_1560 = tpu.scan <sum>, %select_n3A_1558 masked %reduce_sum3A_1559 : vector<16xi32>, vector<16xi1> -> vector<16xi32>
        %reduce_sum3A_1561 = vector.extract %reduce_sum3A_1560[15] : i32 from vector<16xi32>
        %add3A_1562 = arith.addi %while3A_1522, %reduce_sum3A_1561 : i32
        %add3A_1563 = arith.constant 1 : i32
        %add3A_1564 = arith.addi %while3A_1521, %add3A_1563 : i32
        scf.yield %add3A_1564, %add3A_1562 : i32, i32
      }
      %get3A_673 = arith.constant 0 : index
      %get3A_674 = tpu.vector_load %arg19[%get3A_673] {strides = array<i32>} : memref<48xi32, #tpu.memory_space<vmem>>, vector<16xi32>,
      %get3A_675 = arith.constant 16 : index
      %get3A_676 = tpu.vector_load %arg19[%get3A_675] {strides = array<i32>} : memref<48xi32, #tpu.memory_space<vmem>>, vector<16xi32>,
      %broadcast_in_dim3A_677 = vector.broadcast %while3A_672#1 : i32 to vector<16xi32>
      %gather3A_678 = tpu.vector_load_idx %arg19[%broadcast_in_dim3A_285] : memref<48xi32, #tpu.memory_space<vmem>>[vector<16xi32>], vector<16xi32>,
      %gt3A_679 = arith.constant 0 : i32
      %gt3A_680 = vector.broadcast %gt3A_679 : i32 to vector<16xi32>
      %gt3A_681 = arith.cmpi sgt, %broadcast_in_dim3A_677, %gt3A_680 : vector<16xi32>
      %select_n3A_682 = arith.select %gt3A_681, %gather3A_678, %broadcast_in_dim3A_285 : vector<16xi1>, vector<16xi32>
      %lt3A_683 = arith.cmpi slt, %iota3A, %broadcast_in_dim3A_677 : vector<16xi32>
      %select_n3A_684 = arith.select %lt3A_683, %get3A_674, %select_n3A_682 : vector<16xi1>, vector<16xi32>
      %add3A_685 = arith.constant 16 : i32
      %add3A_686 = vector.broadcast %add3A_685 : i32 to vector<16xi32>
      %add3A_687 = arith.addi %iota3A, %add3A_686 : vector<16xi32>
      %lt3A_688 = arith.cmpi slt, %add3A_687, %broadcast_in_dim3A_677 : vector<16xi32>
      %select_n3A_689 = arith.select %lt3A_688, %get3A_676, %select_n3A_682 : vector<16xi1>, vector<16xi32>
      %mul3A_690 = arith.constant 32 : i32
      %mul3A_691 = arith.muli %add3A_615, %mul3A_690 : i32
      %swap3A_692 = arith.index_cast %mul3A_691 : i32 to index
      %swap3A_693 = tpu.vector_load %arg20[%swap3A_692] {strides = array<i32>} : memref<4096xi32, #tpu.memory_space<vmem>>, vector<16xi32>,
      tpu.vector_store %arg20[%swap3A_692], %select_n3A_684 {strides = array<i32>} : memref<4096xi32, #tpu.memory_space<vmem>>, vector<16xi32>,
      %add3A_694 = arith.constant 16 : i32
      %add3A_695 = arith.addi %mul3A_691, %add3A_694 : i32
      %swap3A_696 = arith.index_cast %add3A_695 : i32 to index
      %swap3A_697 = tpu.vector_load %arg20[%swap3A_696] {strides = array<i32>} : memref<4096xi32, #tpu.memory_space<vmem>>, vector<16xi32>,
      tpu.vector_store %arg20[%swap3A_696], %select_n3A_689 {strides = array<i32>} : memref<4096xi32, #tpu.memory_space<vmem>>, vector<16xi32>,
      %add3A_698 = vector.broadcast %mul3A_289 : i32 to vector<16xi32>
      %add3A_699 = arith.addi %select_n3A_684, %add3A_698 : vector<16xi32>
      %swap3A_700 = arith.index_cast %add3A_328 : i32 to index
      %swap3A_701 = arith.constant 64 : index
      %swap3A_702 = tpu.vector_load %arg21[%swap3A_700, %swap3A_701] {strides = array<i32>} : memref<32x128xi32, #tpu.memory_space<vmem>>, vector<16xi32>,
      tpu.vector_store %arg21[%swap3A_700, %swap3A_701], %add3A_699 {strides = array<i32>} : memref<32x128xi32, #tpu.memory_space<vmem>>, vector<16xi32>,
      %add3A_703 = vector.broadcast %mul3A_289 : i32 to vector<16xi32>
      %add3A_704 = arith.addi %select_n3A_689, %add3A_703 : vector<16xi32>
      %swap3A_705 = arith.index_cast %add3A_328 : i32 to index
      %swap3A_706 = arith.constant 80 : index
      %swap3A_707 = tpu.vector_load %arg21[%swap3A_705, %swap3A_706] {strides = array<i32>} : memref<32x128xi32, #tpu.memory_space<vmem>>, vector<16xi32>,
      tpu.vector_store %arg21[%swap3A_705, %swap3A_706], %add3A_704 {strides = array<i32>} : memref<32x128xi32, #tpu.memory_space<vmem>>, vector<16xi32>,
      %mul3A_708 = arith.constant 3 : i32
      %mul3A_709 = vector.broadcast %mul3A_708 : i32 to vector<16xi32>
      %mul3A_710 = arith.muli %select_n3A_684, %mul3A_709 : vector<16xi32>
      %mul3A_711 = arith.constant 3 : i32
      %mul3A_712 = vector.broadcast %mul3A_711 : i32 to vector<16xi32>
      %mul3A_713 = arith.muli %select_n3A_689, %mul3A_712 : vector<16xi32>
      %gather3A_714 = tpu.vector_load_idx %arg9[%mul3A_710] : memref<24576xf32, #tpu.memory_space<vmem>>[vector<16xi32>], vector<16xf32>,
      %sub3A_715 = arith.subf %gather3A_714, %gather3A_617 : vector<16xf32>
      %swap3A_716 = arith.index_cast %mul3A_691 : i32 to index
      %swap3A_717 = tpu.vector_load %arg22[%swap3A_716] {strides = array<i32>} : memref<4096xf32, #tpu.memory_space<vmem>>, vector<16xf32>,
      tpu.vector_store %arg22[%swap3A_716], %sub3A_715 {strides = array<i32>} : memref<4096xf32, #tpu.memory_space<vmem>>, vector<16xf32>,
      %gather3A_718 = tpu.vector_load_idx %arg9[%mul3A_713] : memref<24576xf32, #tpu.memory_space<vmem>>[vector<16xi32>], vector<16xf32>,
      %sub3A_719 = arith.subf %gather3A_718, %gather3A_617 : vector<16xf32>
      %add3A_720 = arith.constant 16 : i32
      %add3A_721 = arith.addi %mul3A_691, %add3A_720 : i32
      %swap3A_722 = arith.index_cast %add3A_721 : i32 to index
      %swap3A_723 = tpu.vector_load %arg22[%swap3A_722] {strides = array<i32>} : memref<4096xf32, #tpu.memory_space<vmem>>, vector<16xf32>,
      tpu.vector_store %arg22[%swap3A_722], %sub3A_719 {strides = array<i32>} : memref<4096xf32, #tpu.memory_space<vmem>>, vector<16xf32>,
      %add3A_724 = arith.constant 1 : i32
      %add3A_725 = vector.broadcast %add3A_724 : i32 to vector<16xi32>
      %add3A_726 = arith.addi %mul3A_710, %add3A_725 : vector<16xi32>
      %gather3A_727 = tpu.vector_load_idx %arg9[%add3A_726] : memref<24576xf32, #tpu.memory_space<vmem>>[vector<16xi32>], vector<16xf32>,
      %sub3A_728 = arith.subf %gather3A_727, %gather3A_618 : vector<16xf32>
      %swap3A_729 = arith.index_cast %mul3A_691 : i32 to index
      %swap3A_730 = tpu.vector_load %arg23[%swap3A_729] {strides = array<i32>} : memref<4096xf32, #tpu.memory_space<vmem>>, vector<16xf32>,
      tpu.vector_store %arg23[%swap3A_729], %sub3A_728 {strides = array<i32>} : memref<4096xf32, #tpu.memory_space<vmem>>, vector<16xf32>,
      %add3A_731 = arith.constant 1 : i32
      %add3A_732 = vector.broadcast %add3A_731 : i32 to vector<16xi32>
      %add3A_733 = arith.addi %mul3A_713, %add3A_732 : vector<16xi32>
      %gather3A_734 = tpu.vector_load_idx %arg9[%add3A_733] : memref<24576xf32, #tpu.memory_space<vmem>>[vector<16xi32>], vector<16xf32>,
      %sub3A_735 = arith.subf %gather3A_734, %gather3A_618 : vector<16xf32>
      %add3A_736 = arith.constant 16 : i32
      %add3A_737 = arith.addi %mul3A_691, %add3A_736 : i32
      %swap3A_738 = arith.index_cast %add3A_737 : i32 to index
      %swap3A_739 = tpu.vector_load %arg23[%swap3A_738] {strides = array<i32>} : memref<4096xf32, #tpu.memory_space<vmem>>, vector<16xf32>,
      tpu.vector_store %arg23[%swap3A_738], %sub3A_735 {strides = array<i32>} : memref<4096xf32, #tpu.memory_space<vmem>>, vector<16xf32>,
      %add3A_740 = arith.constant 2 : i32
      %add3A_741 = vector.broadcast %add3A_740 : i32 to vector<16xi32>
      %add3A_742 = arith.addi %mul3A_710, %add3A_741 : vector<16xi32>
      %gather3A_743 = tpu.vector_load_idx %arg9[%add3A_742] : memref<24576xf32, #tpu.memory_space<vmem>>[vector<16xi32>], vector<16xf32>,
      %sub3A_744 = arith.subf %gather3A_743, %gather3A_619 : vector<16xf32>
      %swap3A_745 = arith.index_cast %mul3A_691 : i32 to index
      %swap3A_746 = tpu.vector_load %arg24[%swap3A_745] {strides = array<i32>} : memref<4096xf32, #tpu.memory_space<vmem>>, vector<16xf32>,
      tpu.vector_store %arg24[%swap3A_745], %sub3A_744 {strides = array<i32>} : memref<4096xf32, #tpu.memory_space<vmem>>, vector<16xf32>,
      %add3A_747 = arith.constant 2 : i32
      %add3A_748 = vector.broadcast %add3A_747 : i32 to vector<16xi32>
      %add3A_749 = arith.addi %mul3A_713, %add3A_748 : vector<16xi32>
      %gather3A_750 = tpu.vector_load_idx %arg9[%add3A_749] : memref<24576xf32, #tpu.memory_space<vmem>>[vector<16xi32>], vector<16xf32>,
      %sub3A_751 = arith.subf %gather3A_750, %gather3A_619 : vector<16xf32>
      %add3A_752 = arith.constant 16 : i32
      %add3A_753 = arith.addi %mul3A_691, %add3A_752 : i32
      %swap3A_754 = arith.index_cast %add3A_753 : i32 to index
      %swap3A_755 = tpu.vector_load %arg24[%swap3A_754] {strides = array<i32>} : memref<4096xf32, #tpu.memory_space<vmem>>, vector<16xf32>,
      tpu.vector_store %arg24[%swap3A_754], %sub3A_751 {strides = array<i32>} : memref<4096xf32, #tpu.memory_space<vmem>>, vector<16xf32>,
      %mul3A_756 = arith.constant 4 : i32
      %mul3A_757 = arith.muli %add3A_328, %mul3A_756 : i32
      %add3A_758 = arith.constant 3 : i32
      %add3A_759 = arith.addi %mul3A_757, %add3A_758 : i32
      %broadcast_in_dim3A_760 = vector.broadcast %add3A_759 : i32 to vector<16xi32>
      %gather3A_761 = tpu.vector_load_idx %arg15[%broadcast_in_dim3A_760] : memref<128xf32, #tpu.memory_space<vmem>>[vector<16xi32>], vector<16xf32>,
      %gather3A_762 = tpu.vector_load_idx %arg16[%broadcast_in_dim3A_760] : memref<128xf32, #tpu.memory_space<vmem>>[vector<16xi32>], vector<16xf32>,
      %gather3A_763 = tpu.vector_load_idx %arg17[%broadcast_in_dim3A_760] : memref<128xf32, #tpu.memory_space<vmem>>[vector<16xi32>], vector<16xf32>,
      %mul3A_764 = arith.mulf %gather3A_761, %gather3A_761 : vector<16xf32>
      %mul3A_765 = arith.mulf %gather3A_762, %gather3A_762 : vector<16xf32>
      %add3A_766 = arith.addf %mul3A_764, %mul3A_765 : vector<16xf32>
      %mul3A_767 = arith.mulf %gather3A_763, %gather3A_763 : vector<16xf32>
      %add3A_768 = arith.addf %add3A_766, %mul3A_767 : vector<16xf32>
      %bitcast3A_769 = vector.bitcast %gather3A_761 : vector<16xf32> to vector<16xi32>
      %shift_right_logical3A_770 = arith.constant 16 : i32
      %shift_right_logical3A_771 = vector.broadcast %shift_right_logical3A_770 : i32 to vector<16xi32>
      %shift_right_logical3A_772 = arith.shrui %bitcast3A_769, %shift_right_logical3A_771 : vector<16xi32>
      %and3A_773 = arith.constant 1 : i32
      %and3A_774 = vector.broadcast %and3A_773 : i32 to vector<16xi32>
      %and3A_775 = arith.andi %shift_right_logical3A_772, %and3A_774 : vector<16xi32>
      %add3A_776 = arith.constant 32767 : i32
      %add3A_777 = vector.broadcast %add3A_776 : i32 to vector<16xi32>
      %add3A_778 = arith.addi %bitcast3A_769, %add3A_777 : vector<16xi32>
      %add3A_779 = arith.addi %add3A_778, %and3A_775 : vector<16xi32>
      %and3A_780 = arith.constant -65536 : i32
      %and3A_781 = vector.broadcast %and3A_780 : i32 to vector<16xi32>
      %and3A_782 = arith.andi %add3A_779, %and3A_781 : vector<16xi32>
      %bitcast3A_783 = vector.bitcast %and3A_782 : vector<16xi32> to vector<16xf32>
      %bitcast3A_784 = vector.bitcast %gather3A_762 : vector<16xf32> to vector<16xi32>
      %shift_right_logical3A_785 = arith.constant 16 : i32
      %shift_right_logical3A_786 = vector.broadcast %shift_right_logical3A_785 : i32 to vector<16xi32>
      %shift_right_logical3A_787 = arith.shrui %bitcast3A_784, %shift_right_logical3A_786 : vector<16xi32>
      %and3A_788 = arith.constant 1 : i32
      %and3A_789 = vector.broadcast %and3A_788 : i32 to vector<16xi32>
      %and3A_790 = arith.andi %shift_right_logical3A_787, %and3A_789 : vector<16xi32>
      %add3A_791 = arith.constant 32767 : i32
      %add3A_792 = vector.broadcast %add3A_791 : i32 to vector<16xi32>
      %add3A_793 = arith.addi %bitcast3A_784, %add3A_792 : vector<16xi32>
      %add3A_794 = arith.addi %add3A_793, %and3A_790 : vector<16xi32>
      %and3A_795 = arith.constant -65536 : i32
      %and3A_796 = vector.broadcast %and3A_795 : i32 to vector<16xi32>
      %and3A_797 = arith.andi %add3A_794, %and3A_796 : vector<16xi32>
      %bitcast3A_798 = vector.bitcast %and3A_797 : vector<16xi32> to vector<16xf32>
      %bitcast3A_799 = vector.bitcast %gather3A_763 : vector<16xf32> to vector<16xi32>
      %shift_right_logical3A_800 = arith.constant 16 : i32
      %shift_right_logical3A_801 = vector.broadcast %shift_right_logical3A_800 : i32 to vector<16xi32>
      %shift_right_logical3A_802 = arith.shrui %bitcast3A_799, %shift_right_logical3A_801 : vector<16xi32>
      %and3A_803 = arith.constant 1 : i32
      %and3A_804 = vector.broadcast %and3A_803 : i32 to vector<16xi32>
      %and3A_805 = arith.andi %shift_right_logical3A_802, %and3A_804 : vector<16xi32>
      %add3A_806 = arith.constant 32767 : i32
      %add3A_807 = vector.broadcast %add3A_806 : i32 to vector<16xi32>
      %add3A_808 = arith.addi %bitcast3A_799, %add3A_807 : vector<16xi32>
      %add3A_809 = arith.addi %add3A_808, %and3A_805 : vector<16xi32>
      %and3A_810 = arith.constant -65536 : i32
      %and3A_811 = vector.broadcast %and3A_810 : i32 to vector<16xi32>
      %and3A_812 = arith.andi %add3A_809, %and3A_811 : vector<16xi32>
      %bitcast3A_813 = vector.bitcast %and3A_812 : vector<16xi32> to vector<16xf32>
      %while3A_814 = arith.constant 0 : i32
      %while3A_815 = arith.constant 0 : i32
      %while3A_816:2 = scf.while (%while3A_1521 = %while3A_814, %while3A_1522 = %while3A_815) : (i32, i32) -> (i32, i32) {
        %lt3A_1523 = arith.constant 512 : i32
        %lt3A_1524 = arith.cmpi slt, %while3A_1521, %lt3A_1523 : i32
        %lt3A_1525 = arith.constant 32 : i32
        %lt3A_1526 = arith.cmpi slt, %while3A_1522, %lt3A_1525 : i32
        %and3A_1527 = arith.andi %lt3A_1524, %lt3A_1526 : i1
        scf.condition(%and3A_1527) %while3A_1521, %while3A_1522 : i32, i32
      } do {
      ^bb0(%while3A_1521: i32, %while3A_1522: i32):
        %mul3A_1523 = arith.constant 16 : i32
        %mul3A_1524 = arith.muli %while3A_1521, %mul3A_1523 : i32
        %get3A_1525 = arith.index_cast %mul3A_1524 : i32 to index
        %get3A_1526 = tpu.vector_load %arg10[%get3A_1525] {strides = array<i32>} : memref<8192xf32, #tpu.memory_space<vmem>>, vector<16xf32>,
        %mul3A_1527 = arith.mulf %bitcast3A_783, %get3A_1526 : vector<16xf32>
        %mul3A_1528 = arith.constant 16 : i32
        %mul3A_1529 = arith.muli %while3A_1521, %mul3A_1528 : i32
        %get3A_1530 = arith.index_cast %mul3A_1529 : i32 to index
        %get3A_1531 = tpu.vector_load %arg11[%get3A_1530] {strides = array<i32>} : memref<8192xf32, #tpu.memory_space<vmem>>, vector<16xf32>,
        %mul3A_1532 = arith.mulf %bitcast3A_798, %get3A_1531 : vector<16xf32>
        %add3A_1533 = arith.addf %mul3A_1527, %mul3A_1532 : vector<16xf32>
        %mul3A_1534 = arith.constant 16 : i32
        %mul3A_1535 = arith.muli %while3A_1521, %mul3A_1534 : i32
        %get3A_1536 = arith.index_cast %mul3A_1535 : i32 to index
        %get3A_1537 = tpu.vector_load %arg12[%get3A_1536] {strides = array<i32>} : memref<8192xf32, #tpu.memory_space<vmem>>, vector<16xf32>,
        %mul3A_1538 = arith.mulf %bitcast3A_813, %get3A_1537 : vector<16xf32>
        %add3A_1539 = arith.addf %add3A_1533, %mul3A_1538 : vector<16xf32>
        %mul3A_1540 = arith.constant 16 : i32
        %mul3A_1541 = arith.muli %while3A_1521, %mul3A_1540 : i32
        %get3A_1542 = arith.index_cast %mul3A_1541 : i32 to index
        %get3A_1543 = tpu.vector_load %arg13[%get3A_1542] {strides = array<i32>} : memref<8192xf32, #tpu.memory_space<vmem>>, vector<16xf32>,
        %add3A_1544 = arith.addf %add3A_768, %get3A_1543 : vector<16xf32>
        %mul3A_1545 = arith.constant 2.000000e+00 : f32
        %mul3A_1546 = vector.broadcast %mul3A_1545 : f32 to vector<16xf32>
        %mul3A_1547 = arith.mulf %mul3A_1546, %add3A_1539 : vector<16xf32>
        %sub3A_1548 = arith.subf %add3A_1544, %mul3A_1547 : vector<16xf32>
        %lt3A_1549 = arith.constant 0.160000011 : f32
        %lt3A_1550 = vector.broadcast %lt3A_1549 : f32 to vector<16xf32>
        %lt3A_1551 = arith.cmpf olt, %sub3A_1548, %lt3A_1550 : vector<16xf32>
        %mul3A_1552 = arith.constant 16 : i32
        %mul3A_1553 = arith.muli %while3A_1521, %mul3A_1552 : i32
        %add3A_1554 = vector.broadcast %mul3A_1553 : i32 to vector<16xi32>
        %add3A_1555 = arith.addi %iota3A, %add3A_1554 : vector<16xi32>
        %swap3A_1556 = arith.index_cast %while3A_1522 : i32 to index
        %swap3A_1557 = tpu.vector_load %arg19[%swap3A_1556] masked %lt3A_1551 {strides = array<i32>} : memref<48xi32, #tpu.memory_space<vmem>>, vector<16xi32>, vector<16xi1>
        tpu.vector_store %arg19[%swap3A_1556], %add3A_1555 masked %lt3A_1551 {strides = array<i32>} : memref<48xi32, #tpu.memory_space<vmem>>, vector<16xi32>, vector<16xi1>
        %select_n3A_1558 = arith.select %lt3A_1551, %broadcast_in_dim3A_287, %broadcast_in_dim3A_285 : vector<16xi1>, vector<16xi32>
        %reduce_sum3A = arith.constant true
        %reduce_sum3A_1559 = vector.broadcast %reduce_sum3A : i1 to vector<16xi1>
        %reduce_sum3A_1560 = tpu.scan <sum>, %select_n3A_1558 masked %reduce_sum3A_1559 : vector<16xi32>, vector<16xi1> -> vector<16xi32>
        %reduce_sum3A_1561 = vector.extract %reduce_sum3A_1560[15] : i32 from vector<16xi32>
        %add3A_1562 = arith.addi %while3A_1522, %reduce_sum3A_1561 : i32
        %add3A_1563 = arith.constant 1 : i32
        %add3A_1564 = arith.addi %while3A_1521, %add3A_1563 : i32
        scf.yield %add3A_1564, %add3A_1562 : i32, i32
      }
      %get3A_817 = arith.constant 0 : index
      %get3A_818 = tpu.vector_load %arg19[%get3A_817] {strides = array<i32>} : memref<48xi32, #tpu.memory_space<vmem>>, vector<16xi32>,
      %get3A_819 = arith.constant 16 : index
      %get3A_820 = tpu.vector_load %arg19[%get3A_819] {strides = array<i32>} : memref<48xi32, #tpu.memory_space<vmem>>, vector<16xi32>,
      %broadcast_in_dim3A_821 = vector.broadcast %while3A_816#1 : i32 to vector<16xi32>
      %gather3A_822 = tpu.vector_load_idx %arg19[%broadcast_in_dim3A_285] : memref<48xi32, #tpu.memory_space<vmem>>[vector<16xi32>], vector<16xi32>,
      %gt3A_823 = arith.constant 0 : i32
      %gt3A_824 = vector.broadcast %gt3A_823 : i32 to vector<16xi32>
      %gt3A_825 = arith.cmpi sgt, %broadcast_in_dim3A_821, %gt3A_824 : vector<16xi32>
      %select_n3A_826 = arith.select %gt3A_825, %gather3A_822, %broadcast_in_dim3A_285 : vector<16xi1>, vector<16xi32>
      %lt3A_827 = arith.cmpi slt, %iota3A, %broadcast_in_dim3A_821 : vector<16xi32>
      %select_n3A_828 = arith.select %lt3A_827, %get3A_818, %select_n3A_826 : vector<16xi1>, vector<16xi32>
      %add3A_829 = arith.constant 16 : i32
      %add3A_830 = vector.broadcast %add3A_829 : i32 to vector<16xi32>
      %add3A_831 = arith.addi %iota3A, %add3A_830 : vector<16xi32>
      %lt3A_832 = arith.cmpi slt, %add3A_831, %broadcast_in_dim3A_821 : vector<16xi32>
      %select_n3A_833 = arith.select %lt3A_832, %get3A_820, %select_n3A_826 : vector<16xi1>, vector<16xi32>
      %mul3A_834 = arith.constant 32 : i32
      %mul3A_835 = arith.muli %add3A_759, %mul3A_834 : i32
      %swap3A_836 = arith.index_cast %mul3A_835 : i32 to index
      %swap3A_837 = tpu.vector_load %arg20[%swap3A_836] {strides = array<i32>} : memref<4096xi32, #tpu.memory_space<vmem>>, vector<16xi32>,
      tpu.vector_store %arg20[%swap3A_836], %select_n3A_828 {strides = array<i32>} : memref<4096xi32, #tpu.memory_space<vmem>>, vector<16xi32>,
      %add3A_838 = arith.constant 16 : i32
      %add3A_839 = arith.addi %mul3A_835, %add3A_838 : i32
      %swap3A_840 = arith.index_cast %add3A_839 : i32 to index
      %swap3A_841 = tpu.vector_load %arg20[%swap3A_840] {strides = array<i32>} : memref<4096xi32, #tpu.memory_space<vmem>>, vector<16xi32>,
      tpu.vector_store %arg20[%swap3A_840], %select_n3A_833 {strides = array<i32>} : memref<4096xi32, #tpu.memory_space<vmem>>, vector<16xi32>,
      %add3A_842 = vector.broadcast %mul3A_289 : i32 to vector<16xi32>
      %add3A_843 = arith.addi %select_n3A_828, %add3A_842 : vector<16xi32>
      %swap3A_844 = arith.index_cast %add3A_328 : i32 to index
      %swap3A_845 = arith.constant 96 : index
      %swap3A_846 = tpu.vector_load %arg21[%swap3A_844, %swap3A_845] {strides = array<i32>} : memref<32x128xi32, #tpu.memory_space<vmem>>, vector<16xi32>,
      tpu.vector_store %arg21[%swap3A_844, %swap3A_845], %add3A_843 {strides = array<i32>} : memref<32x128xi32, #tpu.memory_space<vmem>>, vector<16xi32>,
      %add3A_847 = vector.broadcast %mul3A_289 : i32 to vector<16xi32>
      %add3A_848 = arith.addi %select_n3A_833, %add3A_847 : vector<16xi32>
      %swap3A_849 = arith.index_cast %add3A_328 : i32 to index
      %swap3A_850 = arith.constant 112 : index
      %swap3A_851 = tpu.vector_load %arg21[%swap3A_849, %swap3A_850] {strides = array<i32>} : memref<32x128xi32, #tpu.memory_space<vmem>>, vector<16xi32>,
      tpu.vector_store %arg21[%swap3A_849, %swap3A_850], %add3A_848 {strides = array<i32>} : memref<32x128xi32, #tpu.memory_space<vmem>>, vector<16xi32>,
      %mul3A_852 = arith.constant 3 : i32
      %mul3A_853 = vector.broadcast %mul3A_852 : i32 to vector<16xi32>
      %mul3A_854 = arith.muli %select_n3A_828, %mul3A_853 : vector<16xi32>
      %mul3A_855 = arith.constant 3 : i32
      %mul3A_856 = vector.broadcast %mul3A_855 : i32 to vector<16xi32>
      %mul3A_857 = arith.muli %select_n3A_833, %mul3A_856 : vector<16xi32>
      %gather3A_858 = tpu.vector_load_idx %arg9[%mul3A_854] : memref<24576xf32, #tpu.memory_space<vmem>>[vector<16xi32>], vector<16xf32>,
      %sub3A_859 = arith.subf %gather3A_858, %gather3A_761 : vector<16xf32>
      %swap3A_860 = arith.index_cast %mul3A_835 : i32 to index
      %swap3A_861 = tpu.vector_load %arg22[%swap3A_860] {strides = array<i32>} : memref<4096xf32, #tpu.memory_space<vmem>>, vector<16xf32>,
      tpu.vector_store %arg22[%swap3A_860], %sub3A_859 {strides = array<i32>} : memref<4096xf32, #tpu.memory_space<vmem>>, vector<16xf32>,
      %gather3A_862 = tpu.vector_load_idx %arg9[%mul3A_857] : memref<24576xf32, #tpu.memory_space<vmem>>[vector<16xi32>], vector<16xf32>,
      %sub3A_863 = arith.subf %gather3A_862, %gather3A_761 : vector<16xf32>
      %add3A_864 = arith.constant 16 : i32
      %add3A_865 = arith.addi %mul3A_835, %add3A_864 : i32
      %swap3A_866 = arith.index_cast %add3A_865 : i32 to index
      %swap3A_867 = tpu.vector_load %arg22[%swap3A_866] {strides = array<i32>} : memref<4096xf32, #tpu.memory_space<vmem>>, vector<16xf32>,
      tpu.vector_store %arg22[%swap3A_866], %sub3A_863 {strides = array<i32>} : memref<4096xf32, #tpu.memory_space<vmem>>, vector<16xf32>,
      %add3A_868 = arith.constant 1 : i32
      %add3A_869 = vector.broadcast %add3A_868 : i32 to vector<16xi32>
      %add3A_870 = arith.addi %mul3A_854, %add3A_869 : vector<16xi32>
      %gather3A_871 = tpu.vector_load_idx %arg9[%add3A_870] : memref<24576xf32, #tpu.memory_space<vmem>>[vector<16xi32>], vector<16xf32>,
      %sub3A_872 = arith.subf %gather3A_871, %gather3A_762 : vector<16xf32>
      %swap3A_873 = arith.index_cast %mul3A_835 : i32 to index
      %swap3A_874 = tpu.vector_load %arg23[%swap3A_873] {strides = array<i32>} : memref<4096xf32, #tpu.memory_space<vmem>>, vector<16xf32>,
      tpu.vector_store %arg23[%swap3A_873], %sub3A_872 {strides = array<i32>} : memref<4096xf32, #tpu.memory_space<vmem>>, vector<16xf32>,
      %add3A_875 = arith.constant 1 : i32
      %add3A_876 = vector.broadcast %add3A_875 : i32 to vector<16xi32>
      %add3A_877 = arith.addi %mul3A_857, %add3A_876 : vector<16xi32>
      %gather3A_878 = tpu.vector_load_idx %arg9[%add3A_877] : memref<24576xf32, #tpu.memory_space<vmem>>[vector<16xi32>], vector<16xf32>,
      %sub3A_879 = arith.subf %gather3A_878, %gather3A_762 : vector<16xf32>
      %add3A_880 = arith.constant 16 : i32
      %add3A_881 = arith.addi %mul3A_835, %add3A_880 : i32
      %swap3A_882 = arith.index_cast %add3A_881 : i32 to index
      %swap3A_883 = tpu.vector_load %arg23[%swap3A_882] {strides = array<i32>} : memref<4096xf32, #tpu.memory_space<vmem>>, vector<16xf32>,
      tpu.vector_store %arg23[%swap3A_882], %sub3A_879 {strides = array<i32>} : memref<4096xf32, #tpu.memory_space<vmem>>, vector<16xf32>,
      %add3A_884 = arith.constant 2 : i32
      %add3A_885 = vector.broadcast %add3A_884 : i32 to vector<16xi32>
      %add3A_886 = arith.addi %mul3A_854, %add3A_885 : vector<16xi32>
      %gather3A_887 = tpu.vector_load_idx %arg9[%add3A_886] : memref<24576xf32, #tpu.memory_space<vmem>>[vector<16xi32>], vector<16xf32>,
      %sub3A_888 = arith.subf %gather3A_887, %gather3A_763 : vector<16xf32>
      %swap3A_889 = arith.index_cast %mul3A_835 : i32 to index
      %swap3A_890 = tpu.vector_load %arg24[%swap3A_889] {strides = array<i32>} : memref<4096xf32, #tpu.memory_space<vmem>>, vector<16xf32>,
      tpu.vector_store %arg24[%swap3A_889], %sub3A_888 {strides = array<i32>} : memref<4096xf32, #tpu.memory_space<vmem>>, vector<16xf32>,
      %add3A_891 = arith.constant 2 : i32
      %add3A_892 = vector.broadcast %add3A_891 : i32 to vector<16xi32>
      %add3A_893 = arith.addi %mul3A_857, %add3A_892 : vector<16xi32>
      %gather3A_894 = tpu.vector_load_idx %arg9[%add3A_893] : memref<24576xf32, #tpu.memory_space<vmem>>[vector<16xi32>], vector<16xf32>,
      %sub3A_895 = arith.subf %gather3A_894, %gather3A_763 : vector<16xf32>
      %add3A_896 = arith.constant 16 : i32
      %add3A_897 = arith.addi %mul3A_835, %add3A_896 : i32
      %swap3A_898 = arith.index_cast %add3A_897 : i32 to index
      %swap3A_899 = tpu.vector_load %arg24[%swap3A_898] {strides = array<i32>} : memref<4096xf32, #tpu.memory_space<vmem>>, vector<16xf32>,
      tpu.vector_store %arg24[%swap3A_898], %sub3A_895 {strides = array<i32>} : memref<4096xf32, #tpu.memory_space<vmem>>, vector<16xf32>,
      %gt3A_900 = arith.constant 0 : i32
      %gt3A_901 = arith.cmpi sgt, %scan3A_324, %gt3A_900 : i32
      %convert_element_type3A = arith.extui %gt3A_901 : i1 to i32
      %cond3A = arith.constant 0 : i32
      %cond3A_902 = arith.cmpi ne, %convert_element_type3A, %cond3A : i32
      scf.if %cond3A_902 {
        %sub3A_1521 = arith.constant 1 : i32
        %sub3A_1522 = arith.subi %add3A_328, %sub3A_1521 : i32
        %dma_wait3A_1523 = arith.constant 0 : i32
        %dma_wait3A_1524 = tpu.memref_slice %arg21[%sub3A_1522, %dma_wait3A_1523] : memref<32x128xi32, #tpu.memory_space<vmem>> -> memref<1x128xi32, #tpu.memory_space<vmem>>
        %dma_wait3A_1525 = tpu.memref_squeeze %dma_wait3A_1524 : memref<1x128xi32, #tpu.memory_space<vmem>> -> memref<128xi32, #tpu.memory_space<vmem>>
        %dma_wait3A_1526 = arith.constant 0 : i32
        %dma_wait3A_1527 = arith.constant 0 : i32
        %dma_wait3A_1528 = tpu.memref_slice %arg4[%dma_wait3A_1526, %dma_wait3A_1527] : memref<32768x128xf32, #tpu.memory_space<hbm>> -> memref<32768x128xf32, #tpu.memory_space<hbm>>
        tpu.wait_indirect_dma semaphore(%arg28 : memref<!tpu.dma_semaphore, #tpu.memory_space<semaphore_mem>>) src(%dma_wait3A_1528 : memref<32768x128xf32, #tpu.memory_space<hbm>>) dst(%arg26 : memref<128x128xf32, #tpu.memory_space<vmem>>)
        %sub3A_1529 = arith.constant 1 : i32
        %sub3A_1530 = arith.subi %add3A_328, %sub3A_1529 : i32
        %mul3A_1531 = arith.constant 128 : i32
        %mul3A_1532 = arith.muli %sub3A_1530, %mul3A_1531 : i32
        %add3A_1533 = arith.addi %mul3A_293, %mul3A_1532 : i32
        %dma_start3A_1534 = arith.constant 0 : i32
        %dma_start3A_1535 = tpu.memref_slice %arg8[%add3A_1533, %dma_start3A_1534] : memref<131072x128xf32, #tpu.memory_space<hbm>> -> memref<128x128xf32, #tpu.memory_space<hbm>>
        %dma_start3A_1536 = arith.constant 0 : i32
        %dma_start3A_1537 = tpu.memref_slice %arg8[%add3A_1533, %dma_start3A_1536] : memref<131072x128xf32, #tpu.memory_space<hbm>> -> memref<128x128xf32, #tpu.memory_space<hbm>>
        tpu.enqueue_dma source(%arg26 : memref<128x128xf32, #tpu.memory_space<vmem>>) target(%dma_start3A_1537 : memref<128x128xf32, #tpu.memory_space<hbm>>) target_semaphore(%arg30 : memref<!tpu.dma_semaphore, #tpu.memory_space<semaphore_mem>>)
      } else {
      }
      %gt3A_903 = arith.constant 0 : i32
      %gt3A_904 = arith.cmpi sgt, %scan3A_324, %gt3A_903 : i32
      %convert_element_type3A_905 = arith.extui %gt3A_904 : i1 to i32
      %cond3A_906 = arith.constant 0 : i32
      %cond3A_907 = arith.cmpi ne, %convert_element_type3A_905, %cond3A_906 : i32
      scf.if %cond3A_907 {
        %sub3A_1521 = arith.constant 2 : i32
        %sub3A_1522 = arith.subi %add3A_328, %sub3A_1521 : i32
        %mul3A_1523 = arith.constant 128 : i32
        %mul3A_1524 = arith.muli %sub3A_1522, %mul3A_1523 : i32
        %add3A_1525 = arith.addi %mul3A_293, %mul3A_1524 : i32
        %dma_wait3A_1526 = arith.constant 0 : i32
        %dma_wait3A_1527 = tpu.memref_slice %arg8[%add3A_1525, %dma_wait3A_1526] : memref<131072x128xf32, #tpu.memory_space<hbm>> -> memref<128x128xf32, #tpu.memory_space<hbm>>
        %dma_wait3A_1528 = arith.constant 0 : i32
        %dma_wait3A_1529 = tpu.memref_slice %arg8[%add3A_1525, %dma_wait3A_1528] : memref<131072x128xf32, #tpu.memory_space<hbm>> -> memref<128x128xf32, #tpu.memory_space<hbm>>
        tpu.wait_dma2 semaphore(%arg29 : memref<!tpu.dma_semaphore, #tpu.memory_space<semaphore_mem>>) src(%arg25 : memref<128x128xf32, #tpu.memory_space<vmem>>) dst(%dma_wait3A_1529 : memref<128x128xf32, #tpu.memory_space<hbm>>)
      } else {
      }
      %dma_start3A = arith.constant 0 : i32
      %dma_start3A_908 = tpu.memref_slice %arg21[%add3A_328, %dma_start3A] : memref<32x128xi32, #tpu.memory_space<vmem>> -> memref<1x128xi32, #tpu.memory_space<vmem>>
      %dma_start3A_909 = tpu.memref_squeeze %dma_start3A_908 : memref<1x128xi32, #tpu.memory_space<vmem>> -> memref<128xi32, #tpu.memory_space<vmem>>
      %dma_start3A_910 = arith.constant 0 : i32
      %dma_start3A_911 = arith.constant 0 : i32
      %dma_start3A_912 = tpu.memref_slice %arg4[%dma_start3A_910, %dma_start3A_911] : memref<32768x128xf32, #tpu.memory_space<hbm>> -> memref<32768x128xf32, #tpu.memory_space<hbm>>
      tpu.enqueue_indirect_dma source(%dma_start3A_912 : memref<32768x128xf32, #tpu.memory_space<hbm>>) target(%arg25 : memref<128x128xf32, #tpu.memory_space<vmem>>) offsets(%dma_start3A_909 : memref<128xi32, #tpu.memory_space<vmem>>) semaphore(%arg27 : memref<!tpu.dma_semaphore, #tpu.memory_space<semaphore_mem>>)
      %mul3A_913 = arith.constant 2 : i32
      %mul3A_914 = arith.muli %scan3A_324, %mul3A_913 : i32
      %add3A_915 = arith.constant 1 : i32
      %add3A_916 = arith.addi %mul3A_914, %add3A_915 : i32
      %mul3A_917 = arith.constant 4 : i32
      %mul3A_918 = arith.muli %add3A_916, %mul3A_917 : i32
      %add3A_919 = arith.constant 0 : i32
      %add3A_920 = arith.addi %mul3A_918, %add3A_919 : i32
      %broadcast_in_dim3A_921 = vector.broadcast %add3A_920 : i32 to vector<16xi32>
      %gather3A_922 = tpu.vector_load_idx %arg15[%broadcast_in_dim3A_921] : memref<128xf32, #tpu.memory_space<vmem>>[vector<16xi32>], vector<16xf32>,
      %gather3A_923 = tpu.vector_load_idx %arg16[%broadcast_in_dim3A_921] : memref<128xf32, #tpu.memory_space<vmem>>[vector<16xi32>], vector<16xf32>,
      %gather3A_924 = tpu.vector_load_idx %arg17[%broadcast_in_dim3A_921] : memref<128xf32, #tpu.memory_space<vmem>>[vector<16xi32>], vector<16xf32>,
      %mul3A_925 = arith.mulf %gather3A_922, %gather3A_922 : vector<16xf32>
      %mul3A_926 = arith.mulf %gather3A_923, %gather3A_923 : vector<16xf32>
      %add3A_927 = arith.addf %mul3A_925, %mul3A_926 : vector<16xf32>
      %mul3A_928 = arith.mulf %gather3A_924, %gather3A_924 : vector<16xf32>
      %add3A_929 = arith.addf %add3A_927, %mul3A_928 : vector<16xf32>
      %bitcast3A_930 = vector.bitcast %gather3A_922 : vector<16xf32> to vector<16xi32>
      %shift_right_logical3A_931 = arith.constant 16 : i32
      %shift_right_logical3A_932 = vector.broadcast %shift_right_logical3A_931 : i32 to vector<16xi32>
      %shift_right_logical3A_933 = arith.shrui %bitcast3A_930, %shift_right_logical3A_932 : vector<16xi32>
      %and3A_934 = arith.constant 1 : i32
      %and3A_935 = vector.broadcast %and3A_934 : i32 to vector<16xi32>
      %and3A_936 = arith.andi %shift_right_logical3A_933, %and3A_935 : vector<16xi32>
      %add3A_937 = arith.constant 32767 : i32
      %add3A_938 = vector.broadcast %add3A_937 : i32 to vector<16xi32>
      %add3A_939 = arith.addi %bitcast3A_930, %add3A_938 : vector<16xi32>
      %add3A_940 = arith.addi %add3A_939, %and3A_936 : vector<16xi32>
      %and3A_941 = arith.constant -65536 : i32
      %and3A_942 = vector.broadcast %and3A_941 : i32 to vector<16xi32>
      %and3A_943 = arith.andi %add3A_940, %and3A_942 : vector<16xi32>
      %bitcast3A_944 = vector.bitcast %and3A_943 : vector<16xi32> to vector<16xf32>
      %bitcast3A_945 = vector.bitcast %gather3A_923 : vector<16xf32> to vector<16xi32>
      %shift_right_logical3A_946 = arith.constant 16 : i32
      %shift_right_logical3A_947 = vector.broadcast %shift_right_logical3A_946 : i32 to vector<16xi32>
      %shift_right_logical3A_948 = arith.shrui %bitcast3A_945, %shift_right_logical3A_947 : vector<16xi32>
      %and3A_949 = arith.constant 1 : i32
      %and3A_950 = vector.broadcast %and3A_949 : i32 to vector<16xi32>
      %and3A_951 = arith.andi %shift_right_logical3A_948, %and3A_950 : vector<16xi32>
      %add3A_952 = arith.constant 32767 : i32
      %add3A_953 = vector.broadcast %add3A_952 : i32 to vector<16xi32>
      %add3A_954 = arith.addi %bitcast3A_945, %add3A_953 : vector<16xi32>
      %add3A_955 = arith.addi %add3A_954, %and3A_951 : vector<16xi32>
      %and3A_956 = arith.constant -65536 : i32
      %and3A_957 = vector.broadcast %and3A_956 : i32 to vector<16xi32>
      %and3A_958 = arith.andi %add3A_955, %and3A_957 : vector<16xi32>
      %bitcast3A_959 = vector.bitcast %and3A_958 : vector<16xi32> to vector<16xf32>
      %bitcast3A_960 = vector.bitcast %gather3A_924 : vector<16xf32> to vector<16xi32>
      %shift_right_logical3A_961 = arith.constant 16 : i32
      %shift_right_logical3A_962 = vector.broadcast %shift_right_logical3A_961 : i32 to vector<16xi32>
      %shift_right_logical3A_963 = arith.shrui %bitcast3A_960, %shift_right_logical3A_962 : vector<16xi32>
      %and3A_964 = arith.constant 1 : i32
      %and3A_965 = vector.broadcast %and3A_964 : i32 to vector<16xi32>
      %and3A_966 = arith.andi %shift_right_logical3A_963, %and3A_965 : vector<16xi32>
      %add3A_967 = arith.constant 32767 : i32
      %add3A_968 = vector.broadcast %add3A_967 : i32 to vector<16xi32>
      %add3A_969 = arith.addi %bitcast3A_960, %add3A_968 : vector<16xi32>
      %add3A_970 = arith.addi %add3A_969, %and3A_966 : vector<16xi32>
      %and3A_971 = arith.constant -65536 : i32
      %and3A_972 = vector.broadcast %and3A_971 : i32 to vector<16xi32>
      %and3A_973 = arith.andi %add3A_970, %and3A_972 : vector<16xi32>
      %bitcast3A_974 = vector.bitcast %and3A_973 : vector<16xi32> to vector<16xf32>
      %while3A_975 = arith.constant 0 : i32
      %while3A_976 = arith.constant 0 : i32
      %while3A_977:2 = scf.while (%while3A_1521 = %while3A_975, %while3A_1522 = %while3A_976) : (i32, i32) -> (i32, i32) {
        %lt3A_1523 = arith.constant 512 : i32
        %lt3A_1524 = arith.cmpi slt, %while3A_1521, %lt3A_1523 : i32
        %lt3A_1525 = arith.constant 32 : i32
        %lt3A_1526 = arith.cmpi slt, %while3A_1522, %lt3A_1525 : i32
        %and3A_1527 = arith.andi %lt3A_1524, %lt3A_1526 : i1
        scf.condition(%and3A_1527) %while3A_1521, %while3A_1522 : i32, i32
      } do {
      ^bb0(%while3A_1521: i32, %while3A_1522: i32):
        %mul3A_1523 = arith.constant 16 : i32
        %mul3A_1524 = arith.muli %while3A_1521, %mul3A_1523 : i32
        %get3A_1525 = arith.index_cast %mul3A_1524 : i32 to index
        %get3A_1526 = tpu.vector_load %arg10[%get3A_1525] {strides = array<i32>} : memref<8192xf32, #tpu.memory_space<vmem>>, vector<16xf32>,
        %mul3A_1527 = arith.mulf %bitcast3A_944, %get3A_1526 : vector<16xf32>
        %mul3A_1528 = arith.constant 16 : i32
        %mul3A_1529 = arith.muli %while3A_1521, %mul3A_1528 : i32
        %get3A_1530 = arith.index_cast %mul3A_1529 : i32 to index
        %get3A_1531 = tpu.vector_load %arg11[%get3A_1530] {strides = array<i32>} : memref<8192xf32, #tpu.memory_space<vmem>>, vector<16xf32>,
        %mul3A_1532 = arith.mulf %bitcast3A_959, %get3A_1531 : vector<16xf32>
        %add3A_1533 = arith.addf %mul3A_1527, %mul3A_1532 : vector<16xf32>
        %mul3A_1534 = arith.constant 16 : i32
        %mul3A_1535 = arith.muli %while3A_1521, %mul3A_1534 : i32
        %get3A_1536 = arith.index_cast %mul3A_1535 : i32 to index
        %get3A_1537 = tpu.vector_load %arg12[%get3A_1536] {strides = array<i32>} : memref<8192xf32, #tpu.memory_space<vmem>>, vector<16xf32>,
        %mul3A_1538 = arith.mulf %bitcast3A_974, %get3A_1537 : vector<16xf32>
        %add3A_1539 = arith.addf %add3A_1533, %mul3A_1538 : vector<16xf32>
        %mul3A_1540 = arith.constant 16 : i32
        %mul3A_1541 = arith.muli %while3A_1521, %mul3A_1540 : i32
        %get3A_1542 = arith.index_cast %mul3A_1541 : i32 to index
        %get3A_1543 = tpu.vector_load %arg13[%get3A_1542] {strides = array<i32>} : memref<8192xf32, #tpu.memory_space<vmem>>, vector<16xf32>,
        %add3A_1544 = arith.addf %add3A_929, %get3A_1543 : vector<16xf32>
        %mul3A_1545 = arith.constant 2.000000e+00 : f32
        %mul3A_1546 = vector.broadcast %mul3A_1545 : f32 to vector<16xf32>
        %mul3A_1547 = arith.mulf %mul3A_1546, %add3A_1539 : vector<16xf32>
        %sub3A_1548 = arith.subf %add3A_1544, %mul3A_1547 : vector<16xf32>
        %lt3A_1549 = arith.constant 0.160000011 : f32
        %lt3A_1550 = vector.broadcast %lt3A_1549 : f32 to vector<16xf32>
        %lt3A_1551 = arith.cmpf olt, %sub3A_1548, %lt3A_1550 : vector<16xf32>
        %mul3A_1552 = arith.constant 16 : i32
        %mul3A_1553 = arith.muli %while3A_1521, %mul3A_1552 : i32
        %add3A_1554 = vector.broadcast %mul3A_1553 : i32 to vector<16xi32>
        %add3A_1555 = arith.addi %iota3A, %add3A_1554 : vector<16xi32>
        %swap3A_1556 = arith.index_cast %while3A_1522 : i32 to index
        %swap3A_1557 = tpu.vector_load %arg19[%swap3A_1556] masked %lt3A_1551 {strides = array<i32>} : memref<48xi32, #tpu.memory_space<vmem>>, vector<16xi32>, vector<16xi1>
        tpu.vector_store %arg19[%swap3A_1556], %add3A_1555 masked %lt3A_1551 {strides = array<i32>} : memref<48xi32, #tpu.memory_space<vmem>>, vector<16xi32>, vector<16xi1>
        %select_n3A_1558 = arith.select %lt3A_1551, %broadcast_in_dim3A_287, %broadcast_in_dim3A_285 : vector<16xi1>, vector<16xi32>
        %reduce_sum3A = arith.constant true
        %reduce_sum3A_1559 = vector.broadcast %reduce_sum3A : i1 to vector<16xi1>
        %reduce_sum3A_1560 = tpu.scan <sum>, %select_n3A_1558 masked %reduce_sum3A_1559 : vector<16xi32>, vector<16xi1> -> vector<16xi32>
        %reduce_sum3A_1561 = vector.extract %reduce_sum3A_1560[15] : i32 from vector<16xi32>
        %add3A_1562 = arith.addi %while3A_1522, %reduce_sum3A_1561 : i32
        %add3A_1563 = arith.constant 1 : i32
        %add3A_1564 = arith.addi %while3A_1521, %add3A_1563 : i32
        scf.yield %add3A_1564, %add3A_1562 : i32, i32
      }
      %get3A_978 = arith.constant 0 : index
      %get3A_979 = tpu.vector_load %arg19[%get3A_978] {strides = array<i32>} : memref<48xi32, #tpu.memory_space<vmem>>, vector<16xi32>,
      %get3A_980 = arith.constant 16 : index
      %get3A_981 = tpu.vector_load %arg19[%get3A_980] {strides = array<i32>} : memref<48xi32, #tpu.memory_space<vmem>>, vector<16xi32>,
      %broadcast_in_dim3A_982 = vector.broadcast %while3A_977#1 : i32 to vector<16xi32>
      %gather3A_983 = tpu.vector_load_idx %arg19[%broadcast_in_dim3A_285] : memref<48xi32, #tpu.memory_space<vmem>>[vector<16xi32>], vector<16xi32>,
      %gt3A_984 = arith.constant 0 : i32
      %gt3A_985 = vector.broadcast %gt3A_984 : i32 to vector<16xi32>
      %gt3A_986 = arith.cmpi sgt, %broadcast_in_dim3A_982, %gt3A_985 : vector<16xi32>
      %select_n3A_987 = arith.select %gt3A_986, %gather3A_983, %broadcast_in_dim3A_285 : vector<16xi1>, vector<16xi32>
      %lt3A_988 = arith.cmpi slt, %iota3A, %broadcast_in_dim3A_982 : vector<16xi32>
      %select_n3A_989 = arith.select %lt3A_988, %get3A_979, %select_n3A_987 : vector<16xi1>, vector<16xi32>
      %add3A_990 = arith.constant 16 : i32
      %add3A_991 = vector.broadcast %add3A_990 : i32 to vector<16xi32>
      %add3A_992 = arith.addi %iota3A, %add3A_991 : vector<16xi32>
      %lt3A_993 = arith.cmpi slt, %add3A_992, %broadcast_in_dim3A_982 : vector<16xi32>
      %select_n3A_994 = arith.select %lt3A_993, %get3A_981, %select_n3A_987 : vector<16xi1>, vector<16xi32>
      %mul3A_995 = arith.constant 32 : i32
      %mul3A_996 = arith.muli %add3A_920, %mul3A_995 : i32
      %swap3A_997 = arith.index_cast %mul3A_996 : i32 to index
      %swap3A_998 = tpu.vector_load %arg20[%swap3A_997] {strides = array<i32>} : memref<4096xi32, #tpu.memory_space<vmem>>, vector<16xi32>,
      tpu.vector_store %arg20[%swap3A_997], %select_n3A_989 {strides = array<i32>} : memref<4096xi32, #tpu.memory_space<vmem>>, vector<16xi32>,
      %add3A_999 = arith.constant 16 : i32
      %add3A_1000 = arith.addi %mul3A_996, %add3A_999 : i32
      %swap3A_1001 = arith.index_cast %add3A_1000 : i32 to index
      %swap3A_1002 = tpu.vector_load %arg20[%swap3A_1001] {strides = array<i32>} : memref<4096xi32, #tpu.memory_space<vmem>>, vector<16xi32>,
      tpu.vector_store %arg20[%swap3A_1001], %select_n3A_994 {strides = array<i32>} : memref<4096xi32, #tpu.memory_space<vmem>>, vector<16xi32>,
      %add3A_1003 = vector.broadcast %mul3A_289 : i32 to vector<16xi32>
      %add3A_1004 = arith.addi %select_n3A_989, %add3A_1003 : vector<16xi32>
      %swap3A_1005 = arith.index_cast %add3A_916 : i32 to index
      %swap3A_1006 = arith.constant 0 : index
      %swap3A_1007 = tpu.vector_load %arg21[%swap3A_1005, %swap3A_1006] {strides = array<i32>} : memref<32x128xi32, #tpu.memory_space<vmem>>, vector<16xi32>,
      tpu.vector_store %arg21[%swap3A_1005, %swap3A_1006], %add3A_1004 {strides = array<i32>} : memref<32x128xi32, #tpu.memory_space<vmem>>, vector<16xi32>,
      %add3A_1008 = vector.broadcast %mul3A_289 : i32 to vector<16xi32>
      %add3A_1009 = arith.addi %select_n3A_994, %add3A_1008 : vector<16xi32>
      %swap3A_1010 = arith.index_cast %add3A_916 : i32 to index
      %swap3A_1011 = arith.constant 16 : index
      %swap3A_1012 = tpu.vector_load %arg21[%swap3A_1010, %swap3A_1011] {strides = array<i32>} : memref<32x128xi32, #tpu.memory_space<vmem>>, vector<16xi32>,
      tpu.vector_store %arg21[%swap3A_1010, %swap3A_1011], %add3A_1009 {strides = array<i32>} : memref<32x128xi32, #tpu.memory_space<vmem>>, vector<16xi32>,
      %mul3A_1013 = arith.constant 3 : i32
      %mul3A_1014 = vector.broadcast %mul3A_1013 : i32 to vector<16xi32>
      %mul3A_1015 = arith.muli %select_n3A_989, %mul3A_1014 : vector<16xi32>
      %mul3A_1016 = arith.constant 3 : i32
      %mul3A_1017 = vector.broadcast %mul3A_1016 : i32 to vector<16xi32>
      %mul3A_1018 = arith.muli %select_n3A_994, %mul3A_1017 : vector<16xi32>
      %gather3A_1019 = tpu.vector_load_idx %arg9[%mul3A_1015] : memref<24576xf32, #tpu.memory_space<vmem>>[vector<16xi32>], vector<16xf32>,
      %sub3A_1020 = arith.subf %gather3A_1019, %gather3A_922 : vector<16xf32>
      %swap3A_1021 = arith.index_cast %mul3A_996 : i32 to index
      %swap3A_1022 = tpu.vector_load %arg22[%swap3A_1021] {strides = array<i32>} : memref<4096xf32, #tpu.memory_space<vmem>>, vector<16xf32>,
      tpu.vector_store %arg22[%swap3A_1021], %sub3A_1020 {strides = array<i32>} : memref<4096xf32, #tpu.memory_space<vmem>>, vector<16xf32>,
      %gather3A_1023 = tpu.vector_load_idx %arg9[%mul3A_1018] : memref<24576xf32, #tpu.memory_space<vmem>>[vector<16xi32>], vector<16xf32>,
      %sub3A_1024 = arith.subf %gather3A_1023, %gather3A_922 : vector<16xf32>
      %add3A_1025 = arith.constant 16 : i32
      %add3A_1026 = arith.addi %mul3A_996, %add3A_1025 : i32
      %swap3A_1027 = arith.index_cast %add3A_1026 : i32 to index
      %swap3A_1028 = tpu.vector_load %arg22[%swap3A_1027] {strides = array<i32>} : memref<4096xf32, #tpu.memory_space<vmem>>, vector<16xf32>,
      tpu.vector_store %arg22[%swap3A_1027], %sub3A_1024 {strides = array<i32>} : memref<4096xf32, #tpu.memory_space<vmem>>, vector<16xf32>,
      %add3A_1029 = arith.constant 1 : i32
      %add3A_1030 = vector.broadcast %add3A_1029 : i32 to vector<16xi32>
      %add3A_1031 = arith.addi %mul3A_1015, %add3A_1030 : vector<16xi32>
      %gather3A_1032 = tpu.vector_load_idx %arg9[%add3A_1031] : memref<24576xf32, #tpu.memory_space<vmem>>[vector<16xi32>], vector<16xf32>,
      %sub3A_1033 = arith.subf %gather3A_1032, %gather3A_923 : vector<16xf32>
      %swap3A_1034 = arith.index_cast %mul3A_996 : i32 to index
      %swap3A_1035 = tpu.vector_load %arg23[%swap3A_1034] {strides = array<i32>} : memref<4096xf32, #tpu.memory_space<vmem>>, vector<16xf32>,
      tpu.vector_store %arg23[%swap3A_1034], %sub3A_1033 {strides = array<i32>} : memref<4096xf32, #tpu.memory_space<vmem>>, vector<16xf32>,
      %add3A_1036 = arith.constant 1 : i32
      %add3A_1037 = vector.broadcast %add3A_1036 : i32 to vector<16xi32>
      %add3A_1038 = arith.addi %mul3A_1018, %add3A_1037 : vector<16xi32>
      %gather3A_1039 = tpu.vector_load_idx %arg9[%add3A_1038] : memref<24576xf32, #tpu.memory_space<vmem>>[vector<16xi32>], vector<16xf32>,
      %sub3A_1040 = arith.subf %gather3A_1039, %gather3A_923 : vector<16xf32>
      %add3A_1041 = arith.constant 16 : i32
      %add3A_1042 = arith.addi %mul3A_996, %add3A_1041 : i32
      %swap3A_1043 = arith.index_cast %add3A_1042 : i32 to index
      %swap3A_1044 = tpu.vector_load %arg23[%swap3A_1043] {strides = array<i32>} : memref<4096xf32, #tpu.memory_space<vmem>>, vector<16xf32>,
      tpu.vector_store %arg23[%swap3A_1043], %sub3A_1040 {strides = array<i32>} : memref<4096xf32, #tpu.memory_space<vmem>>, vector<16xf32>,
      %add3A_1045 = arith.constant 2 : i32
      %add3A_1046 = vector.broadcast %add3A_1045 : i32 to vector<16xi32>
      %add3A_1047 = arith.addi %mul3A_1015, %add3A_1046 : vector<16xi32>
      %gather3A_1048 = tpu.vector_load_idx %arg9[%add3A_1047] : memref<24576xf32, #tpu.memory_space<vmem>>[vector<16xi32>], vector<16xf32>,
      %sub3A_1049 = arith.subf %gather3A_1048, %gather3A_924 : vector<16xf32>
      %swap3A_1050 = arith.index_cast %mul3A_996 : i32 to index
      %swap3A_1051 = tpu.vector_load %arg24[%swap3A_1050] {strides = array<i32>} : memref<4096xf32, #tpu.memory_space<vmem>>, vector<16xf32>,
      tpu.vector_store %arg24[%swap3A_1050], %sub3A_1049 {strides = array<i32>} : memref<4096xf32, #tpu.memory_space<vmem>>, vector<16xf32>,
      %add3A_1052 = arith.constant 2 : i32
      %add3A_1053 = vector.broadcast %add3A_1052 : i32 to vector<16xi32>
      %add3A_1054 = arith.addi %mul3A_1018, %add3A_1053 : vector<16xi32>
      %gather3A_1055 = tpu.vector_load_idx %arg9[%add3A_1054] : memref<24576xf32, #tpu.memory_space<vmem>>[vector<16xi32>], vector<16xf32>,
      %sub3A_1056 = arith.subf %gather3A_1055, %gather3A_924 : vector<16xf32>
      %add3A_1057 = arith.constant 16 : i32
      %add3A_1058 = arith.addi %mul3A_996, %add3A_1057 : i32
      %swap3A_1059 = arith.index_cast %add3A_1058 : i32 to index
      %swap3A_1060 = tpu.vector_load %arg24[%swap3A_1059] {strides = array<i32>} : memref<4096xf32, #tpu.memory_space<vmem>>, vector<16xf32>,
      tpu.vector_store %arg24[%swap3A_1059], %sub3A_1056 {strides = array<i32>} : memref<4096xf32, #tpu.memory_space<vmem>>, vector<16xf32>,
      %mul3A_1061 = arith.constant 4 : i32
      %mul3A_1062 = arith.muli %add3A_916, %mul3A_1061 : i32
      %add3A_1063 = arith.constant 1 : i32
      %add3A_1064 = arith.addi %mul3A_1062, %add3A_1063 : i32
      %broadcast_in_dim3A_1065 = vector.broadcast %add3A_1064 : i32 to vector<16xi32>
      %gather3A_1066 = tpu.vector_load_idx %arg15[%broadcast_in_dim3A_1065] : memref<128xf32, #tpu.memory_space<vmem>>[vector<16xi32>], vector<16xf32>,
      %gather3A_1067 = tpu.vector_load_idx %arg16[%broadcast_in_dim3A_1065] : memref<128xf32, #tpu.memory_space<vmem>>[vector<16xi32>], vector<16xf32>,
      %gather3A_1068 = tpu.vector_load_idx %arg17[%broadcast_in_dim3A_1065] : memref<128xf32, #tpu.memory_space<vmem>>[vector<16xi32>], vector<16xf32>,
      %mul3A_1069 = arith.mulf %gather3A_1066, %gather3A_1066 : vector<16xf32>
      %mul3A_1070 = arith.mulf %gather3A_1067, %gather3A_1067 : vector<16xf32>
      %add3A_1071 = arith.addf %mul3A_1069, %mul3A_1070 : vector<16xf32>
      %mul3A_1072 = arith.mulf %gather3A_1068, %gather3A_1068 : vector<16xf32>
      %add3A_1073 = arith.addf %add3A_1071, %mul3A_1072 : vector<16xf32>
      %bitcast3A_1074 = vector.bitcast %gather3A_1066 : vector<16xf32> to vector<16xi32>
      %shift_right_logical3A_1075 = arith.constant 16 : i32
      %shift_right_logical3A_1076 = vector.broadcast %shift_right_logical3A_1075 : i32 to vector<16xi32>
      %shift_right_logical3A_1077 = arith.shrui %bitcast3A_1074, %shift_right_logical3A_1076 : vector<16xi32>
      %and3A_1078 = arith.constant 1 : i32
      %and3A_1079 = vector.broadcast %and3A_1078 : i32 to vector<16xi32>
      %and3A_1080 = arith.andi %shift_right_logical3A_1077, %and3A_1079 : vector<16xi32>
      %add3A_1081 = arith.constant 32767 : i32
      %add3A_1082 = vector.broadcast %add3A_1081 : i32 to vector<16xi32>
      %add3A_1083 = arith.addi %bitcast3A_1074, %add3A_1082 : vector<16xi32>
      %add3A_1084 = arith.addi %add3A_1083, %and3A_1080 : vector<16xi32>
      %and3A_1085 = arith.constant -65536 : i32
      %and3A_1086 = vector.broadcast %and3A_1085 : i32 to vector<16xi32>
      %and3A_1087 = arith.andi %add3A_1084, %and3A_1086 : vector<16xi32>
      %bitcast3A_1088 = vector.bitcast %and3A_1087 : vector<16xi32> to vector<16xf32>
      %bitcast3A_1089 = vector.bitcast %gather3A_1067 : vector<16xf32> to vector<16xi32>
      %shift_right_logical3A_1090 = arith.constant 16 : i32
      %shift_right_logical3A_1091 = vector.broadcast %shift_right_logical3A_1090 : i32 to vector<16xi32>
      %shift_right_logical3A_1092 = arith.shrui %bitcast3A_1089, %shift_right_logical3A_1091 : vector<16xi32>
      %and3A_1093 = arith.constant 1 : i32
      %and3A_1094 = vector.broadcast %and3A_1093 : i32 to vector<16xi32>
      %and3A_1095 = arith.andi %shift_right_logical3A_1092, %and3A_1094 : vector<16xi32>
      %add3A_1096 = arith.constant 32767 : i32
      %add3A_1097 = vector.broadcast %add3A_1096 : i32 to vector<16xi32>
      %add3A_1098 = arith.addi %bitcast3A_1089, %add3A_1097 : vector<16xi32>
      %add3A_1099 = arith.addi %add3A_1098, %and3A_1095 : vector<16xi32>
      %and3A_1100 = arith.constant -65536 : i32
      %and3A_1101 = vector.broadcast %and3A_1100 : i32 to vector<16xi32>
      %and3A_1102 = arith.andi %add3A_1099, %and3A_1101 : vector<16xi32>
      %bitcast3A_1103 = vector.bitcast %and3A_1102 : vector<16xi32> to vector<16xf32>
      %bitcast3A_1104 = vector.bitcast %gather3A_1068 : vector<16xf32> to vector<16xi32>
      %shift_right_logical3A_1105 = arith.constant 16 : i32
      %shift_right_logical3A_1106 = vector.broadcast %shift_right_logical3A_1105 : i32 to vector<16xi32>
      %shift_right_logical3A_1107 = arith.shrui %bitcast3A_1104, %shift_right_logical3A_1106 : vector<16xi32>
      %and3A_1108 = arith.constant 1 : i32
      %and3A_1109 = vector.broadcast %and3A_1108 : i32 to vector<16xi32>
      %and3A_1110 = arith.andi %shift_right_logical3A_1107, %and3A_1109 : vector<16xi32>
      %add3A_1111 = arith.constant 32767 : i32
      %add3A_1112 = vector.broadcast %add3A_1111 : i32 to vector<16xi32>
      %add3A_1113 = arith.addi %bitcast3A_1104, %add3A_1112 : vector<16xi32>
      %add3A_1114 = arith.addi %add3A_1113, %and3A_1110 : vector<16xi32>
      %and3A_1115 = arith.constant -65536 : i32
      %and3A_1116 = vector.broadcast %and3A_1115 : i32 to vector<16xi32>
      %and3A_1117 = arith.andi %add3A_1114, %and3A_1116 : vector<16xi32>
      %bitcast3A_1118 = vector.bitcast %and3A_1117 : vector<16xi32> to vector<16xf32>
      %while3A_1119 = arith.constant 0 : i32
      %while3A_1120 = arith.constant 0 : i32
      %while3A_1121:2 = scf.while (%while3A_1521 = %while3A_1119, %while3A_1522 = %while3A_1120) : (i32, i32) -> (i32, i32) {
        %lt3A_1523 = arith.constant 512 : i32
        %lt3A_1524 = arith.cmpi slt, %while3A_1521, %lt3A_1523 : i32
        %lt3A_1525 = arith.constant 32 : i32
        %lt3A_1526 = arith.cmpi slt, %while3A_1522, %lt3A_1525 : i32
        %and3A_1527 = arith.andi %lt3A_1524, %lt3A_1526 : i1
        scf.condition(%and3A_1527) %while3A_1521, %while3A_1522 : i32, i32
      } do {
      ^bb0(%while3A_1521: i32, %while3A_1522: i32):
        %mul3A_1523 = arith.constant 16 : i32
        %mul3A_1524 = arith.muli %while3A_1521, %mul3A_1523 : i32
        %get3A_1525 = arith.index_cast %mul3A_1524 : i32 to index
        %get3A_1526 = tpu.vector_load %arg10[%get3A_1525] {strides = array<i32>} : memref<8192xf32, #tpu.memory_space<vmem>>, vector<16xf32>,
        %mul3A_1527 = arith.mulf %bitcast3A_1088, %get3A_1526 : vector<16xf32>
        %mul3A_1528 = arith.constant 16 : i32
        %mul3A_1529 = arith.muli %while3A_1521, %mul3A_1528 : i32
        %get3A_1530 = arith.index_cast %mul3A_1529 : i32 to index
        %get3A_1531 = tpu.vector_load %arg11[%get3A_1530] {strides = array<i32>} : memref<8192xf32, #tpu.memory_space<vmem>>, vector<16xf32>,
        %mul3A_1532 = arith.mulf %bitcast3A_1103, %get3A_1531 : vector<16xf32>
        %add3A_1533 = arith.addf %mul3A_1527, %mul3A_1532 : vector<16xf32>
        %mul3A_1534 = arith.constant 16 : i32
        %mul3A_1535 = arith.muli %while3A_1521, %mul3A_1534 : i32
        %get3A_1536 = arith.index_cast %mul3A_1535 : i32 to index
        %get3A_1537 = tpu.vector_load %arg12[%get3A_1536] {strides = array<i32>} : memref<8192xf32, #tpu.memory_space<vmem>>, vector<16xf32>,
        %mul3A_1538 = arith.mulf %bitcast3A_1118, %get3A_1537 : vector<16xf32>
        %add3A_1539 = arith.addf %add3A_1533, %mul3A_1538 : vector<16xf32>
        %mul3A_1540 = arith.constant 16 : i32
        %mul3A_1541 = arith.muli %while3A_1521, %mul3A_1540 : i32
        %get3A_1542 = arith.index_cast %mul3A_1541 : i32 to index
        %get3A_1543 = tpu.vector_load %arg13[%get3A_1542] {strides = array<i32>} : memref<8192xf32, #tpu.memory_space<vmem>>, vector<16xf32>,
        %add3A_1544 = arith.addf %add3A_1073, %get3A_1543 : vector<16xf32>
        %mul3A_1545 = arith.constant 2.000000e+00 : f32
        %mul3A_1546 = vector.broadcast %mul3A_1545 : f32 to vector<16xf32>
        %mul3A_1547 = arith.mulf %mul3A_1546, %add3A_1539 : vector<16xf32>
        %sub3A_1548 = arith.subf %add3A_1544, %mul3A_1547 : vector<16xf32>
        %lt3A_1549 = arith.constant 0.160000011 : f32
        %lt3A_1550 = vector.broadcast %lt3A_1549 : f32 to vector<16xf32>
        %lt3A_1551 = arith.cmpf olt, %sub3A_1548, %lt3A_1550 : vector<16xf32>
        %mul3A_1552 = arith.constant 16 : i32
        %mul3A_1553 = arith.muli %while3A_1521, %mul3A_1552 : i32
        %add3A_1554 = vector.broadcast %mul3A_1553 : i32 to vector<16xi32>
        %add3A_1555 = arith.addi %iota3A, %add3A_1554 : vector<16xi32>
        %swap3A_1556 = arith.index_cast %while3A_1522 : i32 to index
        %swap3A_1557 = tpu.vector_load %arg19[%swap3A_1556] masked %lt3A_1551 {strides = array<i32>} : memref<48xi32, #tpu.memory_space<vmem>>, vector<16xi32>, vector<16xi1>
        tpu.vector_store %arg19[%swap3A_1556], %add3A_1555 masked %lt3A_1551 {strides = array<i32>} : memref<48xi32, #tpu.memory_space<vmem>>, vector<16xi32>, vector<16xi1>
        %select_n3A_1558 = arith.select %lt3A_1551, %broadcast_in_dim3A_287, %broadcast_in_dim3A_285 : vector<16xi1>, vector<16xi32>
        %reduce_sum3A = arith.constant true
        %reduce_sum3A_1559 = vector.broadcast %reduce_sum3A : i1 to vector<16xi1>
        %reduce_sum3A_1560 = tpu.scan <sum>, %select_n3A_1558 masked %reduce_sum3A_1559 : vector<16xi32>, vector<16xi1> -> vector<16xi32>
        %reduce_sum3A_1561 = vector.extract %reduce_sum3A_1560[15] : i32 from vector<16xi32>
        %add3A_1562 = arith.addi %while3A_1522, %reduce_sum3A_1561 : i32
        %add3A_1563 = arith.constant 1 : i32
        %add3A_1564 = arith.addi %while3A_1521, %add3A_1563 : i32
        scf.yield %add3A_1564, %add3A_1562 : i32, i32
      }
      %get3A_1122 = arith.constant 0 : index
      %get3A_1123 = tpu.vector_load %arg19[%get3A_1122] {strides = array<i32>} : memref<48xi32, #tpu.memory_space<vmem>>, vector<16xi32>,
      %get3A_1124 = arith.constant 16 : index
      %get3A_1125 = tpu.vector_load %arg19[%get3A_1124] {strides = array<i32>} : memref<48xi32, #tpu.memory_space<vmem>>, vector<16xi32>,
      %broadcast_in_dim3A_1126 = vector.broadcast %while3A_1121#1 : i32 to vector<16xi32>
      %gather3A_1127 = tpu.vector_load_idx %arg19[%broadcast_in_dim3A_285] : memref<48xi32, #tpu.memory_space<vmem>>[vector<16xi32>], vector<16xi32>,
      %gt3A_1128 = arith.constant 0 : i32
      %gt3A_1129 = vector.broadcast %gt3A_1128 : i32 to vector<16xi32>
      %gt3A_1130 = arith.cmpi sgt, %broadcast_in_dim3A_1126, %gt3A_1129 : vector<16xi32>
      %select_n3A_1131 = arith.select %gt3A_1130, %gather3A_1127, %broadcast_in_dim3A_285 : vector<16xi1>, vector<16xi32>
      %lt3A_1132 = arith.cmpi slt, %iota3A, %broadcast_in_dim3A_1126 : vector<16xi32>
      %select_n3A_1133 = arith.select %lt3A_1132, %get3A_1123, %select_n3A_1131 : vector<16xi1>, vector<16xi32>
      %add3A_1134 = arith.constant 16 : i32
      %add3A_1135 = vector.broadcast %add3A_1134 : i32 to vector<16xi32>
      %add3A_1136 = arith.addi %iota3A, %add3A_1135 : vector<16xi32>
      %lt3A_1137 = arith.cmpi slt, %add3A_1136, %broadcast_in_dim3A_1126 : vector<16xi32>
      %select_n3A_1138 = arith.select %lt3A_1137, %get3A_1125, %select_n3A_1131 : vector<16xi1>, vector<16xi32>
      %mul3A_1139 = arith.constant 32 : i32
      %mul3A_1140 = arith.muli %add3A_1064, %mul3A_1139 : i32
      %swap3A_1141 = arith.index_cast %mul3A_1140 : i32 to index
      %swap3A_1142 = tpu.vector_load %arg20[%swap3A_1141] {strides = array<i32>} : memref<4096xi32, #tpu.memory_space<vmem>>, vector<16xi32>,
      tpu.vector_store %arg20[%swap3A_1141], %select_n3A_1133 {strides = array<i32>} : memref<4096xi32, #tpu.memory_space<vmem>>, vector<16xi32>,
      %add3A_1143 = arith.constant 16 : i32
      %add3A_1144 = arith.addi %mul3A_1140, %add3A_1143 : i32
      %swap3A_1145 = arith.index_cast %add3A_1144 : i32 to index
      %swap3A_1146 = tpu.vector_load %arg20[%swap3A_1145] {strides = array<i32>} : memref<4096xi32, #tpu.memory_space<vmem>>, vector<16xi32>,
      tpu.vector_store %arg20[%swap3A_1145], %select_n3A_1138 {strides = array<i32>} : memref<4096xi32, #tpu.memory_space<vmem>>, vector<16xi32>,
      %add3A_1147 = vector.broadcast %mul3A_289 : i32 to vector<16xi32>
      %add3A_1148 = arith.addi %select_n3A_1133, %add3A_1147 : vector<16xi32>
      %swap3A_1149 = arith.index_cast %add3A_916 : i32 to index
      %swap3A_1150 = arith.constant 32 : index
      %swap3A_1151 = tpu.vector_load %arg21[%swap3A_1149, %swap3A_1150] {strides = array<i32>} : memref<32x128xi32, #tpu.memory_space<vmem>>, vector<16xi32>,
      tpu.vector_store %arg21[%swap3A_1149, %swap3A_1150], %add3A_1148 {strides = array<i32>} : memref<32x128xi32, #tpu.memory_space<vmem>>, vector<16xi32>,
      %add3A_1152 = vector.broadcast %mul3A_289 : i32 to vector<16xi32>
      %add3A_1153 = arith.addi %select_n3A_1138, %add3A_1152 : vector<16xi32>
      %swap3A_1154 = arith.index_cast %add3A_916 : i32 to index
      %swap3A_1155 = arith.constant 48 : index
      %swap3A_1156 = tpu.vector_load %arg21[%swap3A_1154, %swap3A_1155] {strides = array<i32>} : memref<32x128xi32, #tpu.memory_space<vmem>>, vector<16xi32>,
      tpu.vector_store %arg21[%swap3A_1154, %swap3A_1155], %add3A_1153 {strides = array<i32>} : memref<32x128xi32, #tpu.memory_space<vmem>>, vector<16xi32>,
      %mul3A_1157 = arith.constant 3 : i32
      %mul3A_1158 = vector.broadcast %mul3A_1157 : i32 to vector<16xi32>
      %mul3A_1159 = arith.muli %select_n3A_1133, %mul3A_1158 : vector<16xi32>
      %mul3A_1160 = arith.constant 3 : i32
      %mul3A_1161 = vector.broadcast %mul3A_1160 : i32 to vector<16xi32>
      %mul3A_1162 = arith.muli %select_n3A_1138, %mul3A_1161 : vector<16xi32>
      %gather3A_1163 = tpu.vector_load_idx %arg9[%mul3A_1159] : memref<24576xf32, #tpu.memory_space<vmem>>[vector<16xi32>], vector<16xf32>,
      %sub3A_1164 = arith.subf %gather3A_1163, %gather3A_1066 : vector<16xf32>
      %swap3A_1165 = arith.index_cast %mul3A_1140 : i32 to index
      %swap3A_1166 = tpu.vector_load %arg22[%swap3A_1165] {strides = array<i32>} : memref<4096xf32, #tpu.memory_space<vmem>>, vector<16xf32>,
      tpu.vector_store %arg22[%swap3A_1165], %sub3A_1164 {strides = array<i32>} : memref<4096xf32, #tpu.memory_space<vmem>>, vector<16xf32>,
      %gather3A_1167 = tpu.vector_load_idx %arg9[%mul3A_1162] : memref<24576xf32, #tpu.memory_space<vmem>>[vector<16xi32>], vector<16xf32>,
      %sub3A_1168 = arith.subf %gather3A_1167, %gather3A_1066 : vector<16xf32>
      %add3A_1169 = arith.constant 16 : i32
      %add3A_1170 = arith.addi %mul3A_1140, %add3A_1169 : i32
      %swap3A_1171 = arith.index_cast %add3A_1170 : i32 to index
      %swap3A_1172 = tpu.vector_load %arg22[%swap3A_1171] {strides = array<i32>} : memref<4096xf32, #tpu.memory_space<vmem>>, vector<16xf32>,
      tpu.vector_store %arg22[%swap3A_1171], %sub3A_1168 {strides = array<i32>} : memref<4096xf32, #tpu.memory_space<vmem>>, vector<16xf32>,
      %add3A_1173 = arith.constant 1 : i32
      %add3A_1174 = vector.broadcast %add3A_1173 : i32 to vector<16xi32>
      %add3A_1175 = arith.addi %mul3A_1159, %add3A_1174 : vector<16xi32>
      %gather3A_1176 = tpu.vector_load_idx %arg9[%add3A_1175] : memref<24576xf32, #tpu.memory_space<vmem>>[vector<16xi32>], vector<16xf32>,
      %sub3A_1177 = arith.subf %gather3A_1176, %gather3A_1067 : vector<16xf32>
      %swap3A_1178 = arith.index_cast %mul3A_1140 : i32 to index
      %swap3A_1179 = tpu.vector_load %arg23[%swap3A_1178] {strides = array<i32>} : memref<4096xf32, #tpu.memory_space<vmem>>, vector<16xf32>,
      tpu.vector_store %arg23[%swap3A_1178], %sub3A_1177 {strides = array<i32>} : memref<4096xf32, #tpu.memory_space<vmem>>, vector<16xf32>,
      %add3A_1180 = arith.constant 1 : i32
      %add3A_1181 = vector.broadcast %add3A_1180 : i32 to vector<16xi32>
      %add3A_1182 = arith.addi %mul3A_1162, %add3A_1181 : vector<16xi32>
      %gather3A_1183 = tpu.vector_load_idx %arg9[%add3A_1182] : memref<24576xf32, #tpu.memory_space<vmem>>[vector<16xi32>], vector<16xf32>,
      %sub3A_1184 = arith.subf %gather3A_1183, %gather3A_1067 : vector<16xf32>
      %add3A_1185 = arith.constant 16 : i32
      %add3A_1186 = arith.addi %mul3A_1140, %add3A_1185 : i32
      %swap3A_1187 = arith.index_cast %add3A_1186 : i32 to index
      %swap3A_1188 = tpu.vector_load %arg23[%swap3A_1187] {strides = array<i32>} : memref<4096xf32, #tpu.memory_space<vmem>>, vector<16xf32>,
      tpu.vector_store %arg23[%swap3A_1187], %sub3A_1184 {strides = array<i32>} : memref<4096xf32, #tpu.memory_space<vmem>>, vector<16xf32>,
      %add3A_1189 = arith.constant 2 : i32
      %add3A_1190 = vector.broadcast %add3A_1189 : i32 to vector<16xi32>
      %add3A_1191 = arith.addi %mul3A_1159, %add3A_1190 : vector<16xi32>
      %gather3A_1192 = tpu.vector_load_idx %arg9[%add3A_1191] : memref<24576xf32, #tpu.memory_space<vmem>>[vector<16xi32>], vector<16xf32>,
      %sub3A_1193 = arith.subf %gather3A_1192, %gather3A_1068 : vector<16xf32>
      %swap3A_1194 = arith.index_cast %mul3A_1140 : i32 to index
      %swap3A_1195 = tpu.vector_load %arg24[%swap3A_1194] {strides = array<i32>} : memref<4096xf32, #tpu.memory_space<vmem>>, vector<16xf32>,
      tpu.vector_store %arg24[%swap3A_1194], %sub3A_1193 {strides = array<i32>} : memref<4096xf32, #tpu.memory_space<vmem>>, vector<16xf32>,
      %add3A_1196 = arith.constant 2 : i32
      %add3A_1197 = vector.broadcast %add3A_1196 : i32 to vector<16xi32>
      %add3A_1198 = arith.addi %mul3A_1162, %add3A_1197 : vector<16xi32>
      %gather3A_1199 = tpu.vector_load_idx %arg9[%add3A_1198] : memref<24576xf32, #tpu.memory_space<vmem>>[vector<16xi32>], vector<16xf32>,
      %sub3A_1200 = arith.subf %gather3A_1199, %gather3A_1068 : vector<16xf32>
      %add3A_1201 = arith.constant 16 : i32
      %add3A_1202 = arith.addi %mul3A_1140, %add3A_1201 : i32
      %swap3A_1203 = arith.index_cast %add3A_1202 : i32 to index
      %swap3A_1204 = tpu.vector_load %arg24[%swap3A_1203] {strides = array<i32>} : memref<4096xf32, #tpu.memory_space<vmem>>, vector<16xf32>,
      tpu.vector_store %arg24[%swap3A_1203], %sub3A_1200 {strides = array<i32>} : memref<4096xf32, #tpu.memory_space<vmem>>, vector<16xf32>,
      %mul3A_1205 = arith.constant 4 : i32
      %mul3A_1206 = arith.muli %add3A_916, %mul3A_1205 : i32
      %add3A_1207 = arith.constant 2 : i32
      %add3A_1208 = arith.addi %mul3A_1206, %add3A_1207 : i32
      %broadcast_in_dim3A_1209 = vector.broadcast %add3A_1208 : i32 to vector<16xi32>
      %gather3A_1210 = tpu.vector_load_idx %arg15[%broadcast_in_dim3A_1209] : memref<128xf32, #tpu.memory_space<vmem>>[vector<16xi32>], vector<16xf32>,
      %gather3A_1211 = tpu.vector_load_idx %arg16[%broadcast_in_dim3A_1209] : memref<128xf32, #tpu.memory_space<vmem>>[vector<16xi32>], vector<16xf32>,
      %gather3A_1212 = tpu.vector_load_idx %arg17[%broadcast_in_dim3A_1209] : memref<128xf32, #tpu.memory_space<vmem>>[vector<16xi32>], vector<16xf32>,
      %mul3A_1213 = arith.mulf %gather3A_1210, %gather3A_1210 : vector<16xf32>
      %mul3A_1214 = arith.mulf %gather3A_1211, %gather3A_1211 : vector<16xf32>
      %add3A_1215 = arith.addf %mul3A_1213, %mul3A_1214 : vector<16xf32>
      %mul3A_1216 = arith.mulf %gather3A_1212, %gather3A_1212 : vector<16xf32>
      %add3A_1217 = arith.addf %add3A_1215, %mul3A_1216 : vector<16xf32>
      %bitcast3A_1218 = vector.bitcast %gather3A_1210 : vector<16xf32> to vector<16xi32>
      %shift_right_logical3A_1219 = arith.constant 16 : i32
      %shift_right_logical3A_1220 = vector.broadcast %shift_right_logical3A_1219 : i32 to vector<16xi32>
      %shift_right_logical3A_1221 = arith.shrui %bitcast3A_1218, %shift_right_logical3A_1220 : vector<16xi32>
      %and3A_1222 = arith.constant 1 : i32
      %and3A_1223 = vector.broadcast %and3A_1222 : i32 to vector<16xi32>
      %and3A_1224 = arith.andi %shift_right_logical3A_1221, %and3A_1223 : vector<16xi32>
      %add3A_1225 = arith.constant 32767 : i32
      %add3A_1226 = vector.broadcast %add3A_1225 : i32 to vector<16xi32>
      %add3A_1227 = arith.addi %bitcast3A_1218, %add3A_1226 : vector<16xi32>
      %add3A_1228 = arith.addi %add3A_1227, %and3A_1224 : vector<16xi32>
      %and3A_1229 = arith.constant -65536 : i32
      %and3A_1230 = vector.broadcast %and3A_1229 : i32 to vector<16xi32>
      %and3A_1231 = arith.andi %add3A_1228, %and3A_1230 : vector<16xi32>
      %bitcast3A_1232 = vector.bitcast %and3A_1231 : vector<16xi32> to vector<16xf32>
      %bitcast3A_1233 = vector.bitcast %gather3A_1211 : vector<16xf32> to vector<16xi32>
      %shift_right_logical3A_1234 = arith.constant 16 : i32
      %shift_right_logical3A_1235 = vector.broadcast %shift_right_logical3A_1234 : i32 to vector<16xi32>
      %shift_right_logical3A_1236 = arith.shrui %bitcast3A_1233, %shift_right_logical3A_1235 : vector<16xi32>
      %and3A_1237 = arith.constant 1 : i32
      %and3A_1238 = vector.broadcast %and3A_1237 : i32 to vector<16xi32>
      %and3A_1239 = arith.andi %shift_right_logical3A_1236, %and3A_1238 : vector<16xi32>
      %add3A_1240 = arith.constant 32767 : i32
      %add3A_1241 = vector.broadcast %add3A_1240 : i32 to vector<16xi32>
      %add3A_1242 = arith.addi %bitcast3A_1233, %add3A_1241 : vector<16xi32>
      %add3A_1243 = arith.addi %add3A_1242, %and3A_1239 : vector<16xi32>
      %and3A_1244 = arith.constant -65536 : i32
      %and3A_1245 = vector.broadcast %and3A_1244 : i32 to vector<16xi32>
      %and3A_1246 = arith.andi %add3A_1243, %and3A_1245 : vector<16xi32>
      %bitcast3A_1247 = vector.bitcast %and3A_1246 : vector<16xi32> to vector<16xf32>
      %bitcast3A_1248 = vector.bitcast %gather3A_1212 : vector<16xf32> to vector<16xi32>
      %shift_right_logical3A_1249 = arith.constant 16 : i32
      %shift_right_logical3A_1250 = vector.broadcast %shift_right_logical3A_1249 : i32 to vector<16xi32>
      %shift_right_logical3A_1251 = arith.shrui %bitcast3A_1248, %shift_right_logical3A_1250 : vector<16xi32>
      %and3A_1252 = arith.constant 1 : i32
      %and3A_1253 = vector.broadcast %and3A_1252 : i32 to vector<16xi32>
      %and3A_1254 = arith.andi %shift_right_logical3A_1251, %and3A_1253 : vector<16xi32>
      %add3A_1255 = arith.constant 32767 : i32
      %add3A_1256 = vector.broadcast %add3A_1255 : i32 to vector<16xi32>
      %add3A_1257 = arith.addi %bitcast3A_1248, %add3A_1256 : vector<16xi32>
      %add3A_1258 = arith.addi %add3A_1257, %and3A_1254 : vector<16xi32>
      %and3A_1259 = arith.constant -65536 : i32
      %and3A_1260 = vector.broadcast %and3A_1259 : i32 to vector<16xi32>
      %and3A_1261 = arith.andi %add3A_1258, %and3A_1260 : vector<16xi32>
      %bitcast3A_1262 = vector.bitcast %and3A_1261 : vector<16xi32> to vector<16xf32>
      %while3A_1263 = arith.constant 0 : i32
      %while3A_1264 = arith.constant 0 : i32
      %while3A_1265:2 = scf.while (%while3A_1521 = %while3A_1263, %while3A_1522 = %while3A_1264) : (i32, i32) -> (i32, i32) {
        %lt3A_1523 = arith.constant 512 : i32
        %lt3A_1524 = arith.cmpi slt, %while3A_1521, %lt3A_1523 : i32
        %lt3A_1525 = arith.constant 32 : i32
        %lt3A_1526 = arith.cmpi slt, %while3A_1522, %lt3A_1525 : i32
        %and3A_1527 = arith.andi %lt3A_1524, %lt3A_1526 : i1
        scf.condition(%and3A_1527) %while3A_1521, %while3A_1522 : i32, i32
      } do {
      ^bb0(%while3A_1521: i32, %while3A_1522: i32):
        %mul3A_1523 = arith.constant 16 : i32
        %mul3A_1524 = arith.muli %while3A_1521, %mul3A_1523 : i32
        %get3A_1525 = arith.index_cast %mul3A_1524 : i32 to index
        %get3A_1526 = tpu.vector_load %arg10[%get3A_1525] {strides = array<i32>} : memref<8192xf32, #tpu.memory_space<vmem>>, vector<16xf32>,
        %mul3A_1527 = arith.mulf %bitcast3A_1232, %get3A_1526 : vector<16xf32>
        %mul3A_1528 = arith.constant 16 : i32
        %mul3A_1529 = arith.muli %while3A_1521, %mul3A_1528 : i32
        %get3A_1530 = arith.index_cast %mul3A_1529 : i32 to index
        %get3A_1531 = tpu.vector_load %arg11[%get3A_1530] {strides = array<i32>} : memref<8192xf32, #tpu.memory_space<vmem>>, vector<16xf32>,
        %mul3A_1532 = arith.mulf %bitcast3A_1247, %get3A_1531 : vector<16xf32>
        %add3A_1533 = arith.addf %mul3A_1527, %mul3A_1532 : vector<16xf32>
        %mul3A_1534 = arith.constant 16 : i32
        %mul3A_1535 = arith.muli %while3A_1521, %mul3A_1534 : i32
        %get3A_1536 = arith.index_cast %mul3A_1535 : i32 to index
        %get3A_1537 = tpu.vector_load %arg12[%get3A_1536] {strides = array<i32>} : memref<8192xf32, #tpu.memory_space<vmem>>, vector<16xf32>,
        %mul3A_1538 = arith.mulf %bitcast3A_1262, %get3A_1537 : vector<16xf32>
        %add3A_1539 = arith.addf %add3A_1533, %mul3A_1538 : vector<16xf32>
        %mul3A_1540 = arith.constant 16 : i32
        %mul3A_1541 = arith.muli %while3A_1521, %mul3A_1540 : i32
        %get3A_1542 = arith.index_cast %mul3A_1541 : i32 to index
        %get3A_1543 = tpu.vector_load %arg13[%get3A_1542] {strides = array<i32>} : memref<8192xf32, #tpu.memory_space<vmem>>, vector<16xf32>,
        %add3A_1544 = arith.addf %add3A_1217, %get3A_1543 : vector<16xf32>
        %mul3A_1545 = arith.constant 2.000000e+00 : f32
        %mul3A_1546 = vector.broadcast %mul3A_1545 : f32 to vector<16xf32>
        %mul3A_1547 = arith.mulf %mul3A_1546, %add3A_1539 : vector<16xf32>
        %sub3A_1548 = arith.subf %add3A_1544, %mul3A_1547 : vector<16xf32>
        %lt3A_1549 = arith.constant 0.160000011 : f32
        %lt3A_1550 = vector.broadcast %lt3A_1549 : f32 to vector<16xf32>
        %lt3A_1551 = arith.cmpf olt, %sub3A_1548, %lt3A_1550 : vector<16xf32>
        %mul3A_1552 = arith.constant 16 : i32
        %mul3A_1553 = arith.muli %while3A_1521, %mul3A_1552 : i32
        %add3A_1554 = vector.broadcast %mul3A_1553 : i32 to vector<16xi32>
        %add3A_1555 = arith.addi %iota3A, %add3A_1554 : vector<16xi32>
        %swap3A_1556 = arith.index_cast %while3A_1522 : i32 to index
        %swap3A_1557 = tpu.vector_load %arg19[%swap3A_1556] masked %lt3A_1551 {strides = array<i32>} : memref<48xi32, #tpu.memory_space<vmem>>, vector<16xi32>, vector<16xi1>
        tpu.vector_store %arg19[%swap3A_1556], %add3A_1555 masked %lt3A_1551 {strides = array<i32>} : memref<48xi32, #tpu.memory_space<vmem>>, vector<16xi32>, vector<16xi1>
        %select_n3A_1558 = arith.select %lt3A_1551, %broadcast_in_dim3A_287, %broadcast_in_dim3A_285 : vector<16xi1>, vector<16xi32>
        %reduce_sum3A = arith.constant true
        %reduce_sum3A_1559 = vector.broadcast %reduce_sum3A : i1 to vector<16xi1>
        %reduce_sum3A_1560 = tpu.scan <sum>, %select_n3A_1558 masked %reduce_sum3A_1559 : vector<16xi32>, vector<16xi1> -> vector<16xi32>
        %reduce_sum3A_1561 = vector.extract %reduce_sum3A_1560[15] : i32 from vector<16xi32>
        %add3A_1562 = arith.addi %while3A_1522, %reduce_sum3A_1561 : i32
        %add3A_1563 = arith.constant 1 : i32
        %add3A_1564 = arith.addi %while3A_1521, %add3A_1563 : i32
        scf.yield %add3A_1564, %add3A_1562 : i32, i32
      }
      %get3A_1266 = arith.constant 0 : index
      %get3A_1267 = tpu.vector_load %arg19[%get3A_1266] {strides = array<i32>} : memref<48xi32, #tpu.memory_space<vmem>>, vector<16xi32>,
      %get3A_1268 = arith.constant 16 : index
      %get3A_1269 = tpu.vector_load %arg19[%get3A_1268] {strides = array<i32>} : memref<48xi32, #tpu.memory_space<vmem>>, vector<16xi32>,
      %broadcast_in_dim3A_1270 = vector.broadcast %while3A_1265#1 : i32 to vector<16xi32>
      %gather3A_1271 = tpu.vector_load_idx %arg19[%broadcast_in_dim3A_285] : memref<48xi32, #tpu.memory_space<vmem>>[vector<16xi32>], vector<16xi32>,
      %gt3A_1272 = arith.constant 0 : i32
      %gt3A_1273 = vector.broadcast %gt3A_1272 : i32 to vector<16xi32>
      %gt3A_1274 = arith.cmpi sgt, %broadcast_in_dim3A_1270, %gt3A_1273 : vector<16xi32>
      %select_n3A_1275 = arith.select %gt3A_1274, %gather3A_1271, %broadcast_in_dim3A_285 : vector<16xi1>, vector<16xi32>
      %lt3A_1276 = arith.cmpi slt, %iota3A, %broadcast_in_dim3A_1270 : vector<16xi32>
      %select_n3A_1277 = arith.select %lt3A_1276, %get3A_1267, %select_n3A_1275 : vector<16xi1>, vector<16xi32>
      %add3A_1278 = arith.constant 16 : i32
      %add3A_1279 = vector.broadcast %add3A_1278 : i32 to vector<16xi32>
      %add3A_1280 = arith.addi %iota3A, %add3A_1279 : vector<16xi32>
      %lt3A_1281 = arith.cmpi slt, %add3A_1280, %broadcast_in_dim3A_1270 : vector<16xi32>
      %select_n3A_1282 = arith.select %lt3A_1281, %get3A_1269, %select_n3A_1275 : vector<16xi1>, vector<16xi32>
      %mul3A_1283 = arith.constant 32 : i32
      %mul3A_1284 = arith.muli %add3A_1208, %mul3A_1283 : i32
      %swap3A_1285 = arith.index_cast %mul3A_1284 : i32 to index
      %swap3A_1286 = tpu.vector_load %arg20[%swap3A_1285] {strides = array<i32>} : memref<4096xi32, #tpu.memory_space<vmem>>, vector<16xi32>,
      tpu.vector_store %arg20[%swap3A_1285], %select_n3A_1277 {strides = array<i32>} : memref<4096xi32, #tpu.memory_space<vmem>>, vector<16xi32>,
      %add3A_1287 = arith.constant 16 : i32
      %add3A_1288 = arith.addi %mul3A_1284, %add3A_1287 : i32
      %swap3A_1289 = arith.index_cast %add3A_1288 : i32 to index
      %swap3A_1290 = tpu.vector_load %arg20[%swap3A_1289] {strides = array<i32>} : memref<4096xi32, #tpu.memory_space<vmem>>, vector<16xi32>,
      tpu.vector_store %arg20[%swap3A_1289], %select_n3A_1282 {strides = array<i32>} : memref<4096xi32, #tpu.memory_space<vmem>>, vector<16xi32>,
      %add3A_1291 = vector.broadcast %mul3A_289 : i32 to vector<16xi32>
      %add3A_1292 = arith.addi %select_n3A_1277, %add3A_1291 : vector<16xi32>
      %swap3A_1293 = arith.index_cast %add3A_916 : i32 to index
      %swap3A_1294 = arith.constant 64 : index
      %swap3A_1295 = tpu.vector_load %arg21[%swap3A_1293, %swap3A_1294] {strides = array<i32>} : memref<32x128xi32, #tpu.memory_space<vmem>>, vector<16xi32>,
      tpu.vector_store %arg21[%swap3A_1293, %swap3A_1294], %add3A_1292 {strides = array<i32>} : memref<32x128xi32, #tpu.memory_space<vmem>>, vector<16xi32>,
      %add3A_1296 = vector.broadcast %mul3A_289 : i32 to vector<16xi32>
      %add3A_1297 = arith.addi %select_n3A_1282, %add3A_1296 : vector<16xi32>
      %swap3A_1298 = arith.index_cast %add3A_916 : i32 to index
      %swap3A_1299 = arith.constant 80 : index
      %swap3A_1300 = tpu.vector_load %arg21[%swap3A_1298, %swap3A_1299] {strides = array<i32>} : memref<32x128xi32, #tpu.memory_space<vmem>>, vector<16xi32>,
      tpu.vector_store %arg21[%swap3A_1298, %swap3A_1299], %add3A_1297 {strides = array<i32>} : memref<32x128xi32, #tpu.memory_space<vmem>>, vector<16xi32>,
      %mul3A_1301 = arith.constant 3 : i32
      %mul3A_1302 = vector.broadcast %mul3A_1301 : i32 to vector<16xi32>
      %mul3A_1303 = arith.muli %select_n3A_1277, %mul3A_1302 : vector<16xi32>
      %mul3A_1304 = arith.constant 3 : i32
      %mul3A_1305 = vector.broadcast %mul3A_1304 : i32 to vector<16xi32>
      %mul3A_1306 = arith.muli %select_n3A_1282, %mul3A_1305 : vector<16xi32>
      %gather3A_1307 = tpu.vector_load_idx %arg9[%mul3A_1303] : memref<24576xf32, #tpu.memory_space<vmem>>[vector<16xi32>], vector<16xf32>,
      %sub3A_1308 = arith.subf %gather3A_1307, %gather3A_1210 : vector<16xf32>
      %swap3A_1309 = arith.index_cast %mul3A_1284 : i32 to index
      %swap3A_1310 = tpu.vector_load %arg22[%swap3A_1309] {strides = array<i32>} : memref<4096xf32, #tpu.memory_space<vmem>>, vector<16xf32>,
      tpu.vector_store %arg22[%swap3A_1309], %sub3A_1308 {strides = array<i32>} : memref<4096xf32, #tpu.memory_space<vmem>>, vector<16xf32>,
      %gather3A_1311 = tpu.vector_load_idx %arg9[%mul3A_1306] : memref<24576xf32, #tpu.memory_space<vmem>>[vector<16xi32>], vector<16xf32>,
      %sub3A_1312 = arith.subf %gather3A_1311, %gather3A_1210 : vector<16xf32>
      %add3A_1313 = arith.constant 16 : i32
      %add3A_1314 = arith.addi %mul3A_1284, %add3A_1313 : i32
      %swap3A_1315 = arith.index_cast %add3A_1314 : i32 to index
      %swap3A_1316 = tpu.vector_load %arg22[%swap3A_1315] {strides = array<i32>} : memref<4096xf32, #tpu.memory_space<vmem>>, vector<16xf32>,
      tpu.vector_store %arg22[%swap3A_1315], %sub3A_1312 {strides = array<i32>} : memref<4096xf32, #tpu.memory_space<vmem>>, vector<16xf32>,
      %add3A_1317 = arith.constant 1 : i32
      %add3A_1318 = vector.broadcast %add3A_1317 : i32 to vector<16xi32>
      %add3A_1319 = arith.addi %mul3A_1303, %add3A_1318 : vector<16xi32>
      %gather3A_1320 = tpu.vector_load_idx %arg9[%add3A_1319] : memref<24576xf32, #tpu.memory_space<vmem>>[vector<16xi32>], vector<16xf32>,
      %sub3A_1321 = arith.subf %gather3A_1320, %gather3A_1211 : vector<16xf32>
      %swap3A_1322 = arith.index_cast %mul3A_1284 : i32 to index
      %swap3A_1323 = tpu.vector_load %arg23[%swap3A_1322] {strides = array<i32>} : memref<4096xf32, #tpu.memory_space<vmem>>, vector<16xf32>,
      tpu.vector_store %arg23[%swap3A_1322], %sub3A_1321 {strides = array<i32>} : memref<4096xf32, #tpu.memory_space<vmem>>, vector<16xf32>,
      %add3A_1324 = arith.constant 1 : i32
      %add3A_1325 = vector.broadcast %add3A_1324 : i32 to vector<16xi32>
      %add3A_1326 = arith.addi %mul3A_1306, %add3A_1325 : vector<16xi32>
      %gather3A_1327 = tpu.vector_load_idx %arg9[%add3A_1326] : memref<24576xf32, #tpu.memory_space<vmem>>[vector<16xi32>], vector<16xf32>,
      %sub3A_1328 = arith.subf %gather3A_1327, %gather3A_1211 : vector<16xf32>
      %add3A_1329 = arith.constant 16 : i32
      %add3A_1330 = arith.addi %mul3A_1284, %add3A_1329 : i32
      %swap3A_1331 = arith.index_cast %add3A_1330 : i32 to index
      %swap3A_1332 = tpu.vector_load %arg23[%swap3A_1331] {strides = array<i32>} : memref<4096xf32, #tpu.memory_space<vmem>>, vector<16xf32>,
      tpu.vector_store %arg23[%swap3A_1331], %sub3A_1328 {strides = array<i32>} : memref<4096xf32, #tpu.memory_space<vmem>>, vector<16xf32>,
      %add3A_1333 = arith.constant 2 : i32
      %add3A_1334 = vector.broadcast %add3A_1333 : i32 to vector<16xi32>
      %add3A_1335 = arith.addi %mul3A_1303, %add3A_1334 : vector<16xi32>
      %gather3A_1336 = tpu.vector_load_idx %arg9[%add3A_1335] : memref<24576xf32, #tpu.memory_space<vmem>>[vector<16xi32>], vector<16xf32>,
      %sub3A_1337 = arith.subf %gather3A_1336, %gather3A_1212 : vector<16xf32>
      %swap3A_1338 = arith.index_cast %mul3A_1284 : i32 to index
      %swap3A_1339 = tpu.vector_load %arg24[%swap3A_1338] {strides = array<i32>} : memref<4096xf32, #tpu.memory_space<vmem>>, vector<16xf32>,
      tpu.vector_store %arg24[%swap3A_1338], %sub3A_1337 {strides = array<i32>} : memref<4096xf32, #tpu.memory_space<vmem>>, vector<16xf32>,
      %add3A_1340 = arith.constant 2 : i32
      %add3A_1341 = vector.broadcast %add3A_1340 : i32 to vector<16xi32>
      %add3A_1342 = arith.addi %mul3A_1306, %add3A_1341 : vector<16xi32>
      %gather3A_1343 = tpu.vector_load_idx %arg9[%add3A_1342] : memref<24576xf32, #tpu.memory_space<vmem>>[vector<16xi32>], vector<16xf32>,
      %sub3A_1344 = arith.subf %gather3A_1343, %gather3A_1212 : vector<16xf32>
      %add3A_1345 = arith.constant 16 : i32
      %add3A_1346 = arith.addi %mul3A_1284, %add3A_1345 : i32
      %swap3A_1347 = arith.index_cast %add3A_1346 : i32 to index
      %swap3A_1348 = tpu.vector_load %arg24[%swap3A_1347] {strides = array<i32>} : memref<4096xf32, #tpu.memory_space<vmem>>, vector<16xf32>,
      tpu.vector_store %arg24[%swap3A_1347], %sub3A_1344 {strides = array<i32>} : memref<4096xf32, #tpu.memory_space<vmem>>, vector<16xf32>,
      %mul3A_1349 = arith.constant 4 : i32
      %mul3A_1350 = arith.muli %add3A_916, %mul3A_1349 : i32
      %add3A_1351 = arith.constant 3 : i32
      %add3A_1352 = arith.addi %mul3A_1350, %add3A_1351 : i32
      %broadcast_in_dim3A_1353 = vector.broadcast %add3A_1352 : i32 to vector<16xi32>
      %gather3A_1354 = tpu.vector_load_idx %arg15[%broadcast_in_dim3A_1353] : memref<128xf32, #tpu.memory_space<vmem>>[vector<16xi32>], vector<16xf32>,
      %gather3A_1355 = tpu.vector_load_idx %arg16[%broadcast_in_dim3A_1353] : memref<128xf32, #tpu.memory_space<vmem>>[vector<16xi32>], vector<16xf32>,
      %gather3A_1356 = tpu.vector_load_idx %arg17[%broadcast_in_dim3A_1353] : memref<128xf32, #tpu.memory_space<vmem>>[vector<16xi32>], vector<16xf32>,
      %mul3A_1357 = arith.mulf %gather3A_1354, %gather3A_1354 : vector<16xf32>
      %mul3A_1358 = arith.mulf %gather3A_1355, %gather3A_1355 : vector<16xf32>
      %add3A_1359 = arith.addf %mul3A_1357, %mul3A_1358 : vector<16xf32>
      %mul3A_1360 = arith.mulf %gather3A_1356, %gather3A_1356 : vector<16xf32>
      %add3A_1361 = arith.addf %add3A_1359, %mul3A_1360 : vector<16xf32>
      %bitcast3A_1362 = vector.bitcast %gather3A_1354 : vector<16xf32> to vector<16xi32>
      %shift_right_logical3A_1363 = arith.constant 16 : i32
      %shift_right_logical3A_1364 = vector.broadcast %shift_right_logical3A_1363 : i32 to vector<16xi32>
      %shift_right_logical3A_1365 = arith.shrui %bitcast3A_1362, %shift_right_logical3A_1364 : vector<16xi32>
      %and3A_1366 = arith.constant 1 : i32
      %and3A_1367 = vector.broadcast %and3A_1366 : i32 to vector<16xi32>
      %and3A_1368 = arith.andi %shift_right_logical3A_1365, %and3A_1367 : vector<16xi32>
      %add3A_1369 = arith.constant 32767 : i32
      %add3A_1370 = vector.broadcast %add3A_1369 : i32 to vector<16xi32>
      %add3A_1371 = arith.addi %bitcast3A_1362, %add3A_1370 : vector<16xi32>
      %add3A_1372 = arith.addi %add3A_1371, %and3A_1368 : vector<16xi32>
      %and3A_1373 = arith.constant -65536 : i32
      %and3A_1374 = vector.broadcast %and3A_1373 : i32 to vector<16xi32>
      %and3A_1375 = arith.andi %add3A_1372, %and3A_1374 : vector<16xi32>
      %bitcast3A_1376 = vector.bitcast %and3A_1375 : vector<16xi32> to vector<16xf32>
      %bitcast3A_1377 = vector.bitcast %gather3A_1355 : vector<16xf32> to vector<16xi32>
      %shift_right_logical3A_1378 = arith.constant 16 : i32
      %shift_right_logical3A_1379 = vector.broadcast %shift_right_logical3A_1378 : i32 to vector<16xi32>
      %shift_right_logical3A_1380 = arith.shrui %bitcast3A_1377, %shift_right_logical3A_1379 : vector<16xi32>
      %and3A_1381 = arith.constant 1 : i32
      %and3A_1382 = vector.broadcast %and3A_1381 : i32 to vector<16xi32>
      %and3A_1383 = arith.andi %shift_right_logical3A_1380, %and3A_1382 : vector<16xi32>
      %add3A_1384 = arith.constant 32767 : i32
      %add3A_1385 = vector.broadcast %add3A_1384 : i32 to vector<16xi32>
      %add3A_1386 = arith.addi %bitcast3A_1377, %add3A_1385 : vector<16xi32>
      %add3A_1387 = arith.addi %add3A_1386, %and3A_1383 : vector<16xi32>
      %and3A_1388 = arith.constant -65536 : i32
      %and3A_1389 = vector.broadcast %and3A_1388 : i32 to vector<16xi32>
      %and3A_1390 = arith.andi %add3A_1387, %and3A_1389 : vector<16xi32>
      %bitcast3A_1391 = vector.bitcast %and3A_1390 : vector<16xi32> to vector<16xf32>
      %bitcast3A_1392 = vector.bitcast %gather3A_1356 : vector<16xf32> to vector<16xi32>
      %shift_right_logical3A_1393 = arith.constant 16 : i32
      %shift_right_logical3A_1394 = vector.broadcast %shift_right_logical3A_1393 : i32 to vector<16xi32>
      %shift_right_logical3A_1395 = arith.shrui %bitcast3A_1392, %shift_right_logical3A_1394 : vector<16xi32>
      %and3A_1396 = arith.constant 1 : i32
      %and3A_1397 = vector.broadcast %and3A_1396 : i32 to vector<16xi32>
      %and3A_1398 = arith.andi %shift_right_logical3A_1395, %and3A_1397 : vector<16xi32>
      %add3A_1399 = arith.constant 32767 : i32
      %add3A_1400 = vector.broadcast %add3A_1399 : i32 to vector<16xi32>
      %add3A_1401 = arith.addi %bitcast3A_1392, %add3A_1400 : vector<16xi32>
      %add3A_1402 = arith.addi %add3A_1401, %and3A_1398 : vector<16xi32>
      %and3A_1403 = arith.constant -65536 : i32
      %and3A_1404 = vector.broadcast %and3A_1403 : i32 to vector<16xi32>
      %and3A_1405 = arith.andi %add3A_1402, %and3A_1404 : vector<16xi32>
      %bitcast3A_1406 = vector.bitcast %and3A_1405 : vector<16xi32> to vector<16xf32>
      %while3A_1407 = arith.constant 0 : i32
      %while3A_1408 = arith.constant 0 : i32
      %while3A_1409:2 = scf.while (%while3A_1521 = %while3A_1407, %while3A_1522 = %while3A_1408) : (i32, i32) -> (i32, i32) {
        %lt3A_1523 = arith.constant 512 : i32
        %lt3A_1524 = arith.cmpi slt, %while3A_1521, %lt3A_1523 : i32
        %lt3A_1525 = arith.constant 32 : i32
        %lt3A_1526 = arith.cmpi slt, %while3A_1522, %lt3A_1525 : i32
        %and3A_1527 = arith.andi %lt3A_1524, %lt3A_1526 : i1
        scf.condition(%and3A_1527) %while3A_1521, %while3A_1522 : i32, i32
      } do {
      ^bb0(%while3A_1521: i32, %while3A_1522: i32):
        %mul3A_1523 = arith.constant 16 : i32
        %mul3A_1524 = arith.muli %while3A_1521, %mul3A_1523 : i32
        %get3A_1525 = arith.index_cast %mul3A_1524 : i32 to index
        %get3A_1526 = tpu.vector_load %arg10[%get3A_1525] {strides = array<i32>} : memref<8192xf32, #tpu.memory_space<vmem>>, vector<16xf32>,
        %mul3A_1527 = arith.mulf %bitcast3A_1376, %get3A_1526 : vector<16xf32>
        %mul3A_1528 = arith.constant 16 : i32
        %mul3A_1529 = arith.muli %while3A_1521, %mul3A_1528 : i32
        %get3A_1530 = arith.index_cast %mul3A_1529 : i32 to index
        %get3A_1531 = tpu.vector_load %arg11[%get3A_1530] {strides = array<i32>} : memref<8192xf32, #tpu.memory_space<vmem>>, vector<16xf32>,
        %mul3A_1532 = arith.mulf %bitcast3A_1391, %get3A_1531 : vector<16xf32>
        %add3A_1533 = arith.addf %mul3A_1527, %mul3A_1532 : vector<16xf32>
        %mul3A_1534 = arith.constant 16 : i32
        %mul3A_1535 = arith.muli %while3A_1521, %mul3A_1534 : i32
        %get3A_1536 = arith.index_cast %mul3A_1535 : i32 to index
        %get3A_1537 = tpu.vector_load %arg12[%get3A_1536] {strides = array<i32>} : memref<8192xf32, #tpu.memory_space<vmem>>, vector<16xf32>,
        %mul3A_1538 = arith.mulf %bitcast3A_1406, %get3A_1537 : vector<16xf32>
        %add3A_1539 = arith.addf %add3A_1533, %mul3A_1538 : vector<16xf32>
        %mul3A_1540 = arith.constant 16 : i32
        %mul3A_1541 = arith.muli %while3A_1521, %mul3A_1540 : i32
        %get3A_1542 = arith.index_cast %mul3A_1541 : i32 to index
        %get3A_1543 = tpu.vector_load %arg13[%get3A_1542] {strides = array<i32>} : memref<8192xf32, #tpu.memory_space<vmem>>, vector<16xf32>,
        %add3A_1544 = arith.addf %add3A_1361, %get3A_1543 : vector<16xf32>
        %mul3A_1545 = arith.constant 2.000000e+00 : f32
        %mul3A_1546 = vector.broadcast %mul3A_1545 : f32 to vector<16xf32>
        %mul3A_1547 = arith.mulf %mul3A_1546, %add3A_1539 : vector<16xf32>
        %sub3A_1548 = arith.subf %add3A_1544, %mul3A_1547 : vector<16xf32>
        %lt3A_1549 = arith.constant 0.160000011 : f32
        %lt3A_1550 = vector.broadcast %lt3A_1549 : f32 to vector<16xf32>
        %lt3A_1551 = arith.cmpf olt, %sub3A_1548, %lt3A_1550 : vector<16xf32>
        %mul3A_1552 = arith.constant 16 : i32
        %mul3A_1553 = arith.muli %while3A_1521, %mul3A_1552 : i32
        %add3A_1554 = vector.broadcast %mul3A_1553 : i32 to vector<16xi32>
        %add3A_1555 = arith.addi %iota3A, %add3A_1554 : vector<16xi32>
        %swap3A_1556 = arith.index_cast %while3A_1522 : i32 to index
        %swap3A_1557 = tpu.vector_load %arg19[%swap3A_1556] masked %lt3A_1551 {strides = array<i32>} : memref<48xi32, #tpu.memory_space<vmem>>, vector<16xi32>, vector<16xi1>
        tpu.vector_store %arg19[%swap3A_1556], %add3A_1555 masked %lt3A_1551 {strides = array<i32>} : memref<48xi32, #tpu.memory_space<vmem>>, vector<16xi32>, vector<16xi1>
        %select_n3A_1558 = arith.select %lt3A_1551, %broadcast_in_dim3A_287, %broadcast_in_dim3A_285 : vector<16xi1>, vector<16xi32>
        %reduce_sum3A = arith.constant true
        %reduce_sum3A_1559 = vector.broadcast %reduce_sum3A : i1 to vector<16xi1>
        %reduce_sum3A_1560 = tpu.scan <sum>, %select_n3A_1558 masked %reduce_sum3A_1559 : vector<16xi32>, vector<16xi1> -> vector<16xi32>
        %reduce_sum3A_1561 = vector.extract %reduce_sum3A_1560[15] : i32 from vector<16xi32>
        %add3A_1562 = arith.addi %while3A_1522, %reduce_sum3A_1561 : i32
        %add3A_1563 = arith.constant 1 : i32
        %add3A_1564 = arith.addi %while3A_1521, %add3A_1563 : i32
        scf.yield %add3A_1564, %add3A_1562 : i32, i32
      }
      %get3A_1410 = arith.constant 0 : index
      %get3A_1411 = tpu.vector_load %arg19[%get3A_1410] {strides = array<i32>} : memref<48xi32, #tpu.memory_space<vmem>>, vector<16xi32>,
      %get3A_1412 = arith.constant 16 : index
      %get3A_1413 = tpu.vector_load %arg19[%get3A_1412] {strides = array<i32>} : memref<48xi32, #tpu.memory_space<vmem>>, vector<16xi32>,
      %broadcast_in_dim3A_1414 = vector.broadcast %while3A_1409#1 : i32 to vector<16xi32>
      %gather3A_1415 = tpu.vector_load_idx %arg19[%broadcast_in_dim3A_285] : memref<48xi32, #tpu.memory_space<vmem>>[vector<16xi32>], vector<16xi32>,
      %gt3A_1416 = arith.constant 0 : i32
      %gt3A_1417 = vector.broadcast %gt3A_1416 : i32 to vector<16xi32>
      %gt3A_1418 = arith.cmpi sgt, %broadcast_in_dim3A_1414, %gt3A_1417 : vector<16xi32>
      %select_n3A_1419 = arith.select %gt3A_1418, %gather3A_1415, %broadcast_in_dim3A_285 : vector<16xi1>, vector<16xi32>
      %lt3A_1420 = arith.cmpi slt, %iota3A, %broadcast_in_dim3A_1414 : vector<16xi32>
      %select_n3A_1421 = arith.select %lt3A_1420, %get3A_1411, %select_n3A_1419 : vector<16xi1>, vector<16xi32>
      %add3A_1422 = arith.constant 16 : i32
      %add3A_1423 = vector.broadcast %add3A_1422 : i32 to vector<16xi32>
      %add3A_1424 = arith.addi %iota3A, %add3A_1423 : vector<16xi32>
      %lt3A_1425 = arith.cmpi slt, %add3A_1424, %broadcast_in_dim3A_1414 : vector<16xi32>
      %select_n3A_1426 = arith.select %lt3A_1425, %get3A_1413, %select_n3A_1419 : vector<16xi1>, vector<16xi32>
      %mul3A_1427 = arith.constant 32 : i32
      %mul3A_1428 = arith.muli %add3A_1352, %mul3A_1427 : i32
      %swap3A_1429 = arith.index_cast %mul3A_1428 : i32 to index
      %swap3A_1430 = tpu.vector_load %arg20[%swap3A_1429] {strides = array<i32>} : memref<4096xi32, #tpu.memory_space<vmem>>, vector<16xi32>,
      tpu.vector_store %arg20[%swap3A_1429], %select_n3A_1421 {strides = array<i32>} : memref<4096xi32, #tpu.memory_space<vmem>>, vector<16xi32>,
      %add3A_1431 = arith.constant 16 : i32
      %add3A_1432 = arith.addi %mul3A_1428, %add3A_1431 : i32
      %swap3A_1433 = arith.index_cast %add3A_1432 : i32 to index
      %swap3A_1434 = tpu.vector_load %arg20[%swap3A_1433] {strides = array<i32>} : memref<4096xi32, #tpu.memory_space<vmem>>, vector<16xi32>,
      tpu.vector_store %arg20[%swap3A_1433], %select_n3A_1426 {strides = array<i32>} : memref<4096xi32, #tpu.memory_space<vmem>>, vector<16xi32>,
      %add3A_1435 = vector.broadcast %mul3A_289 : i32 to vector<16xi32>
      %add3A_1436 = arith.addi %select_n3A_1421, %add3A_1435 : vector<16xi32>
      %swap3A_1437 = arith.index_cast %add3A_916 : i32 to index
      %swap3A_1438 = arith.constant 96 : index
      %swap3A_1439 = tpu.vector_load %arg21[%swap3A_1437, %swap3A_1438] {strides = array<i32>} : memref<32x128xi32, #tpu.memory_space<vmem>>, vector<16xi32>,
      tpu.vector_store %arg21[%swap3A_1437, %swap3A_1438], %add3A_1436 {strides = array<i32>} : memref<32x128xi32, #tpu.memory_space<vmem>>, vector<16xi32>,
      %add3A_1440 = vector.broadcast %mul3A_289 : i32 to vector<16xi32>
      %add3A_1441 = arith.addi %select_n3A_1426, %add3A_1440 : vector<16xi32>
      %swap3A_1442 = arith.index_cast %add3A_916 : i32 to index
      %swap3A_1443 = arith.constant 112 : index
      %swap3A_1444 = tpu.vector_load %arg21[%swap3A_1442, %swap3A_1443] {strides = array<i32>} : memref<32x128xi32, #tpu.memory_space<vmem>>, vector<16xi32>,
      tpu.vector_store %arg21[%swap3A_1442, %swap3A_1443], %add3A_1441 {strides = array<i32>} : memref<32x128xi32, #tpu.memory_space<vmem>>, vector<16xi32>,
      %mul3A_1445 = arith.constant 3 : i32
      %mul3A_1446 = vector.broadcast %mul3A_1445 : i32 to vector<16xi32>
      %mul3A_1447 = arith.muli %select_n3A_1421, %mul3A_1446 : vector<16xi32>
      %mul3A_1448 = arith.constant 3 : i32
      %mul3A_1449 = vector.broadcast %mul3A_1448 : i32 to vector<16xi32>
      %mul3A_1450 = arith.muli %select_n3A_1426, %mul3A_1449 : vector<16xi32>
      %gather3A_1451 = tpu.vector_load_idx %arg9[%mul3A_1447] : memref<24576xf32, #tpu.memory_space<vmem>>[vector<16xi32>], vector<16xf32>,
      %sub3A_1452 = arith.subf %gather3A_1451, %gather3A_1354 : vector<16xf32>
      %swap3A_1453 = arith.index_cast %mul3A_1428 : i32 to index
      %swap3A_1454 = tpu.vector_load %arg22[%swap3A_1453] {strides = array<i32>} : memref<4096xf32, #tpu.memory_space<vmem>>, vector<16xf32>,
      tpu.vector_store %arg22[%swap3A_1453], %sub3A_1452 {strides = array<i32>} : memref<4096xf32, #tpu.memory_space<vmem>>, vector<16xf32>,
      %gather3A_1455 = tpu.vector_load_idx %arg9[%mul3A_1450] : memref<24576xf32, #tpu.memory_space<vmem>>[vector<16xi32>], vector<16xf32>,
      %sub3A_1456 = arith.subf %gather3A_1455, %gather3A_1354 : vector<16xf32>
      %add3A_1457 = arith.constant 16 : i32
      %add3A_1458 = arith.addi %mul3A_1428, %add3A_1457 : i32
      %swap3A_1459 = arith.index_cast %add3A_1458 : i32 to index
      %swap3A_1460 = tpu.vector_load %arg22[%swap3A_1459] {strides = array<i32>} : memref<4096xf32, #tpu.memory_space<vmem>>, vector<16xf32>,
      tpu.vector_store %arg22[%swap3A_1459], %sub3A_1456 {strides = array<i32>} : memref<4096xf32, #tpu.memory_space<vmem>>, vector<16xf32>,
      %add3A_1461 = arith.constant 1 : i32
      %add3A_1462 = vector.broadcast %add3A_1461 : i32 to vector<16xi32>
      %add3A_1463 = arith.addi %mul3A_1447, %add3A_1462 : vector<16xi32>
      %gather3A_1464 = tpu.vector_load_idx %arg9[%add3A_1463] : memref<24576xf32, #tpu.memory_space<vmem>>[vector<16xi32>], vector<16xf32>,
      %sub3A_1465 = arith.subf %gather3A_1464, %gather3A_1355 : vector<16xf32>
      %swap3A_1466 = arith.index_cast %mul3A_1428 : i32 to index
      %swap3A_1467 = tpu.vector_load %arg23[%swap3A_1466] {strides = array<i32>} : memref<4096xf32, #tpu.memory_space<vmem>>, vector<16xf32>,
      tpu.vector_store %arg23[%swap3A_1466], %sub3A_1465 {strides = array<i32>} : memref<4096xf32, #tpu.memory_space<vmem>>, vector<16xf32>,
      %add3A_1468 = arith.constant 1 : i32
      %add3A_1469 = vector.broadcast %add3A_1468 : i32 to vector<16xi32>
      %add3A_1470 = arith.addi %mul3A_1450, %add3A_1469 : vector<16xi32>
      %gather3A_1471 = tpu.vector_load_idx %arg9[%add3A_1470] : memref<24576xf32, #tpu.memory_space<vmem>>[vector<16xi32>], vector<16xf32>,
      %sub3A_1472 = arith.subf %gather3A_1471, %gather3A_1355 : vector<16xf32>
      %add3A_1473 = arith.constant 16 : i32
      %add3A_1474 = arith.addi %mul3A_1428, %add3A_1473 : i32
      %swap3A_1475 = arith.index_cast %add3A_1474 : i32 to index
      %swap3A_1476 = tpu.vector_load %arg23[%swap3A_1475] {strides = array<i32>} : memref<4096xf32, #tpu.memory_space<vmem>>, vector<16xf32>,
      tpu.vector_store %arg23[%swap3A_1475], %sub3A_1472 {strides = array<i32>} : memref<4096xf32, #tpu.memory_space<vmem>>, vector<16xf32>,
      %add3A_1477 = arith.constant 2 : i32
      %add3A_1478 = vector.broadcast %add3A_1477 : i32 to vector<16xi32>
      %add3A_1479 = arith.addi %mul3A_1447, %add3A_1478 : vector<16xi32>
      %gather3A_1480 = tpu.vector_load_idx %arg9[%add3A_1479] : memref<24576xf32, #tpu.memory_space<vmem>>[vector<16xi32>], vector<16xf32>,
      %sub3A_1481 = arith.subf %gather3A_1480, %gather3A_1356 : vector<16xf32>
      %swap3A_1482 = arith.index_cast %mul3A_1428 : i32 to index
      %swap3A_1483 = tpu.vector_load %arg24[%swap3A_1482] {strides = array<i32>} : memref<4096xf32, #tpu.memory_space<vmem>>, vector<16xf32>,
      tpu.vector_store %arg24[%swap3A_1482], %sub3A_1481 {strides = array<i32>} : memref<4096xf32, #tpu.memory_space<vmem>>, vector<16xf32>,
      %add3A_1484 = arith.constant 2 : i32
      %add3A_1485 = vector.broadcast %add3A_1484 : i32 to vector<16xi32>
      %add3A_1486 = arith.addi %mul3A_1450, %add3A_1485 : vector<16xi32>
      %gather3A_1487 = tpu.vector_load_idx %arg9[%add3A_1486] : memref<24576xf32, #tpu.memory_space<vmem>>[vector<16xi32>], vector<16xf32>,
      %sub3A_1488 = arith.subf %gather3A_1487, %gather3A_1356 : vector<16xf32>
      %add3A_1489 = arith.constant 16 : i32
      %add3A_1490 = arith.addi %mul3A_1428, %add3A_1489 : i32
      %swap3A_1491 = arith.index_cast %add3A_1490 : i32 to index
      %swap3A_1492 = tpu.vector_load %arg24[%swap3A_1491] {strides = array<i32>} : memref<4096xf32, #tpu.memory_space<vmem>>, vector<16xf32>,
      tpu.vector_store %arg24[%swap3A_1491], %sub3A_1488 {strides = array<i32>} : memref<4096xf32, #tpu.memory_space<vmem>>, vector<16xf32>,
      %sub3A_1493 = arith.constant 1 : i32
      %sub3A_1494 = arith.subi %add3A_916, %sub3A_1493 : i32
      %dma_wait3A_1495 = arith.constant 0 : i32
      %dma_wait3A_1496 = tpu.memref_slice %arg21[%sub3A_1494, %dma_wait3A_1495] : memref<32x128xi32, #tpu.memory_space<vmem>> -> memref<1x128xi32, #tpu.memory_space<vmem>>
      %dma_wait3A_1497 = tpu.memref_squeeze %dma_wait3A_1496 : memref<1x128xi32, #tpu.memory_space<vmem>> -> memref<128xi32, #tpu.memory_space<vmem>>
      %dma_wait3A_1498 = arith.constant 0 : i32
      %dma_wait3A_1499 = arith.constant 0 : i32
      %dma_wait3A_1500 = tpu.memref_slice %arg4[%dma_wait3A_1498, %dma_wait3A_1499] : memref<32768x128xf32, #tpu.memory_space<hbm>> -> memref<32768x128xf32, #tpu.memory_space<hbm>>
      tpu.wait_indirect_dma semaphore(%arg27 : memref<!tpu.dma_semaphore, #tpu.memory_space<semaphore_mem>>) src(%dma_wait3A_1500 : memref<32768x128xf32, #tpu.memory_space<hbm>>) dst(%arg25 : memref<128x128xf32, #tpu.memory_space<vmem>>)
      %sub3A_1501 = arith.constant 1 : i32
      %sub3A_1502 = arith.subi %add3A_916, %sub3A_1501 : i32
      %mul3A_1503 = arith.constant 128 : i32
      %mul3A_1504 = arith.muli %sub3A_1502, %mul3A_1503 : i32
      %add3A_1505 = arith.addi %mul3A_293, %mul3A_1504 : i32
      %dma_start3A_1506 = arith.constant 0 : i32
      %dma_start3A_1507 = tpu.memref_slice %arg8[%add3A_1505, %dma_start3A_1506] : memref<131072x128xf32, #tpu.memory_space<hbm>> -> memref<128x128xf32, #tpu.memory_space<hbm>>
      %dma_start3A_1508 = arith.constant 0 : i32
      %dma_start3A_1509 = tpu.memref_slice %arg8[%add3A_1505, %dma_start3A_1508] : memref<131072x128xf32, #tpu.memory_space<hbm>> -> memref<128x128xf32, #tpu.memory_space<hbm>>
      tpu.enqueue_dma source(%arg25 : memref<128x128xf32, #tpu.memory_space<vmem>>) target(%dma_start3A_1509 : memref<128x128xf32, #tpu.memory_space<hbm>>) target_semaphore(%arg29 : memref<!tpu.dma_semaphore, #tpu.memory_space<semaphore_mem>>)
      %gt3A_1510 = arith.constant 0 : i32
      %gt3A_1511 = arith.cmpi sgt, %scan3A_324, %gt3A_1510 : i32
      %convert_element_type3A_1512 = arith.extui %gt3A_1511 : i1 to i32
      %cond3A_1513 = arith.constant 0 : i32
      %cond3A_1514 = arith.cmpi ne, %convert_element_type3A_1512, %cond3A_1513 : i32
      scf.if %cond3A_1514 {
        %sub3A_1521 = arith.constant 2 : i32
        %sub3A_1522 = arith.subi %add3A_916, %sub3A_1521 : i32
        %mul3A_1523 = arith.constant 128 : i32
        %mul3A_1524 = arith.muli %sub3A_1522, %mul3A_1523 : i32
        %add3A_1525 = arith.addi %mul3A_293, %mul3A_1524 : i32
        %dma_wait3A_1526 = arith.constant 0 : i32
        %dma_wait3A_1527 = tpu.memref_slice %arg8[%add3A_1525, %dma_wait3A_1526] : memref<131072x128xf32, #tpu.memory_space<hbm>> -> memref<128x128xf32, #tpu.memory_space<hbm>>
        %dma_wait3A_1528 = arith.constant 0 : i32
        %dma_wait3A_1529 = tpu.memref_slice %arg8[%add3A_1525, %dma_wait3A_1528] : memref<131072x128xf32, #tpu.memory_space<hbm>> -> memref<128x128xf32, #tpu.memory_space<hbm>>
        tpu.wait_dma2 semaphore(%arg30 : memref<!tpu.dma_semaphore, #tpu.memory_space<semaphore_mem>>) src(%arg26 : memref<128x128xf32, #tpu.memory_space<vmem>>) dst(%dma_wait3A_1529 : memref<128x128xf32, #tpu.memory_space<hbm>>)
      } else {
      }
      %dma_start3A_1515 = arith.constant 0 : i32
      %dma_start3A_1516 = tpu.memref_slice %arg21[%add3A_916, %dma_start3A_1515] : memref<32x128xi32, #tpu.memory_space<vmem>> -> memref<1x128xi32, #tpu.memory_space<vmem>>
      %dma_start3A_1517 = tpu.memref_squeeze %dma_start3A_1516 : memref<1x128xi32, #tpu.memory_space<vmem>> -> memref<128xi32, #tpu.memory_space<vmem>>
      %dma_start3A_1518 = arith.constant 0 : i32
      %dma_start3A_1519 = arith.constant 0 : i32
      %dma_start3A_1520 = tpu.memref_slice %arg4[%dma_start3A_1518, %dma_start3A_1519] : memref<32768x128xf32, #tpu.memory_space<hbm>> -> memref<32768x128xf32, #tpu.memory_space<hbm>>
      tpu.enqueue_indirect_dma source(%dma_start3A_1520 : memref<32768x128xf32, #tpu.memory_space<hbm>>) target(%arg26 : memref<128x128xf32, #tpu.memory_space<vmem>>) offsets(%dma_start3A_1517 : memref<128xi32, #tpu.memory_space<vmem>>) semaphore(%arg28 : memref<!tpu.dma_semaphore, #tpu.memory_space<semaphore_mem>>)
    }
    %scan3A_299 = arith.constant 16 : i32
    %dma_wait3A = arith.constant 31 : i32
    %dma_wait3A_300 = arith.constant 0 : i32
    %dma_wait3A_301 = tpu.memref_slice %arg21[%dma_wait3A, %dma_wait3A_300] : memref<32x128xi32, #tpu.memory_space<vmem>> -> memref<1x128xi32, #tpu.memory_space<vmem>>
    %dma_wait3A_302 = tpu.memref_squeeze %dma_wait3A_301 : memref<1x128xi32, #tpu.memory_space<vmem>> -> memref<128xi32, #tpu.memory_space<vmem>>
    %dma_wait3A_303 = arith.constant 0 : i32
    %dma_wait3A_304 = arith.constant 0 : i32
    %dma_wait3A_305 = tpu.memref_slice %arg4[%dma_wait3A_303, %dma_wait3A_304] : memref<32768x128xf32, #tpu.memory_space<hbm>> -> memref<32768x128xf32, #tpu.memory_space<hbm>>
    tpu.wait_indirect_dma semaphore(%arg28 : memref<!tpu.dma_semaphore, #tpu.memory_space<semaphore_mem>>) src(%dma_wait3A_305 : memref<32768x128xf32, #tpu.memory_space<hbm>>) dst(%arg26 : memref<128x128xf32, #tpu.memory_space<vmem>>)
    %add3A_306 = arith.constant 3968 : i32
    %add3A_307 = arith.addi %mul3A_293, %add3A_306 : i32
    "tpu.region"() ({
      %run_scoped3A = tpu.sem_alloc : memref<!tpu.dma_semaphore, #tpu.memory_space<semaphore_mem>>
      %dma_start3A = arith.constant 0 : i32
      %dma_start3A_324 = tpu.memref_slice %arg8[%add3A_307, %dma_start3A] : memref<131072x128xf32, #tpu.memory_space<hbm>> -> memref<128x128xf32, #tpu.memory_space<hbm>>
      %dma_start3A_325 = arith.constant 0 : i32
      %dma_start3A_326 = tpu.memref_slice %arg8[%add3A_307, %dma_start3A_325] : memref<131072x128xf32, #tpu.memory_space<hbm>> -> memref<128x128xf32, #tpu.memory_space<hbm>>
      tpu.enqueue_dma source(%arg26 : memref<128x128xf32, #tpu.memory_space<vmem>>) target(%dma_start3A_326 : memref<128x128xf32, #tpu.memory_space<hbm>>) target_semaphore(%run_scoped3A : memref<!tpu.dma_semaphore, #tpu.memory_space<semaphore_mem>>)
      %dma_wait3A_327 = arith.constant 0 : i32
      %dma_wait3A_328 = tpu.memref_slice %arg8[%add3A_307, %dma_wait3A_327] : memref<131072x128xf32, #tpu.memory_space<hbm>> -> memref<128x128xf32, #tpu.memory_space<hbm>>
      %dma_wait3A_329 = arith.constant 0 : i32
      %dma_wait3A_330 = tpu.memref_slice %arg8[%add3A_307, %dma_wait3A_329] : memref<131072x128xf32, #tpu.memory_space<hbm>> -> memref<128x128xf32, #tpu.memory_space<hbm>>
      tpu.wait_dma2 semaphore(%run_scoped3A : memref<!tpu.dma_semaphore, #tpu.memory_space<semaphore_mem>>) src(%arg26 : memref<128x128xf32, #tpu.memory_space<vmem>>) dst(%dma_wait3A_330 : memref<128x128xf32, #tpu.memory_space<hbm>>)
      tpu.yield
    }) : () -> ()
    %add3A_308 = arith.constant 3840 : i32
    %add3A_309 = arith.addi %mul3A_293, %add3A_308 : i32
    %dma_wait3A_310 = arith.constant 0 : i32
    %dma_wait3A_311 = tpu.memref_slice %arg8[%add3A_309, %dma_wait3A_310] : memref<131072x128xf32, #tpu.memory_space<hbm>> -> memref<128x128xf32, #tpu.memory_space<hbm>>
    %dma_wait3A_312 = arith.constant 0 : i32
    %dma_wait3A_313 = tpu.memref_slice %arg8[%add3A_309, %dma_wait3A_312] : memref<131072x128xf32, #tpu.memory_space<hbm>> -> memref<128x128xf32, #tpu.memory_space<hbm>>
    tpu.wait_dma2 semaphore(%arg29 : memref<!tpu.dma_semaphore, #tpu.memory_space<semaphore_mem>>) src(%arg25 : memref<128x128xf32, #tpu.memory_space<vmem>>) dst(%dma_wait3A_313 : memref<128x128xf32, #tpu.memory_space<hbm>>)
    %mul3A_314 = arith.constant 128 : i32
    %mul3A_315 = arith.muli %add3A, %mul3A_314 : i32
    %mul3A_316 = arith.constant 32 : i32
    %mul3A_317 = arith.muli %mul3A_315, %mul3A_316 : i32
    "tpu.region"() ({
      %run_scoped3A = tpu.sem_alloc : memref<!tpu.dma_semaphore, #tpu.memory_space<semaphore_mem>>
      %dma_start3A = tpu.memref_slice %arg6[%mul3A_317] : memref<131072xi32, #tpu.memory_space<hbm>> -> memref<4096xi32, #tpu.memory_space<hbm>>
      %dma_start3A_324 = tpu.memref_slice %arg6[%mul3A_317] : memref<131072xi32, #tpu.memory_space<hbm>> -> memref<4096xi32, #tpu.memory_space<hbm>>
      tpu.enqueue_dma source(%arg20 : memref<4096xi32, #tpu.memory_space<vmem>>) target(%dma_start3A_324 : memref<4096xi32, #tpu.memory_space<hbm>>) target_semaphore(%run_scoped3A : memref<!tpu.dma_semaphore, #tpu.memory_space<semaphore_mem>>)
      %dma_wait3A_325 = tpu.memref_slice %arg6[%mul3A_317] : memref<131072xi32, #tpu.memory_space<hbm>> -> memref<4096xi32, #tpu.memory_space<hbm>>
      %dma_wait3A_326 = tpu.memref_slice %arg6[%mul3A_317] : memref<131072xi32, #tpu.memory_space<hbm>> -> memref<4096xi32, #tpu.memory_space<hbm>>
      tpu.wait_dma2 semaphore(%run_scoped3A : memref<!tpu.dma_semaphore, #tpu.memory_space<semaphore_mem>>) src(%arg20 : memref<4096xi32, #tpu.memory_space<vmem>>) dst(%dma_wait3A_326 : memref<4096xi32, #tpu.memory_space<hbm>>)
      tpu.yield
    }) : () -> ()
    %add3A_318 = arith.constant 0 : i32
    %add3A_319 = arith.addi %add3A_318, %mul3A_317 : i32
    "tpu.region"() ({
      %run_scoped3A = tpu.sem_alloc : memref<!tpu.dma_semaphore, #tpu.memory_space<semaphore_mem>>
      %dma_start3A = tpu.memref_slice %arg7[%add3A_319] : memref<393216xf32, #tpu.memory_space<hbm>> -> memref<4096xf32, #tpu.memory_space<hbm>>
      %dma_start3A_324 = tpu.memref_slice %arg7[%add3A_319] : memref<393216xf32, #tpu.memory_space<hbm>> -> memref<4096xf32, #tpu.memory_space<hbm>>
      tpu.enqueue_dma source(%arg22 : memref<4096xf32, #tpu.memory_space<vmem>>) target(%dma_start3A_324 : memref<4096xf32, #tpu.memory_space<hbm>>) target_semaphore(%run_scoped3A : memref<!tpu.dma_semaphore, #tpu.memory_space<semaphore_mem>>)
      %dma_wait3A_325 = tpu.memref_slice %arg7[%add3A_319] : memref<393216xf32, #tpu.memory_space<hbm>> -> memref<4096xf32, #tpu.memory_space<hbm>>
      %dma_wait3A_326 = tpu.memref_slice %arg7[%add3A_319] : memref<393216xf32, #tpu.memory_space<hbm>> -> memref<4096xf32, #tpu.memory_space<hbm>>
      tpu.wait_dma2 semaphore(%run_scoped3A : memref<!tpu.dma_semaphore, #tpu.memory_space<semaphore_mem>>) src(%arg22 : memref<4096xf32, #tpu.memory_space<vmem>>) dst(%dma_wait3A_326 : memref<4096xf32, #tpu.memory_space<hbm>>)
      tpu.yield
    }) : () -> ()
    %add3A_320 = arith.constant 131072 : i32
    %add3A_321 = arith.addi %add3A_320, %mul3A_317 : i32
    "tpu.region"() ({
      %run_scoped3A = tpu.sem_alloc : memref<!tpu.dma_semaphore, #tpu.memory_space<semaphore_mem>>
      %dma_start3A = tpu.memref_slice %arg7[%add3A_321] : memref<393216xf32, #tpu.memory_space<hbm>> -> memref<4096xf32, #tpu.memory_space<hbm>>
      %dma_start3A_324 = tpu.memref_slice %arg7[%add3A_321] : memref<393216xf32, #tpu.memory_space<hbm>> -> memref<4096xf32, #tpu.memory_space<hbm>>
      tpu.enqueue_dma source(%arg23 : memref<4096xf32, #tpu.memory_space<vmem>>) target(%dma_start3A_324 : memref<4096xf32, #tpu.memory_space<hbm>>) target_semaphore(%run_scoped3A : memref<!tpu.dma_semaphore, #tpu.memory_space<semaphore_mem>>)
      %dma_wait3A_325 = tpu.memref_slice %arg7[%add3A_321] : memref<393216xf32, #tpu.memory_space<hbm>> -> memref<4096xf32, #tpu.memory_space<hbm>>
      %dma_wait3A_326 = tpu.memref_slice %arg7[%add3A_321] : memref<393216xf32, #tpu.memory_space<hbm>> -> memref<4096xf32, #tpu.memory_space<hbm>>
      tpu.wait_dma2 semaphore(%run_scoped3A : memref<!tpu.dma_semaphore, #tpu.memory_space<semaphore_mem>>) src(%arg23 : memref<4096xf32, #tpu.memory_space<vmem>>) dst(%dma_wait3A_326 : memref<4096xf32, #tpu.memory_space<hbm>>)
      tpu.yield
    }) : () -> ()
    %add3A_322 = arith.constant 262144 : i32
    %add3A_323 = arith.addi %add3A_322, %mul3A_317 : i32
    "tpu.region"() ({
      %run_scoped3A = tpu.sem_alloc : memref<!tpu.dma_semaphore, #tpu.memory_space<semaphore_mem>>
      %dma_start3A = tpu.memref_slice %arg7[%add3A_323] : memref<393216xf32, #tpu.memory_space<hbm>> -> memref<4096xf32, #tpu.memory_space<hbm>>
      %dma_start3A_324 = tpu.memref_slice %arg7[%add3A_323] : memref<393216xf32, #tpu.memory_space<hbm>> -> memref<4096xf32, #tpu.memory_space<hbm>>
      tpu.enqueue_dma source(%arg24 : memref<4096xf32, #tpu.memory_space<vmem>>) target(%dma_start3A_324 : memref<4096xf32, #tpu.memory_space<hbm>>) target_semaphore(%run_scoped3A : memref<!tpu.dma_semaphore, #tpu.memory_space<semaphore_mem>>)
      %dma_wait3A_325 = tpu.memref_slice %arg7[%add3A_323] : memref<393216xf32, #tpu.memory_space<hbm>> -> memref<4096xf32, #tpu.memory_space<hbm>>
      %dma_wait3A_326 = tpu.memref_slice %arg7[%add3A_323] : memref<393216xf32, #tpu.memory_space<hbm>> -> memref<4096xf32, #tpu.memory_space<hbm>>
      tpu.wait_dma2 semaphore(%run_scoped3A : memref<!tpu.dma_semaphore, #tpu.memory_space<semaphore_mem>>) src(%arg24 : memref<4096xf32, #tpu.memory_space<vmem>>) dst(%dma_wait3A_326 : memref<4096xf32, #tpu.memory_space<hbm>>)
      tpu.yield
    }) : () -> ()
    return
  }
}

module attributes {stable_mosaic.version = 14 : i64} {
  func.func @_pret_body(%arg0: i32, %arg1: memref<1024x128xf32, #tpu.memory_space<vmem>>, %arg2: memref<128x128xf32, #tpu.memory_space<vmem>>, %arg3: memref<1024x128xf32, #tpu.memory_space<vmem>>) attributes {dimension_semantics = [#tpu.dimension_semantics<arbitrary>], iteration_bounds = array<i64: 32>, scalar_prefetch = 0 : i64, scratch_operands = 0 : i64, tpu.core_type = #tpu.core_type<tc>, window_params = [{transform_indices = @transform_0, window_bounds = array<i64: 1024, 128>}, {pipeline_mode = #tpu.pipeline_mode<synchronous>, transform_indices = @transform_1, window_bounds = array<i64: 128, 128>}, {transform_indices = @transform_2, window_bounds = array<i64: 1024, 128>}]} {
    %get3A = arith.constant 0 : index
    %get3A_0 = arith.constant 0 : index
    %get3A_1 = vector.load %arg1[%get3A, %get3A_0] : memref<1024x128xf32, #tpu.memory_space<vmem>>, vector<1024x128xf32>
    %get3A_2 = arith.constant 0 : index
    %get3A_3 = arith.constant 0 : index
    %get3A_4 = vector.load %arg2[%get3A_2, %get3A_3] : memref<128x128xf32, #tpu.memory_space<vmem>>, vector<128x128xf32>
    %dot_general3A = arith.constant dense<0.000000e+00> : vector<1024x128xf32>
    %dot_general3A_5 = tpu.matmul %get3A_1, %get3A_4, %dot_general3A {dimension_numbers = #tpu.dot_dimension_numbers<[1], [0], [0], [1], [0, 0, 1, 1], [], []>, transpose_lhs_hint = false} : vector<1024x128xf32>, vector<128x128xf32>, vector<1024x128xf32> -> vector<1024x128xf32>
    %swap3A = arith.constant 0 : index
    %swap3A_6 = arith.constant 0 : index
    %swap3A_7 = vector.load %arg3[%swap3A, %swap3A_6] : memref<1024x128xf32, #tpu.memory_space<vmem>>, vector<1024x128xf32>
    tpu.vector_store %arg3[%swap3A, %swap3A_6], %dot_general3A_5 {strides = array<i32>} : memref<1024x128xf32, #tpu.memory_space<vmem>>, vector<1024x128xf32>,
    return
  }
  func.func @transform_0(%arg0: i32) -> (i32, i32) {
    %c0_i32 = arith.constant 0 : i32
    %c0_i32_0 = arith.constant 0 : i32
    return %arg0, %c0_i32 : i32, i32
  }
  func.func @transform_1(%arg0: i32) -> (i32, i32) {
    %c0_i32 = arith.constant 0 : i32
    %c0_i32_0 = arith.constant 0 : i32
    %c0_i32_1 = arith.constant 0 : i32
    return %c0_i32, %c0_i32_0 : i32, i32
  }
  func.func @transform_2(%arg0: i32) -> (i32, i32) {
    %c0_i32 = arith.constant 0 : i32
    %c0_i32_0 = arith.constant 0 : i32
    return %arg0, %c0_i32 : i32, i32
  }
}

module attributes {stable_mosaic.version = 14 : i64} {
  func.func @_mlp_body(%arg0: i32, %arg1: memref<2048x128xf32, #tpu.memory_space<vmem>>, %arg2: memref<3x2048xf32, #tpu.memory_space<vmem>>, %arg3: memref<3x128xf32, #tpu.memory_space<vmem>>, %arg4: memref<1x128xf32, #tpu.memory_space<vmem>>, %arg5: memref<128x128xf32, #tpu.memory_space<vmem>>, %arg6: memref<1x128xf32, #tpu.memory_space<vmem>>, %arg7: memref<128x256xf32, #tpu.memory_space<vmem>>, %arg8: memref<1x256xf32, #tpu.memory_space<vmem>>, %arg9: memref<64x256xf32, #tpu.memory_space<vmem>>) attributes {dimension_semantics = [#tpu.dimension_semantics<arbitrary>], iteration_bounds = array<i64: 64>, scalar_prefetch = 0 : i64, scratch_operands = 0 : i64, tpu.core_type = #tpu.core_type<tc>, window_params = [{transform_indices = @transform_0, window_bounds = array<i64: 2048, 128>}, {transform_indices = @transform_1, window_bounds = array<i64: 3, 2048>}, {pipeline_mode = #tpu.pipeline_mode<synchronous>, transform_indices = @transform_2, window_bounds = array<i64: 3, 128>}, {pipeline_mode = #tpu.pipeline_mode<synchronous>, transform_indices = @transform_3, window_bounds = array<i64: 1, 128>}, {pipeline_mode = #tpu.pipeline_mode<synchronous>, transform_indices = @transform_4, window_bounds = array<i64: 128, 128>}, {pipeline_mode = #tpu.pipeline_mode<synchronous>, transform_indices = @transform_5, window_bounds = array<i64: 1, 128>}, {pipeline_mode = #tpu.pipeline_mode<synchronous>, transform_indices = @transform_6, window_bounds = array<i64: 128, 256>}, {pipeline_mode = #tpu.pipeline_mode<synchronous>, transform_indices = @transform_7, window_bounds = array<i64: 1, 256>}, {transform_indices = @transform_8, window_bounds = array<i64: 64, 256>}]} {
    %get3A = arith.constant 0 : index
    %get3A_0 = arith.constant 0 : index
    %get3A_1 = vector.load %arg2[%get3A, %get3A_0] : memref<3x2048xf32, #tpu.memory_space<vmem>>, vector<3x2048xf32>
    %get3A_2 = arith.constant 0 : index
    %get3A_3 = arith.constant 0 : index
    %get3A_4 = vector.load %arg3[%get3A_2, %get3A_3] : memref<3x128xf32, #tpu.memory_space<vmem>>, vector<3x128xf32>
    %dot_general3A = arith.constant dense<0.000000e+00> : vector<2048x128xf32>
    %dot_general3A_5 = tpu.matmul %get3A_1, %get3A_4, %dot_general3A {dimension_numbers = #tpu.dot_dimension_numbers<[0], [0], [1], [1], [0, 1, 1, 1], [], []>, transpose_lhs_hint = false} : vector<3x2048xf32>, vector<3x128xf32>, vector<2048x128xf32> -> vector<2048x128xf32>
    %get3A_6 = arith.constant 0 : index
    %get3A_7 = arith.constant 0 : index
    %get3A_8 = vector.load %arg1[%get3A_6, %get3A_7] : memref<2048x128xf32, #tpu.memory_space<vmem>>, vector<2048x128xf32>
    %add3A = arith.addf %get3A_8, %dot_general3A_5 : vector<2048x128xf32>
    %get3A_9 = arith.constant 0 : index
    %get3A_10 = arith.constant 0 : index
    %get3A_11 = vector.load %arg4[%get3A_9, %get3A_10] : memref<1x128xf32, #tpu.memory_space<vmem>>, vector<1x128xf32>
    %add3A_12 = vector.broadcast %get3A_11 : vector<1x128xf32> to vector<2048x128xf32>
    %add3A_13 = arith.addf %add3A, %add3A_12 : vector<2048x128xf32>
    %max3A = arith.constant 0.000000e+00 : f32
    %max3A_14 = vector.broadcast %max3A : f32 to vector<2048x128xf32>
    %max3A_15 = arith.maximumf %add3A_13, %max3A_14 : vector<2048x128xf32>
    %get3A_16 = arith.constant 0 : index
    %get3A_17 = arith.constant 0 : index
    %get3A_18 = vector.load %arg5[%get3A_16, %get3A_17] : memref<128x128xf32, #tpu.memory_space<vmem>>, vector<128x128xf32>
    %dot_general3A_19 = arith.constant dense<0.000000e+00> : vector<2048x128xf32>
    %dot_general3A_20 = tpu.matmul %max3A_15, %get3A_18, %dot_general3A_19 {dimension_numbers = #tpu.dot_dimension_numbers<[1], [0], [0], [1], [0, 0, 1, 1], [], []>, transpose_lhs_hint = false} : vector<2048x128xf32>, vector<128x128xf32>, vector<2048x128xf32> -> vector<2048x128xf32>
    %get3A_21 = arith.constant 0 : index
    %get3A_22 = arith.constant 0 : index
    %get3A_23 = vector.load %arg6[%get3A_21, %get3A_22] : memref<1x128xf32, #tpu.memory_space<vmem>>, vector<1x128xf32>
    %add3A_24 = vector.broadcast %get3A_23 : vector<1x128xf32> to vector<2048x128xf32>
    %add3A_25 = arith.addf %dot_general3A_20, %add3A_24 : vector<2048x128xf32>
    %max3A_26 = arith.constant 0.000000e+00 : f32
    %max3A_27 = vector.broadcast %max3A_26 : f32 to vector<2048x128xf32>
    %max3A_28 = arith.maximumf %add3A_25, %max3A_27 : vector<2048x128xf32>
    %get3A_29 = arith.constant 0 : index
    %get3A_30 = arith.constant 0 : index
    %get3A_31 = vector.load %arg7[%get3A_29, %get3A_30] : memref<128x256xf32, #tpu.memory_space<vmem>>, vector<128x256xf32>
    %dot_general3A_32 = arith.constant dense<0.000000e+00> : vector<2048x256xf32>
    %dot_general3A_33 = tpu.matmul %max3A_28, %get3A_31, %dot_general3A_32 {dimension_numbers = #tpu.dot_dimension_numbers<[1], [0], [0], [1], [0, 0, 1, 1], [], []>, transpose_lhs_hint = false} : vector<2048x128xf32>, vector<128x256xf32>, vector<2048x256xf32> -> vector<2048x256xf32>
    %get3A_34 = arith.constant 0 : index
    %get3A_35 = arith.constant 0 : index
    %get3A_36 = vector.load %arg8[%get3A_34, %get3A_35] : memref<1x256xf32, #tpu.memory_space<vmem>>, vector<1x256xf32>
    %add3A_37 = vector.broadcast %get3A_36 : vector<1x256xf32> to vector<2048x256xf32>
    %add3A_38 = arith.addf %dot_general3A_33, %add3A_37 : vector<2048x256xf32>
    %max3A_39 = arith.constant 0.000000e+00 : f32
    %max3A_40 = vector.broadcast %max3A_39 : f32 to vector<2048x256xf32>
    %max3A_41 = arith.maximumf %add3A_38, %max3A_40 : vector<2048x256xf32>
    %reshape3A = vector.shape_cast %max3A_41 : vector<2048x256xf32> to vector<64x32x256xf32>
    %reduce_max3A = arith.constant dense<0xFF800000> : vector<64x256xf32>
    %reduce_max3A_42 = vector.multi_reduction <maximumf>, %reshape3A, %reduce_max3A [1] : vector<64x32x256xf32> to vector<64x256xf32>
    %swap3A = arith.constant 0 : index
    %swap3A_43 = arith.constant 0 : index
    %swap3A_44 = vector.load %arg9[%swap3A, %swap3A_43] : memref<64x256xf32, #tpu.memory_space<vmem>>, vector<64x256xf32>
    tpu.vector_store %arg9[%swap3A, %swap3A_43], %reduce_max3A_42 {strides = array<i32>} : memref<64x256xf32, #tpu.memory_space<vmem>>, vector<64x256xf32>,
    return
  }
  func.func @transform_0(%arg0: i32) -> (i32, i32) {
    %c0_i32 = arith.constant 0 : i32
    %c0_i32_0 = arith.constant 0 : i32
    return %arg0, %c0_i32 : i32, i32
  }
  func.func @transform_1(%arg0: i32) -> (i32, i32) {
    %c0_i32 = arith.constant 0 : i32
    %c0_i32_0 = arith.constant 0 : i32
    return %c0_i32, %arg0 : i32, i32
  }
  func.func @transform_2(%arg0: i32) -> (i32, i32) {
    %c0_i32 = arith.constant 0 : i32
    %c0_i32_0 = arith.constant 0 : i32
    %c0_i32_1 = arith.constant 0 : i32
    return %c0_i32, %c0_i32_0 : i32, i32
  }
  func.func @transform_3(%arg0: i32) -> (i32, i32) {
    %c0_i32 = arith.constant 0 : i32
    %c0_i32_0 = arith.constant 0 : i32
    %c0_i32_1 = arith.constant 0 : i32
    return %c0_i32, %c0_i32_0 : i32, i32
  }
  func.func @transform_4(%arg0: i32) -> (i32, i32) {
    %c0_i32 = arith.constant 0 : i32
    %c0_i32_0 = arith.constant 0 : i32
    %c0_i32_1 = arith.constant 0 : i32
    return %c0_i32, %c0_i32_0 : i32, i32
  }
  func.func @transform_5(%arg0: i32) -> (i32, i32) {
    %c0_i32 = arith.constant 0 : i32
    %c0_i32_0 = arith.constant 0 : i32
    %c0_i32_1 = arith.constant 0 : i32
    return %c0_i32, %c0_i32_0 : i32, i32
  }
  func.func @transform_6(%arg0: i32) -> (i32, i32) {
    %c0_i32 = arith.constant 0 : i32
    %c0_i32_0 = arith.constant 0 : i32
    %c0_i32_1 = arith.constant 0 : i32
    return %c0_i32, %c0_i32_0 : i32, i32
  }
  func.func @transform_7(%arg0: i32) -> (i32, i32) {
    %c0_i32 = arith.constant 0 : i32
    %c0_i32_0 = arith.constant 0 : i32
    %c0_i32_1 = arith.constant 0 : i32
    return %c0_i32, %c0_i32_0 : i32, i32
  }
  func.func @transform_8(%arg0: i32) -> (i32, i32) {
    %c0_i32 = arith.constant 0 : i32
    %c0_i32_0 = arith.constant 0 : i32
    return %arg0, %c0_i32 : i32, i32
  }
}

</mosaic_0001>

<sc_bundles>
// kernel: kernel.5.cloned.1.call-start
scs
__scs_entry_jumppad:
0x0: {  	(pc) =	sbr.rel $0x88, $3  }
0x1: {  	(tag) =	ssettag $0x0;
	lr =	simm.s32 $0x1  }
0x2: {  	[smem:$0x3F98] =	sst lr;
	_ =	strace $0xD0000000  }
0x3: {  	_ = 	snop  }
0x4: {  	_ = 	snop  }
0x5: {  	_ = 	snop  }
0x6: {  	_ = 	snop  }
0x7: {  	_ = 	snop  }
__scs_overlays_trampoline_lowered:
0x8: {  	[smem:$0x3FA7] =	sst s0  }
0x9: {  	[smem:$0x3FA8] =	sst s1  }
0xa: {  	[smem:$0x3FA9] =	sst s2  }
0xb: {  	[smem:$0x3FAA] =	sst s3  }
0xc: {  	[smem:$0x3FAB] =	sst s4  }
0xd: {  	[smem:$0x3FAC] =	sst s5  }
0xe: {  	[smem:$0x3FAD] =	sst s6  }
0xf: {  	[smem:$0x3FAE] =	sst s7  }
0x10: {  	[smem:$0x3FAF] =	sst s8  }
0x11: {  	[smem:$0x3FB0] =	sst s9;
	s0 =	simm.s32 @!p0 $0x0  }
0x12: {  	s1 =	sld [smem:$0x3F96];
	s0 =	simm.s32 @p0 $0x1  }
0x13: {  	[smem:$0x3FB1] =	sst s0;
	s0 =	simm.s32 @!p1 $0x0  }
0x14: {  	s2 =	sld [smem:$0x3F95];
	s0 =	simm.s32 @p1 $0x1  }
0x15: {  	[smem:$0x3FB2] =	sst s0;
	s0 =	simm.s32 @!p2 $0x0  }
0x16: {  	s3 =	sld [smem:$0x3FDB];
	s0 =	simm.s32 @p2 $0x1  }
0x17: {  	s4 =	simm.s32 $0x1BF5;
	[smem:$0x3FB4] =	sst s0  }
0x18: {  	s0 =	sld [smem:$0x3F97];
	_ =	swait.ge [sflag:s4], $0x0  }
0x19: {  	s7 =	sld [smem:$0x3F98]  }
0x1a: {  	s8 =	sadd.s32 $0xFFFFE003, lr  }
0x1b: {  	s9 =	sadd.s32 $0xFFFFFEF7, lr;
	s5 =	simm.s32 $0xFFFFFFFF;
	p2 =	slt.u32 s8, $0xFFFFF086  }
0x1c: {  	p1 =	slt.u32 s9, $0xF7A;
	s5 =	simm.s32 @!p2 $0x0  }
0x1d: {  	s5 =	simm.s32 @p1 $0x1;
	p0 =	seq.s32 s7, s2  }
0x1e: {  	s7 =	smul.u32 @!p0 $0xF7A, s2;
	p2 =	seq.s32 @!p0 s5, $0x0  }
0x1f: {  	s9 =	smul.u32 $0xF7A, s1;
	s8 =	simm.s32 @!p0 $0x1BF5;
	p2 =	por !p2, p0  }
0x20: {  	[sflag:s8] =	ssyncset.s32 @!p0 $0xFFFFF086;
	s6 =	sadd.s32 @!p0 s3, s7;
	s7 =	simm.s32 @!p0 $0x108  }
0x21: {  	s3 =	sadd.s32 s3, s9;
	s6 =	sadd.s32 @!p0 $0x88, s6;
	s7 =	simm.s32 @p2 $0x1082  }
0x22: {  	[simem:s7], [sflag:s8] =	dma.local @!p0 [hbm:s6], $0xF7A  }
0x23: {  	s9 =	sor.u32 $0xD0000000, s2;
	s6 =	simm.s32 $0x108;
	_ =	swait.ge @!p0 [sflag:s8], $0x0  }
0x24: {  	s3 =	sadd.s32 $0x88, s3;
	s6 =	simm.s32 @!p1 $0x1082;
	[sflag:s4] =	ssyncset.s32 $0xFFFFF086  }
0x25: {  	[simem:s6], [sflag:s4] =	dma.local [hbm:s3], $0xF7A  }
0x26: {  	[smem:$0x3F98] =	sst s1;
	(tag) =	ssettag s2;
	_ =	strace s9  }
0x27: {  	s1 =	sld [smem:$0x3FA8]  }
0x28: {  	s2 =	sld [smem:$0x3FA9]  }
0x29: {  	s4 =	sld [smem:$0x3FAB]  }
0x2a: {  	p0 =	seq.s32 s5, $0x0;
	s5 =	sld [smem:$0x3FAC]  }
0x2b: {  	s6 =	sld [smem:$0x3FAD]  }
0x2c: {  	s7 =	sld [smem:$0x3FAE]  }
0x2d: {  	s3 =	simm.s32 $0x108;
	s8 =	sld [smem:$0x3FAF]  }
0x2e: {  	s3 =	simm.s32 @!p0 $0x1082;
	s9 =	sld [smem:$0x3FB0]  }
0x2f: {  	lr =	sadd.s32 s0, s3;
	s0 =	sld [smem:$0x3FA7]  }
0x30: {  	s3 =	sld [smem:$0x3FAA]  }
0x31: {  	[smem:$0x3FB3] =	sst s10  }
0x32: {  	s10 =	sld [smem:$0x3FB1];
	_ =	sdelay $0x3  }
0x33: {  	p0 =	seq.s32 s10, $0x1;
	s10 =	sld [smem:$0x3FB3];
	_ =	sdelay $0x3  }
0x34: {  	[smem:$0x3FB3] =	sst s10  }
0x35: {  	s10 =	sld [smem:$0x3FB2];
	_ =	sdelay $0x3  }
0x36: {  	p1 =	seq.s32 s10, $0x1;
	s10 =	sld [smem:$0x3FB3];
	_ =	sdelay $0x3  }
0x37: {  	[smem:$0x3FB3] =	sst s10  }
0x38: {  	s10 =	sld [smem:$0x3FB4]  }
0x39: {  	_ = 	snop;
	(pc) =	sbr.ind lr, $3  }
0x3a: {  	_ = 	snop  }
0x3b: {  	_ = 	snop  }
0x3c: {  	p2 =	seq.s32 s10, $0x1;
	s10 =	sld [smem:$0x3FB3]  }
0x3d: {  	_ =	shalt  }
0x3e: {  	_ =	shalt  }
0x3f: {  	_ =	shalt  }
0x40: {  	_ =	shalt  }
0x41: {  	_ =	shalt  }
0x42: {  	_ =	shalt  }
0x43: {  	_ =	shalt  }
0x44: {  	_ =	shalt  }
0x45: {  	_ =	shalt  }
0x46: {  	_ =	shalt  }
0x47: {  	_ =	shalt  }
0x48: {  	_ =	shalt  }
0x49: {  	_ =	shalt  }
0x4a: {  	_ =	shalt  }
0x4b: {  	_ =	shalt  }
0x4c: {  	_ =	shalt  }
0x4d: {  	_ =	shalt  }
0x4e: {  	_ =	shalt  }
0x4f: {  	_ =	shalt  }
0x50: {  	_ =	shalt  }
0x51: {  	_ =	shalt  }
0x52: {  	_ =	shalt  }
0x53: {  	_ =	shalt  }
0x54: {  	_ =	shalt  }
0x55: {  	_ =	shalt  }
0x56: {  	_ =	shalt  }
0x57: {  	_ =	shalt  }
0x58: {  	_ =	shalt  }
0x59: {  	_ =	shalt  }
0x5a: {  	_ =	shalt  }
0x5b: {  	_ =	shalt  }
0x5c: {  	_ =	shalt  }
0x5d: {  	_ =	shalt  }
0x5e: {  	_ =	shalt  }
0x5f: {  	_ =	shalt  }
0x60: {  	_ =	shalt  }
0x61: {  	_ =	shalt  }
0x62: {  	_ =	shalt  }
0x63: {  	_ =	shalt  }
0x64: {  	_ =	shalt  }
0x65: {  	_ =	shalt  }
0x66: {  	_ =	shalt  }
0x67: {  	_ =	shalt  }
0x68: {  	_ =	shalt  }
0x69: {  	_ =	shalt  }
0x6a: {  	_ =	shalt  }
0x6b: {  	_ =	shalt  }
0x6c: {  	_ =	shalt  }
0x6d: {  	_ =	shalt  }
0x6e: {  	_ =	shalt  }
0x6f: {  	_ =	shalt  }
0x70: {  	_ =	shalt  }
0x71: {  	_ =	shalt  }
0x72: {  	_ =	shalt  }
0x73: {  	_ =	shalt  }
0x74: {  	_ =	shalt  }
0x75: {  	_ =	shalt  }
0x76: {  	_ =	shalt  }
0x77: {  	_ =	shalt  }
0x78: {  	_ =	shalt  }
0x79: {  	_ =	shalt  }
0x7a: {  	_ =	shalt  }
0x7b: {  	_ =	shalt  }
0x7c: {  	_ =	shalt  }
0x7d: {  	_ =	shalt  }
0x7e: {  	_ =	shalt  }
0x7f: {  	_ =	shalt  }
0x80: {  	_ =	shalt  }
0x81: {  	_ =	shalt  }
0x82: {  	_ =	shalt  }
0x83: {  	_ =	shalt  }
0x84: {  	_ =	shalt  }
0x85: {  	_ =	shalt  }
0x86: {  	_ =	shalt  }
0x87: {  	_ =	shalt  }
.Lfunc_end0:
.L_simem_size_0:
called_computation_lowered:
.L_overlay_start_0:
0x88: {  	s2 =	sld [smem:$0x3FD9]  }
0x89: {  	s3 =	sld [smem:$0x3FFE];
	_ =	sdelay $0x1  }
0x8a: {  	s1 =	srdreg.scid  }
0x8b: {  	s0 =	sand.u32 $0x1, s1  }
0x8c: {  	s14 =	sshll.u32 s0, $0xA;
	s2 =	sadd.s32 s3, s2  }
0x8d: {  	s2 =	sadd.s32 s2, s14  }
0x8e: {  	[smem:$0x3FBF] =	sst s2  }
0x8f: {  	_ = 	snop  }
0x90: {  	s2 =	sld [smem:$0x3FD0];
	_ =	sdelay $0x2  }
0x91: {  	s15 =	simm.s32 $0xA;
	s4 =	simm.s32 $0x10  }
0x92: {  	[smem:s4], [sflag:s15] =	dma.local [hbm:s2], $0x1  }
0x93: {  	_ =	swait.eq [sflag:s15], $0x1  }
0x94: {  	s16 =	sld [smem:$0x10]  }
0x95: {  	s17 =	sld [smem:$0x11];
	[sflag:s15] =	ssyncset.done $0x0  }
0x96: {  	s5 =	sld [smem:$0x12];
	[sflag:s15] =	ssyncadd.s32 $0xFFFFFFFF  }
0x97: {  	s18 =	sld [smem:$0x13];
	(tm) =	ssettm $0x1  }
0x98: {  	s6 =	sld [smem:$0x3FFB];
	_ =	sdelay $0x3  }
0x99: {  	_ =	strace s6  }
0x9a: {  	s6 =	sld [smem:$0x3FFC];
	_ =	sdelay $0x3  }
0x9b: {  	_ =	strace s6  }
0x9c: {  	s6 =	sld [smem:$0x3FFD];
	_ =	sdelay $0x3  }
0x9d: {  	_ =	strace s6  }
0x9e: {  	_ =	strace $0x8FFFFFFF  }
0x9f: {  	s19 =	sld [smem:$0x3FDB];
	_ =	sdelay $0x1  }
0xa0: {  	s7 =	simm.s32 $_scs_section_size  }
0xa1: {  	s8 =	simm.s32 $_size__tile_overlayer_lowered;
	s9 =	simm.s32 $_tile_overlayer_lowered  }
0xa2: {  	s22 =	simm.s32 $0x1BFF;
	s21 =	sshll.u32 s9, $0x1;
	s6 =	sadd.s32 s7, s19  }
0xa3: {  	s10 =	simm.s32 $0x0;
	s20 =	sshll.u32 s8, $0x1;
	s8 =	sadd.s32 s21, s6  }
0xa4: {  	[timem:s10], [sflag:s22] =	dma.local [hbm:s8], s20  }
0xa5: {  	_ =	swait.ge [sflag:s22], s20  }
0xa6: {  	s7 =	ssub.s32 $0x0, s20;
	[sflag:s22] =	ssyncset.done $0x0  }
0xa7: {  	[sflag:s22] =	ssyncadd.s32 s7;
	_ =	sdelay $0x1  }
0xa8: {  	s23 =	simm.s32 $0x1B8B  }
0xa9: {  	_ =	swait.ge [sflag:s23], $0x1  }
0xaa: {  	[sflag:s23] =	ssyncset.done $0x0  }
0xab: {  	s25 =	simm.s32 $0x1B8E;
	s24 =	sld [smem:$0x3FFE];
	[sflag:s23] =	ssyncadd.s32 $0xFFFFFFFF  }
0xac: {  	s26 =	simm.s32 $execute0_lowered;
	[smem:$0x3FD2] =	sst s25  }
0xad: {  	s8 =	sshll.u32 s26, $0x1;
	_ =	strace $0x80000046;
	[dreg:$0x1] =	wrdreg $0xFFFFFFFF  }
0xae: {  	s28 =	simm.s32 $_size_execute0_lowered;
	s6 =	sadd.s32 s6, s8;
	[dreg:$0x0] =	wrdreg $0x0  }
0xaf: {  	s8 =	sshll.u32 s28, $0x1;
	[dreg:$0x2] =	wrdreg s6  }
0xb0: {  	[dreg:$0x3] =	wrdreg s8  }
0xb1: {  	[dreg:$0x4] =	wrdreg $0xC0  }
0xb2: {  	_ =	task [dreg:s10], $0x5FFFF  }
0xb3: {  	[dreg:$0x1] =	wrdreg $0xFFFFFFFF  }
0xb4: {  	[dreg:$0x0] =	wrdreg $0x60  }
0xb5: {  	[dreg:$0x2] =	wrdreg s24  }
0xb6: {  	[dreg:$0x3] =	wrdreg s5  }
0xb7: {  	[dreg:$0x4] =	wrdreg s16  }
0xb8: {  	[dreg:$0x5] =	wrdreg s18  }
0xb9: {  	[dreg:$0x6] =	wrdreg s17  }
0xba: {  	[dreg:$0x7] =	wrdreg $0x9  }
0xbb: {  	_ =	task.clear_ibuf [dreg:s10], $0x8FFFF;
	_ =	strace $0x90000046  }
0xbc: {  	s29 =	simm.s32 $0x9;
	_ =	strace $0x80000048  }
0xbd: {  	_ =	swait.ge [sflag:s29], $0x1  }
0xbe: {  	[sflag:s29] =	ssyncadd.s32 $0xFFFFFFFF  }
0xbf: {  	_ =	strace $0x90000048  }
0xc0: {  	_ =	sfence  }
0xc1: {  	s30 =	sld [smem:$0x0];
	_ =	sdelay $0x2  }
0xc2: {  	s31 =	sshll.u32 s1, $0xD;
	s1 =	sshrl.u32 s1, $0x2  }
0xc3: {  	s3 =	sand.u32 $0x4000, s31;
	s1 =	sadd.s32 s1, s30  }
0xc4: {  	s0 =	sor.u32 s3, s0;
	s1 =	sshll.u32 s1, $0x11  }
0xc5: {  	s0 =	sor.u32 s1, s0  }
0xc6: {  	s0 =	sadd.s32 $0x8F2B, s0  }
0xc7: {  	[sflag:s0] =	ssyncadd.remote.s32 $0x1  }
0xc8: {  	_ =	sfence.sel $0xFFFF  }
0xc9: {  	[dreg:$0x0] =	wrdreg $0xFFFFFFFF;
	(pc) =	sbr.abs _section_cstart, $3  }
0xca: {  	[dreg:$0x1] =	wrdreg $0xFFFFFFFF  }
0xcb: {  	_ =	task.clear_ibuf [dreg:s10], $0x2FFFF;
	_ =	strace $0x9FFFFFFF  }
0xcc: {  	(tm) =	ssettm $0x7FFFFFFF  }
0xcd: {  	_ =	shalt  }
tec
execute0_lowered:
.L_overlay_start_1:
0x0: {  	(tag) =	ssettag $0x1  }
0x1: {  	s0 =	rddreg [dreg:$0x0]  }
0x2: {  	s1 =	rddreg [dreg:$0x1]  }
0x3: {  	s5 =	rddreg [dreg:$0x2]  }
0x4: {  	s6 =	rddreg [dreg:$0x3]  }
0x5: {  	s7 =	rddreg [dreg:$0x4]  }
0x6: {  	s2 =	simm.s32 $0x0;
	s9 =	stileid.u32;
	s4 =	srdreg.scid  }
0x7: {  	s16 =	simm.s32 $0x5;
	s18 =	simm.s32 $0xE200;
	s19 =	simm.s32 $0xE080  }
0x8: {  	s29 =	simm.s32 $0x3;
	s17 =	simm.s32 $0x0;
	[smem:$0x7FF] =	sst s2  }
0x9: {  	s8 =	sshrl.u32 s9, $0x2;
	s4 =	sand.u32 $0x1, s4;
	s9 =	sshll.u32 s9, $0x1  }
0xa: {  	s3 =	smul.u32 $0xC00, s8;
	_ =	strace $0x80000047;
	s11 =	ssub.s32 $0x2, s4  }
0xb: {  	s12 =	sor.u32 s4, s9;
	s4 =	sadd.s32 $0x84A00, s0;
	s24 =	sshll.u32 s8, $0xD  }
0xc: {  	s20 =	sshrl.u32 s11, $0x1;
	s13 =	smul.u32 $0x30, s12;
	s22 =	sshll.u32 s12, $0x4  }
0xd: {  	v0 =	vlaneseq.u32;
	s8 =	sshll.u32 s12, $0xC;
	s25 =	sshll.u32 s12, $0x10;
	s28 =	sshll.u32 s12, $0x9  }
0xe: {  	v1 =	vmul.u32 $0x3, v0;
	v2 =	vmov s24;
	s24 =	simm.s32 $0x13400;
	s10 =	sadd.s32 s3, s0;
	s1 =	sadd.s32 s1, s22  }
0xf: {  	v26 =	vimm.s32 $0x0;
	s3 =	sadd.s32 $0x4A00, s0;
	s30 =	sadd.s32 s6, s28;
	[dreg:$0x7] =	wrdreg s1  }
0x10: {  	v27 =	vor.u32 $0x10, v0;
	v3 =	vadd.s32 $0x1, v1;
	v4 =	vadd.s32 $0x2, v1;
	s21 =	ssub.s32 s11, s20;
	s31 =	sadd.s32 s7, s28;
	[dreg:$0xa] =	wrdreg s30  }
0x11: {  	v5 =	vadd.s32 $0x30, v1;
	v6 =	vadd.s32 $0x31, v1;
	v7 =	vadd.s32 $0x32, v1;
	s9 =	sadd.s32 $0xFFFFFF80, s8;
	s10 =	sadd.s32 $0x1A00, s10;
	[dreg:$0xb] =	wrdreg s31  }
0x12: {  	v8 =	vadd.s32 $0x60, v1;
	v9 =	vadd.s32 $0x61, v1;
	v10 =	vadd.s32 $0x62, v1;
	s26 =	sadd.s32 s25, s4;
	s23 =	sadd.s32 s5, s13;
	[dreg:$0x6] =	wrdreg s10  }
0x13: {  	v11 =	vadd.s32 $0x90, v1;
	v12 =	vadd.s32 $0x91, v1;
	v13 =	vadd.s32 $0x92, v1;
	s20 =	simm.s32 $0xE100;
	s1 =	sadd.s32 $0xF800, s26;
	[dreg:$0x8] =	wrdreg s23  }
0x14: {  	v14 =	vor.u32 $0xC0, v1;
	v15 =	vadd.s32 $0xC1, v1;
	v16 =	vadd.s32 $0xC2, v1;
	s22 =	simm.s32 $0xE380;
	s5 =	sadd.s32 $0x4000, s31;
	[dreg:$0x9] =	wrdreg s1  }
0x15: {  	v17 =	vadd.s32 $0xF0, v1;
	v18 =	vadd.s32 $0xF1, v1;
	v19 =	vadd.s32 $0xF2, v1;
	s25 =	simm.s32 $0x1;
	s0 =	smax.u32 s21, $0x1;
	[dreg:$0xc] =	wrdreg s5  }
0x16: {  	v20 =	vadd.s32 $0x120, v1;
	v21 =	vadd.s32 $0x121, v1;
	v22 =	vadd.s32 $0x122, v1;
	s21 =	simm.s32 $0xE180;
	s1 =	sadd.s32 $0x8000, s31;
	[dreg:$0xe] =	wrdreg s0  }
0x17: {  	v23 =	vadd.s32 $0x150, v1;
	v24 =	vadd.s32 $0x151, v1;
	v25 =	vadd.s32 $0x152, v1;
	s26 =	simm.s32 $0x17400;
	s23 =	simm.s32 $0x80;
	[dreg:$0xd] =	wrdreg s1  }
.LBB2_1:
0x18: {  	v28 =	vmov s2  }
0x19: {  	s0 =	rddreg [dreg:$0x6];
	v28 =	vmul.u32 $0x3, v28  }
0x1a: {  	[tilespmem:s2], [sflag:$0x5] =	stream.linear.gather [hbm4b:s0+s2], $0x6000, $0x38;
	[tilespmem:$0x1B400] =	vst v63  }
0x1b: {  	_ =	swait.ge [sflag:s16], $0x6000;
	v28 =	vbroadcast v28, $0x0  }
0x1c: {  	s1 =	simm.s32 $0xE000;
	[sflag:s16] =	ssyncset.done $0x0  }
0x1d: {  	s28 =	simm.s32 $0x10;
	s15 =	rddreg [dreg:$0x7];
	[sflag:s16] =	ssyncadd.s32 $0xFFFFA000;
	v29 =	vadd.s32 v3, v28  }
0x1e: {  	[tilespmem:s1], [sflag:$0x5] =	stream.linear.gather [hbm4b:s15+s2], $0x80, $0x38;
	v30 =	vadd.s32 v1, v28;
	[tilespmem:$0x1B400] =	vst v63  }
0x1f: {  	v31 =	vadd.s32 v4, v28;
	v28 =	vmov s28;
	_ =	swait.ge [sflag:s16], $0x80  }
0x20: {  	v28 =	vmul.u32 $0x3, v28;
	[sflag:s16] =	ssyncset.done $0x0  }
0x21: {  	[sflag:s16] =	ssyncadd.s32 $0xFFFFFF80  }
0x22: {  	s5 =	simm.s32 $0x6000;
	s31 =	simm.s32 $0xA000;
	s6 =	simm.s32 $0xC000;
	v34 =	vbroadcast v28, $0x0;
	v33 =	vld.idx.msk [tilespmem:v29+s2+$0x0], $0xffff  }
0x23: {  	s11 =	simm.s32 $0x20;
	s30 =	simm.s32 $0xC010;
	s7 =	simm.s32 $0x6000;
	v32 =	vld.idx.msk [tilespmem:v30+s2+$0x0], $0xffff  }
0x24: {  	s10 =	simm.s32 $0x8000;
	s0 =	simm.s32 $0x8000;
	s1 =	simm.s32 $0xA010;
	v28 =	vadd.s32 v1, v34;
	v30 =	vadd.s32 v3, v34;
	v31 =	vld.idx.msk [tilespmem:v31+s2+$0x0], $0xffff;
	v29 =	vadd.s32 v4, v34  }
.LBB2_2:
0x25: {  	s5 =	sadd.s32 $0x10, s5  }
0x26: {  	s0 =	sadd.s32 $0x10, s0;
	s12 =	smov.u32 s11;
	s13 =	sadd.s32 $0x10, s11  }
0x27: {  	p0 =	sne.s32 s11, $0x1FF0;
	v34 =	vshrl.u32 v33, $0x10;
	v35 =	vmul.f32 v33, v33  }
0x28: {  	v36 =	vshrl.u32 v32, $0x10;
	v34 =	vand.u32 $0x1, v34;
	v37 =	vmul.f32 v32, v32  }
0x29: {  	v36 =	vand.u32 $0x1, v36;
	v33 =	vadd.s32 v34, v33;
	v34 =	vshrl.u32 v31, $0x10  }
0x2a: {  	v32 =	vadd.s32 v36, v32;
	v34 =	vand.u32 $0x1, v34;
	v36 =	vmul.f32 v31, v31  }
0x2b: {  	v33 =	vadd.s32 $0x7FFF, v33;
	v32 =	vadd.s32 $0x7FFF, v32;
	v31 =	vadd.s32 v34, v31  }
0x2c: {  	v34 =	vadd.f32 v35, v37;
	v32 =	vand.u32 $0xFFFF0000, v32;
	v31 =	vadd.s32 $0x7FFF, v31  }
0x2d: {  	[tilespmem:s7+$0x0] =	vst v32;
	v32 =	vand.u32 $0xFFFF0000, v33;
	s7 =	smov.u32 s5  }
0x2e: {  	v31 =	vand.u32 $0xFFFF0000, v31;
	v33 =	vmov s12;
	[tilespmem:s10+$0x0] =	vst v32;
	v32 =	vadd.f32 v36, v34;
	s10 =	smov.u32 s0  }
0x2f: {  	v33 =	vmul.u32 $0x3, v33;
	[tilespmem:s31+$0x0] =	vst v31;
	s31 =	smov.u32 s1  }
0x30: {  	[tilespmem:s6+$0x0] =	vst v32;
	s6 =	smov.u32 s30  }
.Ltmp0:
0x31: {  	v34 =	vbroadcast v33, $0x0;
	v33 =	vld.idx.msk [tilespmem:v30+s2+$0x0], $0xffff;
	(pc) =	sbr.rel @p0 .LBB2_2-.Ltmp0, $4  }
0x32: {  	v32 =	vld.idx.msk [tilespmem:v28+s2+$0x0], $0xffff  }
0x33: {  	v28 =	vadd.s32 v1, v34;
	v30 =	vadd.s32 v3, v34;
	v31 =	vld.idx.msk [tilespmem:v29+s2+$0x0], $0xffff  }
0x34: {  	v29 =	vadd.s32 v4, v34  }
0x35: {  	s11 =	smov.u32 s13;
	s1 =	sadd.s32 $0x10, s1;
	s30 =	sadd.s32 $0x10, s30  }
0x36: {  	v34 =	vshrl.u32 v33, $0x10  }
0x37: {  	v35 =	vmul.f32 v33, v33;
	v36 =	vshrl.u32 v32, $0x10;
	v34 =	vand.u32 $0x1, v34  }
0x38: {  	v37 =	vmul.f32 v32, v32;
	v36 =	vand.u32 $0x1, v36;
	v40 =	vadd.s32 v34, v33  }
0x39: {  	v41 =	vshrl.u32 v31, $0x10;
	v43 =	vmul.f32 v31, v31;
	v42 =	vadd.s32 v36, v32  }
0x3a: {  	v34 =	vand.u32 $0x1, v41;
	v33 =	vadd.s32 $0x7FFF, v40;
	v32 =	vadd.s32 $0x7FFF, v42  }
0x3b: {  	v45 =	vadd.f32 v35, v37;
	v44 =	vadd.s32 v34, v31;
	v32 =	vand.u32 $0xFFFF0000, v32  }
0x3c: {  	v46 =	vand.u32 $0xFFFF0000, v33;
	v31 =	vadd.s32 $0x7FFF, v44;
	[tilespmem:s7+$0x0] =	vst v32  }
0x3d: {  	v47 =	vadd.f32 v43, v45;
	v31 =	vand.u32 $0xFFFF0000, v31;
	[tilespmem:s10+$0x0] =	vst v46  }
0x3e: {  	[tilespmem:s31+$0x0] =	vst v31  }
0x3f: {  	[tilespmem:s6+$0x0] =	vst v47  }
0x40: {  	v30 =	vld.idx.msk [tilespmem:v30+s2+$0x0], $0xffff  }
0x41: {  	v28 =	vld.idx.msk [tilespmem:v28+s2+$0x0], $0xffff  }
0x42: {  	v29 =	vld.idx.msk [tilespmem:v29+s2+$0x0], $0xffff;
	_ =	sdelay $0x2  }
0x43: {  	v48 =	vshrl.u32 v30, $0x10  }
0x44: {  	v49 =	vmul.f32 v30, v30;
	v50 =	vshrl.u32 v28, $0x10;
	v51 =	vmul.f32 v28, v28  }
0x45: {  	v52 =	vshrl.u32 v29, $0x10;
	v54 =	vmul.f32 v29, v29;
	v33 =	vand.u32 $0x1, v50  }
0x46: {  	v31 =	vand.u32 $0x1, v48;
	v53 =	vand.u32 $0x1, v52;
	v28 =	vadd.s32 v33, v28  }
0x47: {  	v30 =	vadd.s32 v31, v30;
	v29 =	vadd.s32 v53, v29;
	v28 =	vadd.s32 $0x7FFF, v28  }
0x48: {  	s5 =	sadd.s32 $0x10, s5;
	v55 =	vadd.f32 v49, v51;
	v30 =	vadd.s32 $0x7FFF, v30;
	v28 =	vand.u32 $0xFFFF0000, v28  }
0x49: {  	s0 =	sadd.s32 $0x10, s0;
	v29 =	vadd.s32 $0x7FFF, v29;
	[tilespmem:s5+$0x0] =	vst v28;
	v28 =	vand.u32 $0xFFFF0000, v30  }
0x4a: {  	[tilespmem:s0+$0x0] =	vst v28;
	v28 =	vand.u32 $0xFFFF0000, v29;
	v29 =	vadd.f32 v54, v55  }
0x4b: {  	[tilespmem:s1+$0x0] =	vst v28  }
0x4c: {  	[tilespmem:s30+$0x0] =	vst v29  }
0x4d: {  	v28 =	vld [tilespmem:$0xE000];
	_ =	sdelay $0x4  }
0x4e: {  	v28 =	vmul.u32 $0x3, v28;
	_ =	sdelay $0x1  }
0x4f: {  	v29 =	vadd.s32 $0x1, v28  }
0x50: {  	v56 =	vadd.s32 $0x2, v28;
	_ =	sdelay $0x1  }
0x51: {  	s30 =	simm.s32 $0x0  }
0x52: {  	v28 =	vld.idx.msk [tilespmem:v28+s30+$0x0], $0xffff  }
0x53: {  	v29 =	vld.idx.msk [tilespmem:v29+s30+$0x0], $0xffff  }
0x54: {  	v30 =	vld.idx.msk [tilespmem:v56+s30+$0x0], $0xffff;
	_ =	sdelay $0x2  }
0x55: {  	[tilespmem:$0xE080] =	vst v28  }
0x56: {  	[tilespmem:$0xE100] =	vst v29  }
0x57: {  	[tilespmem:$0xE180] =	vst v30  }
0x58: {  	[tilespmem:v1+s18+$0x0] =	vst.idx.msk $0xffff, v28  }
0x59: {  	[tilespmem:v3+s18+$0x0] =	vst.idx.msk $0xffff, v29  }
0x5a: {  	[tilespmem:v4+s18+$0x0] =	vst.idx.msk $0xffff, v30  }
0x5b: {  	v28 =	vld [tilespmem:$0xE010];
	_ =	sdelay $0x4  }
0x5c: {  	v28 =	vmul.u32 $0x3, v28;
	_ =	sdelay $0x1  }
0x5d: {  	v29 =	vadd.s32 $0x1, v28  }
0x5e: {  	v57 =	vadd.s32 $0x2, v28;
	_ =	sdelay $0x2  }
0x5f: {  	v28 =	vld.idx.msk [tilespmem:v28+s30+$0x0], $0xffff  }
0x60: {  	v29 =	vld.idx.msk [tilespmem:v29+s30+$0x0], $0xffff  }
0x61: {  	v30 =	vld.idx.msk [tilespmem:v57+s30+$0x0], $0xffff;
	_ =	sdelay $0x2  }
0x62: {  	[tilespmem:$0xE090] =	vst v28  }
0x63: {  	[tilespmem:$0xE110] =	vst v29  }
0x64: {  	[tilespmem:$0xE190] =	vst v30  }
0x65: {  	[tilespmem:v5+s18+$0x0] =	vst.idx.msk $0xffff, v28  }
0x66: {  	[tilespmem:v6+s18+$0x0] =	vst.idx.msk $0xffff, v29  }
0x67: {  	[tilespmem:v7+s18+$0x0] =	vst.idx.msk $0xffff, v30  }
0x68: {  	v28 =	vld [tilespmem:$0xE020];
	_ =	sdelay $0x4  }
0x69: {  	v28 =	vmul.u32 $0x3, v28;
	_ =	sdelay $0x1  }
0x6a: {  	v29 =	vadd.s32 $0x1, v28  }
0x6b: {  	v58 =	vadd.s32 $0x2, v28;
	_ =	sdelay $0x2  }
0x6c: {  	v28 =	vld.idx.msk [tilespmem:v28+s30+$0x0], $0xffff  }
0x6d: {  	v29 =	vld.idx.msk [tilespmem:v29+s30+$0x0], $0xffff  }
0x6e: {  	v30 =	vld.idx.msk [tilespmem:v58+s30+$0x0], $0xffff;
	_ =	sdelay $0x2  }
0x6f: {  	[tilespmem:$0xE0A0] =	vst v28  }
0x70: {  	[tilespmem:$0xE120] =	vst v29  }
0x71: {  	[tilespmem:$0xE1A0] =	vst v30  }
0x72: {  	[tilespmem:v8+s18+$0x0] =	vst.idx.msk $0xffff, v28  }
0x73: {  	[tilespmem:v9+s18+$0x0] =	vst.idx.msk $0xffff, v29  }
0x74: {  	[tilespmem:v10+s18+$0x0] =	vst.idx.msk $0xffff, v30  }
0x75: {  	v28 =	vld [tilespmem:$0xE030];
	_ =	sdelay $0x4  }
0x76: {  	v28 =	vmul.u32 $0x3, v28;
	_ =	sdelay $0x1  }
0x77: {  	v29 =	vadd.s32 $0x1, v28  }
0x78: {  	v59 =	vadd.s32 $0x2, v28;
	_ =	sdelay $0x2  }
0x79: {  	v28 =	vld.idx.msk [tilespmem:v28+s30+$0x0], $0xffff  }
0x7a: {  	v29 =	vld.idx.msk [tilespmem:v29+s30+$0x0], $0xffff  }
0x7b: {  	v30 =	vld.idx.msk [tilespmem:v59+s30+$0x0], $0xffff;
	_ =	sdelay $0x2  }
0x7c: {  	[tilespmem:$0xE0B0] =	vst v28  }
0x7d: {  	[tilespmem:$0xE130] =	vst v29  }
0x7e: {  	[tilespmem:$0xE1B0] =	vst v30  }
0x7f: {  	[tilespmem:v11+s18+$0x0] =	vst.idx.msk $0xffff, v28  }
0x80: {  	[tilespmem:v12+s18+$0x0] =	vst.idx.msk $0xffff, v29  }
0x81: {  	[tilespmem:v13+s18+$0x0] =	vst.idx.msk $0xffff, v30  }
0x82: {  	v28 =	vld [tilespmem:$0xE040];
	_ =	sdelay $0x4  }
0x83: {  	v28 =	vmul.u32 $0x3, v28;
	_ =	sdelay $0x1  }
0x84: {  	v29 =	vadd.s32 $0x1, v28  }
0x85: {  	v60 =	vadd.s32 $0x2, v28;
	_ =	sdelay $0x2  }
0x86: {  	v28 =	vld.idx.msk [tilespmem:v28+s30+$0x0], $0xffff  }
0x87: {  	v29 =	vld.idx.msk [tilespmem:v29+s30+$0x0], $0xffff  }
0x88: {  	v30 =	vld.idx.msk [tilespmem:v60+s30+$0x0], $0xffff;
	_ =	sdelay $0x2  }
0x89: {  	[tilespmem:$0xE0C0] =	vst v28  }
0x8a: {  	[tilespmem:$0xE140] =	vst v29  }
0x8b: {  	[tilespmem:$0xE1C0] =	vst v30  }
0x8c: {  	[tilespmem:v14+s18+$0x0] =	vst.idx.msk $0xffff, v28  }
0x8d: {  	[tilespmem:v15+s18+$0x0] =	vst.idx.msk $0xffff, v29  }
0x8e: {  	[tilespmem:v16+s18+$0x0] =	vst.idx.msk $0xffff, v30  }
0x8f: {  	v28 =	vld [tilespmem:$0xE050];
	_ =	sdelay $0x4  }
0x90: {  	v28 =	vmul.u32 $0x3, v28;
	_ =	sdelay $0x1  }
0x91: {  	v29 =	vadd.s32 $0x1, v28  }
0x92: {  	v61 =	vadd.s32 $0x2, v28;
	_ =	sdelay $0x2  }
0x93: {  	v28 =	vld.idx.msk [tilespmem:v28+s30+$0x0], $0xffff  }
0x94: {  	v29 =	vld.idx.msk [tilespmem:v29+s30+$0x0], $0xffff  }
0x95: {  	v30 =	vld.idx.msk [tilespmem:v61+s30+$0x0], $0xffff;
	_ =	sdelay $0x2  }
0x96: {  	[tilespmem:$0xE0D0] =	vst v28  }
0x97: {  	[tilespmem:$0xE150] =	vst v29  }
0x98: {  	[tilespmem:$0xE1D0] =	vst v30  }
0x99: {  	[tilespmem:v17+s18+$0x0] =	vst.idx.msk $0xffff, v28  }
0x9a: {  	[tilespmem:v18+s18+$0x0] =	vst.idx.msk $0xffff, v29  }
0x9b: {  	[tilespmem:v19+s18+$0x0] =	vst.idx.msk $0xffff, v30  }
0x9c: {  	v28 =	vld [tilespmem:$0xE060];
	_ =	sdelay $0x4  }
0x9d: {  	v28 =	vmul.u32 $0x3, v28;
	_ =	sdelay $0x1  }
0x9e: {  	v29 =	vadd.s32 $0x1, v28  }
0x9f: {  	v62 =	vadd.s32 $0x2, v28;
	_ =	sdelay $0x2  }
0xa0: {  	v28 =	vld.idx.msk [tilespmem:v28+s30+$0x0], $0xffff  }
0xa1: {  	v29 =	vld.idx.msk [tilespmem:v29+s30+$0x0], $0xffff  }
0xa2: {  	v30 =	vld.idx.msk [tilespmem:v62+s30+$0x0], $0xffff;
	_ =	sdelay $0x2  }
0xa3: {  	[tilespmem:$0xE0E0] =	vst v28  }
0xa4: {  	[tilespmem:$0xE160] =	vst v29  }
0xa5: {  	[tilespmem:$0xE1E0] =	vst v30  }
0xa6: {  	[tilespmem:v20+s18+$0x0] =	vst.idx.msk $0xffff, v28  }
0xa7: {  	[tilespmem:v21+s18+$0x0] =	vst.idx.msk $0xffff, v29  }
0xa8: {  	[tilespmem:v22+s18+$0x0] =	vst.idx.msk $0xffff, v30  }
0xa9: {  	v28 =	vld [tilespmem:$0xE070];
	_ =	sdelay $0x4  }
0xaa: {  	v28 =	vmul.u32 $0x3, v28;
	_ =	sdelay $0x1  }
0xab: {  	v29 =	vadd.s32 $0x1, v28  }
0xac: {  	v63 =	vadd.s32 $0x2, v28;
	_ =	sdelay $0x2  }
0xad: {  	v28 =	vld.idx.msk [tilespmem:v28+s30+$0x0], $0xffff  }
0xae: {  	v29 =	vld.idx.msk [tilespmem:v29+s30+$0x0], $0xffff  }
0xaf: {  	v30 =	vld.idx.msk [tilespmem:v63+s30+$0x0], $0xffff;
	_ =	sdelay $0x2  }
0xb0: {  	[tilespmem:$0xE0F0] =	vst v28  }
0xb1: {  	[tilespmem:$0xE170] =	vst v29  }
0xb2: {  	[tilespmem:$0xE1F0] =	vst v30  }
0xb3: {  	[tilespmem:v23+s18+$0x0] =	vst.idx.msk $0xffff, v28  }
0xb4: {  	[tilespmem:v24+s18+$0x0] =	vst.idx.msk $0xffff, v29  }
0xb5: {  	s31 =	rddreg [dreg:$0x8];
	[tilespmem:v25+s18+$0x0] =	vst.idx.msk $0xffff, v30  }
0xb6: {  	[hbm4b:s31+s30] =	stream.linear.scatter [tilespmem:s18], [sflag:$0x5], $0x180, $0x38;
	[tilespmem:$0x1B400] =	vst v63  }
0xb7: {  	_ =	swait.ge [sflag:s16], $0x180  }
0xb8: {  	[sflag:s16] =	ssyncset.done $0x0  }
0xb9: {  	[sflag:s16] =	ssyncadd.s32 $0xFFFFFE80  }
.LBB2_4:
0xba: {  	s0 =	sshll.u32 s30, $0x3  }
0xbb: {  	v28 =	vmov s0  }
0xbc: {  	v28 =	vbroadcast v28, $0x0;
	_ =	sdelay $0x5  }
0xbd: {  	v30 =	vld.idx.msk [tilespmem:v28+s19+$0x0], $0xffff  }
0xbe: {  	v29 =	vld.idx.msk [tilespmem:v28+s20+$0x0], $0xffff  }
0xbf: {  	v28 =	vld.idx.msk [tilespmem:v28+s21+$0x0], $0xffff;
	_ =	sdelay $0x3  }
0xc0: {  	v31 =	vmul.f32 v30, v30;
	v32 =	vmul.f32 v29, v29  }
0xc1: {  	v62 =	vmul.f32 v28, v28;
	v33 =	vshrl.u32 v29, $0x10;
	v34 =	vshrl.u32 v28, $0x10  }
0xc2: {  	v63 =	vshrl.u32 v30, $0x10;
	v33 =	vand.u32 $0x1, v33;
	v34 =	vand.u32 $0x1, v34  }
0xc3: {  	v31 =	vadd.f32 v32, v31;
	v32 =	vand.u32 $0x1, v63;
	v33 =	vadd.s32 v33, v29  }
0xc4: {  	s1 =	simm.s32 $0x6000;
	v34 =	vadd.s32 v34, v28;
	v32 =	vadd.s32 v32, v30;
	v33 =	vadd.s32 $0x7FFF, v33  }
0xc5: {  	s5 =	simm.s32 $0x8000;
	s6 =	simm.s32 $0xA000;
	s7 =	simm.s32 $0xC000;
	v34 =	vadd.s32 $0x7FFF, v34;
	v31 =	vadd.f32 v62, v31;
	v32 =	vadd.s32 $0x7FFF, v32  }
0xc6: {  	s11 =	simm.s32 $0x0;
	s10 =	simm.s32 $0x0;
	s12 =	simm.s32 $0x0;
	v33 =	vand.u32 $0xFFFF0000, v33;
	v34 =	vand.u32 $0xFFFF0000, v34;
	v32 =	vand.u32 $0xFFFF0000, v32  }
.LBB2_5:
0xc7: {  	v35 =	vld [tilespmem:s1+$0x0]  }
0xc8: {  	v36 =	vld [tilespmem:s5+$0x0];
	_ =	sdelay $0x1  }
0xc9: {  	v37 =	vld [tilespmem:s6+$0x0];
	_ =	sdelay $0x2  }
0xca: {  	v35 =	vmul.f32 v32, v35;
	v36 =	vmul.f32 v33, v36  }
0xcb: {  	v38 =	vld [tilespmem:s7+$0x0]  }
0xcc: {  	v61 =	vmul.f32 v34, v37;
	v35 =	vadd.f32 v36, v35;
	_ =	sdelay $0x1  }
0xcd: {  	v35 =	vadd.f32 v61, v35;
	_ =	sdelay $0x1  }
0xce: {  	v62 =	vadd.f32 v38, v31;
	v35 =	vadd.f32 v35, v35;
	_ =	sdelay $0x1  }
0xcf: {  	v35 =	vsub.f32 v62, v35;
	_ =	sdelay $0x1  }
0xd0: {  	vm0 =	vlt.f32 v35, $1.600000110e-01  }
0xd1: {  	v35 =	vsel vm0, $0x1, v26  }
0xd2: {  	(xrf0) =	vadd.scan.msk.s32 $0xffff, v35;
	_ =	sdelay $0x5  }
0xd3: {  	v35, _, _ =	vpop (xrf0)  }
0xd4: {  	(v2sf) =	vpush v35, $0xF;
	_ =	sdelay $0xe  }
0xd5: {  	v63 =	vor.u32 s11, v0;
	s13 =	spop (v2sf)  }
0xd6: {  	p0 =	sgt.u32 s12, $0x1FE;
	[tilespmem:s10+$0xE380] =	vst.msk vm0, v63;
	s10 =	sadd.s32 s10, s13  }
0xd7: {  	p1 =	slt.s32 @!p0 s10, $0x20  }
0xd8: {  	p0 =	por p0, !p1  }
.Ltmp1:
0xd9: {  	_ = 	snop;
	(pc) =	sbr.rel @!p0 .LBB2_5-.Ltmp1, $3  }
0xda: {  	_ =	sdelay $0x1  }
0xdb: {  	s12 =	sadd.s32 $0x1, s12;
	s1 =	sadd.s32 $0x10, s1;
	s5 =	sadd.s32 $0x10, s5  }
0xdc: {  	s6 =	sadd.s32 $0x10, s6;
	s7 =	sadd.s32 $0x10, s7;
	s11 =	sadd.s32 $0x10, s11  }
0xdd: {  	v31 =	vld.msk [tilespmem:s22+$0x0], $0xffff  }
0xde: {  	v32 =	vld [tilespmem:$0xE380];
	_ =	sdelay $0x1  }
0xdf: {  	v33 =	vmov s10  }
0xe0: {  	v34 =	vld [tilespmem:$0xE390];
	vm0 =	vgt.s32 v33, $0x0  }
0xe1: {  	vm14 =	vgt.s32 v33, v0;
	v31 =	vnsel vm0, $0x0, v31  }
0xe2: {  	v32 =	vsel vm14, v32, v31  }
0xe3: {  	v35 =	vmul.u32 $0x3, v32  }
0xe4: {  	s31 =	sshll.u32 s30, $0x8;
	vm15 =	vgt.s32 v33, v27  }
0xe5: {  	v31 =	vsel vm15, v34, v31;
	[tilespmem:s31+$0xE400] =	vst v32  }
0xe6: {  	[tilespmem:s31+$0xE410] =	vst v31;
	v32 =	vadd.s32 v2, v32  }
0xe7: {  	v55 =	vadd.s32 v2, v31;
	[tilespmem:s31+$0xF400] =	vst v32  }
0xe8: {  	s5 =	simm.s32 $0x0;
	[tilespmem:s31+$0xF410] =	vst v55  }
0xe9: {  	v32 =	vld.idx.msk [tilespmem:v35+s5+$0x0], $0xffff;
	_ =	sdelay $0x1  }
0xea: {  	v31 =	vmul.u32 $0x3, v31;
	_ =	sdelay $0x2  }
0xeb: {  	v32 =	vsub.f32 v32, v30;
	_ =	sdelay $0x1  }
0xec: {  	[tilespmem:s31+$0x10400] =	vst v32  }
0xed: {  	v32 =	vld.idx.msk [tilespmem:v31+s5+$0x0], $0xffff;
	_ =	sdelay $0x2  }
0xee: {  	v56 =	vadd.s32 $0x1, v35;
	_ =	sdelay $0x1  }
0xef: {  	v30 =	vsub.f32 v32, v30;
	_ =	sdelay $0x1  }
0xf0: {  	[tilespmem:s31+$0x10410] =	vst v30  }
0xf1: {  	v30 =	vld.idx.msk [tilespmem:v56+s5+$0x0], $0xffff;
	_ =	sdelay $0x2  }
0xf2: {  	v57 =	vadd.s32 $0x1, v31;
	_ =	sdelay $0x1  }
0xf3: {  	v30 =	vsub.f32 v30, v29;
	_ =	sdelay $0x1  }
0xf4: {  	[tilespmem:s31+$0x11400] =	vst v30  }
0xf5: {  	v30 =	vld.idx.msk [tilespmem:v57+s5+$0x0], $0xffff;
	_ =	sdelay $0x2  }
0xf6: {  	v58 =	vadd.s32 $0x2, v35;
	_ =	sdelay $0x1  }
0xf7: {  	v29 =	vsub.f32 v30, v29;
	_ =	sdelay $0x1  }
0xf8: {  	[tilespmem:s31+$0x11410] =	vst v29  }
0xf9: {  	v29 =	vld.idx.msk [tilespmem:v58+s5+$0x0], $0xffff;
	_ =	sdelay $0x2  }
0xfa: {  	v30 =	vadd.s32 $0x2, v31;
	_ =	sdelay $0x1  }
0xfb: {  	v29 =	vsub.f32 v29, v28;
	_ =	sdelay $0x1  }
0xfc: {  	s6 =	sor.u32 $0x1, s0;
	[tilespmem:s31+$0x12400] =	vst v29  }
0xfd: {  	v29 =	vld.idx.msk [tilespmem:v30+s5+$0x0], $0xffff;
	v30 =	vmov s6  }
0xfe: {  	v30 =	vand.u32 $0xFFFFFFF9, v30  }
0xff: {  	v31 =	vbroadcast v30, $0x0;
	_ =	sdelay $0x2  }
0x100: {  	v28 =	vsub.f32 v29, v28;
	_ =	sdelay $0x1  }
0x101: {  	[tilespmem:s31+$0x12410] =	vst v28  }
0x102: {  	v30 =	vld.idx.msk [tilespmem:v31+s19+$0x0], $0xffff  }
0x103: {  	v29 =	vld.idx.msk [tilespmem:v31+s20+$0x0], $0xffff  }
0x104: {  	v28 =	vld.idx.msk [tilespmem:v31+s21+$0x0], $0xffff;
	_ =	sdelay $0x3  }
0x105: {  	v31 =	vmul.f32 v30, v30;
	v59 =	vmul.f32 v29, v29  }
0x106: {  	v60 =	vmul.f32 v28, v28;
	v61 =	vshrl.u32 v30, $0x10;
	v62 =	vshrl.u32 v29, $0x10  }
0x107: {  	v63 =	vshrl.u32 v28, $0x10;
	v32 =	vand.u32 $0x1, v61;
	v33 =	vand.u32 $0x1, v62  }
0x108: {  	v34 =	vand.u32 $0x1, v63;
	v31 =	vadd.f32 v59, v31;
	v32 =	vadd.s32 v32, v30  }
0x109: {  	s7 =	simm.s32 $0x6000;
	v33 =	vadd.s32 v33, v29;
	v34 =	vadd.s32 v34, v28;
	v32 =	vadd.s32 $0x7FFF, v32  }
0x10a: {  	s10 =	simm.s32 $0x8000;
	s11 =	simm.s32 $0xA000;
	s14 =	simm.s32 $0xC000;
	v33 =	vadd.s32 $0x7FFF, v33;
	v34 =	vadd.s32 $0x7FFF, v34;
	v31 =	vadd.f32 v60, v31  }
0x10b: {  	s15 =	simm.s32 $0x0;
	s13 =	simm.s32 $0x0;
	s1 =	sadd.s32 $0xF400, s31;
	v32 =	vand.u32 $0xFFFF0000, v32;
	v33 =	vand.u32 $0xFFFF0000, v33;
	v34 =	vand.u32 $0xFFFF0000, v34  }
.LBB2_7:
0x10c: {  	v35 =	vld [tilespmem:s7+$0x0]  }
0x10d: {  	v36 =	vld [tilespmem:s10+$0x0];
	_ =	sdelay $0x1  }
0x10e: {  	v37 =	vld [tilespmem:s11+$0x0];
	_ =	sdelay $0x2  }
0x10f: {  	v35 =	vmul.f32 v32, v35;
	v36 =	vmul.f32 v33, v36  }
0x110: {  	v38 =	vld [tilespmem:s14+$0x0]  }
0x111: {  	v61 =	vmul.f32 v34, v37;
	v35 =	vadd.f32 v36, v35;
	_ =	sdelay $0x1  }
0x112: {  	v35 =	vadd.f32 v61, v35;
	_ =	sdelay $0x1  }
0x113: {  	v62 =	vadd.f32 v38, v31;
	v35 =	vadd.f32 v35, v35;
	_ =	sdelay $0x1  }
0x114: {  	v35 =	vsub.f32 v62, v35;
	_ =	sdelay $0x1  }
0x115: {  	vm0 =	vlt.f32 v35, $1.600000110e-01  }
0x116: {  	v35 =	vsel vm0, $0x1, v26  }
0x117: {  	(xrf0) =	vadd.scan.msk.s32 $0xffff, v35;
	_ =	sdelay $0x5  }
0x118: {  	v35, _, _ =	vpop (xrf0)  }
0x119: {  	(v2sf) =	vpush v35, $0xF;
	_ =	sdelay $0xe  }
0x11a: {  	v63 =	vor.u32 s15, v0;
	s12 =	spop (v2sf)  }
0x11b: {  	p0 =	sgt.u32 s5, $0x1FE;
	[tilespmem:s13+$0xE380] =	vst.msk vm0, v63;
	s13 =	sadd.s32 s13, s12  }
0x11c: {  	p1 =	slt.s32 @!p0 s13, $0x20  }
0x11d: {  	p0 =	por p0, !p1  }
.Ltmp2:
0x11e: {  	_ = 	snop;
	(pc) =	sbr.rel @!p0 .LBB2_7-.Ltmp2, $3  }
0x11f: {  	_ =	sdelay $0x1  }
0x120: {  	s5 =	sadd.s32 $0x1, s5;
	s7 =	sadd.s32 $0x10, s7;
	s10 =	sadd.s32 $0x10, s10  }
0x121: {  	s11 =	sadd.s32 $0x10, s11;
	s14 =	sadd.s32 $0x10, s14;
	s15 =	sadd.s32 $0x10, s15  }
0x122: {  	v31 =	vld.msk [tilespmem:s22+$0x0], $0xffff  }
0x123: {  	v32 =	vld [tilespmem:$0xE380];
	_ =	sdelay $0x1  }
0x124: {  	v33 =	vmov s13  }
0x125: {  	v34 =	vld [tilespmem:$0xE390];
	vm0 =	vgt.s32 v33, $0x0  }
0x126: {  	vm14 =	vgt.s32 v33, v0;
	v31 =	vnsel vm0, $0x0, v31  }
0x127: {  	v32 =	vsel vm14, v32, v31  }
0x128: {  	v35 =	vmul.u32 $0x3, v32  }
0x129: {  	s6 =	sshll.u32 s6, $0x5;
	vm15 =	vgt.s32 v33, v27  }
0x12a: {  	s7 =	sor.u32 $0x30, s6;
	v31 =	vsel vm15, v34, v31;
	[tilespmem:s6+$0xE400] =	vst v32  }
0x12b: {  	v32 =	vadd.s32 v2, v32;
	[tilespmem:s7+$0xE400] =	vst v31  }
0x12c: {  	v55 =	vadd.s32 v2, v31;
	[tilespmem:s31+$0xF420] =	vst v32  }
0x12d: {  	s5 =	simm.s32 $0x0;
	[tilespmem:s31+$0xF430] =	vst v55  }
0x12e: {  	v32 =	vld.idx.msk [tilespmem:v35+s5+$0x0], $0xffff;
	_ =	sdelay $0x1  }
0x12f: {  	v31 =	vmul.u32 $0x3, v31;
	_ =	sdelay $0x2  }
0x130: {  	v32 =	vsub.f32 v32, v30;
	_ =	sdelay $0x1  }
0x131: {  	[tilespmem:s6+$0x10400] =	vst v32  }
0x132: {  	v32 =	vld.idx.msk [tilespmem:v31+s5+$0x0], $0xffff;
	_ =	sdelay $0x2  }
0x133: {  	v56 =	vadd.s32 $0x1, v35;
	_ =	sdelay $0x1  }
0x134: {  	v30 =	vsub.f32 v32, v30;
	_ =	sdelay $0x1  }
0x135: {  	[tilespmem:s7+$0x10400] =	vst v30  }
0x136: {  	v30 =	vld.idx.msk [tilespmem:v56+s5+$0x0], $0xffff;
	_ =	sdelay $0x2  }
0x137: {  	v57 =	vadd.s32 $0x1, v31;
	_ =	sdelay $0x1  }
0x138: {  	v30 =	vsub.f32 v30, v29;
	_ =	sdelay $0x1  }
0x139: {  	[tilespmem:s6+$0x11400] =	vst v30  }
0x13a: {  	v30 =	vld.idx.msk [tilespmem:v57+s5+$0x0], $0xffff;
	_ =	sdelay $0x2  }
0x13b: {  	v58 =	vadd.s32 $0x2, v35;
	_ =	sdelay $0x1  }
0x13c: {  	v29 =	vsub.f32 v30, v29;
	_ =	sdelay $0x1  }
0x13d: {  	[tilespmem:s7+$0x11400] =	vst v29  }
0x13e: {  	v29 =	vld.idx.msk [tilespmem:v58+s5+$0x0], $0xffff;
	_ =	sdelay $0x2  }
0x13f: {  	v30 =	vadd.s32 $0x2, v31;
	_ =	sdelay $0x1  }
0x140: {  	v29 =	vsub.f32 v29, v28;
	_ =	sdelay $0x1  }
0x141: {  	[tilespmem:s6+$0x12400] =	vst v29;
	s6 =	sor.u32 $0x2, s0  }
0x142: {  	v29 =	vld.idx.msk [tilespmem:v30+s5+$0x0], $0xffff;
	v30 =	vmov s6  }
0x143: {  	v30 =	vand.u32 $0xFFFFFFFA, v30  }
0x144: {  	v31 =	vbroadcast v30, $0x0;
	_ =	sdelay $0x2  }
0x145: {  	v28 =	vsub.f32 v29, v28;
	_ =	sdelay $0x1  }
0x146: {  	[tilespmem:s7+$0x12400] =	vst v28  }
0x147: {  	v30 =	vld.idx.msk [tilespmem:v31+s19+$0x0], $0xffff  }
0x148: {  	v29 =	vld.idx.msk [tilespmem:v31+s20+$0x0], $0xffff  }
0x149: {  	v28 =	vld.idx.msk [tilespmem:v31+s21+$0x0], $0xffff;
	_ =	sdelay $0x3  }
0x14a: {  	v31 =	vmul.f32 v30, v30;
	v59 =	vmul.f32 v29, v29  }
0x14b: {  	v60 =	vmul.f32 v28, v28;
	v61 =	vshrl.u32 v30, $0x10;
	v62 =	vshrl.u32 v29, $0x10  }
0x14c: {  	v63 =	vshrl.u32 v28, $0x10;
	v32 =	vand.u32 $0x1, v61;
	v33 =	vand.u32 $0x1, v62  }
0x14d: {  	v34 =	vand.u32 $0x1, v63;
	v31 =	vadd.f32 v59, v31;
	v32 =	vadd.s32 v32, v30  }
0x14e: {  	v33 =	vadd.s32 v33, v29;
	v34 =	vadd.s32 v34, v28;
	v32 =	vadd.s32 $0x7FFF, v32  }
0x14f: {  	s10 =	simm.s32 $0x8000;
	s11 =	simm.s32 $0xA000;
	s14 =	simm.s32 $0xC000;
	v33 =	vadd.s32 $0x7FFF, v33;
	v34 =	vadd.s32 $0x7FFF, v34;
	v31 =	vadd.f32 v60, v31  }
0x150: {  	s15 =	simm.s32 $0x0;
	s13 =	simm.s32 $0x0;
	s7 =	simm.s32 $0x6000;
	v32 =	vand.u32 $0xFFFF0000, v32;
	v33 =	vand.u32 $0xFFFF0000, v33;
	v34 =	vand.u32 $0xFFFF0000, v34  }
.LBB2_9:
0x151: {  	v35 =	vld [tilespmem:s7+$0x0]  }
0x152: {  	v36 =	vld [tilespmem:s10+$0x0];
	_ =	sdelay $0x1  }
0x153: {  	v37 =	vld [tilespmem:s11+$0x0];
	_ =	sdelay $0x2  }
0x154: {  	v35 =	vmul.f32 v32, v35;
	v36 =	vmul.f32 v33, v36  }
0x155: {  	v38 =	vld [tilespmem:s14+$0x0]  }
0x156: {  	v61 =	vmul.f32 v34, v37;
	v35 =	vadd.f32 v36, v35;
	_ =	sdelay $0x1  }
0x157: {  	v35 =	vadd.f32 v61, v35;
	_ =	sdelay $0x1  }
0x158: {  	v62 =	vadd.f32 v38, v31;
	v35 =	vadd.f32 v35, v35;
	_ =	sdelay $0x1  }
0x159: {  	v35 =	vsub.f32 v62, v35;
	_ =	sdelay $0x1  }
0x15a: {  	vm0 =	vlt.f32 v35, $1.600000110e-01  }
0x15b: {  	v35 =	vsel vm0, $0x1, v26  }
0x15c: {  	(xrf0) =	vadd.scan.msk.s32 $0xffff, v35;
	_ =	sdelay $0x5  }
0x15d: {  	v35, _, _ =	vpop (xrf0)  }
0x15e: {  	(v2sf) =	vpush v35, $0xF;
	_ =	sdelay $0xe  }
0x15f: {  	v63 =	vor.u32 s15, v0;
	s12 =	spop (v2sf)  }
0x160: {  	p0 =	sgt.u32 s5, $0x1FE;
	[tilespmem:s13+$0xE380] =	vst.msk vm0, v63;
	s13 =	sadd.s32 s13, s12  }
0x161: {  	p1 =	slt.s32 @!p0 s13, $0x20  }
0x162: {  	p0 =	por p0, !p1  }
.Ltmp3:
0x163: {  	_ = 	snop;
	(pc) =	sbr.rel @!p0 .LBB2_9-.Ltmp3, $3  }
0x164: {  	_ =	sdelay $0x1  }
0x165: {  	s5 =	sadd.s32 $0x1, s5;
	s7 =	sadd.s32 $0x10, s7;
	s10 =	sadd.s32 $0x10, s10  }
0x166: {  	s11 =	sadd.s32 $0x10, s11;
	s14 =	sadd.s32 $0x10, s14;
	s15 =	sadd.s32 $0x10, s15  }
0x167: {  	v31 =	vld.msk [tilespmem:s22+$0x0], $0xffff  }
0x168: {  	v32 =	vld [tilespmem:$0xE380];
	_ =	sdelay $0x1  }
0x169: {  	v33 =	vmov s13  }
0x16a: {  	v34 =	vld [tilespmem:$0xE390];
	vm0 =	vgt.s32 v33, $0x0  }
0x16b: {  	vm14 =	vgt.s32 v33, v0;
	v31 =	vnsel vm0, $0x0, v31  }
0x16c: {  	v32 =	vsel vm14, v32, v31  }
0x16d: {  	v35 =	vmul.u32 $0x3, v32  }
0x16e: {  	s6 =	sshll.u32 s6, $0x5;
	vm15 =	vgt.s32 v33, v27  }
0x16f: {  	s7 =	sor.u32 $0x50, s6;
	v31 =	vsel vm15, v34, v31;
	[tilespmem:s6+$0xE400] =	vst v32  }
0x170: {  	v32 =	vadd.s32 v2, v32;
	[tilespmem:s7+$0xE400] =	vst v31  }
0x171: {  	v55 =	vadd.s32 v2, v31;
	[tilespmem:s31+$0xF440] =	vst v32  }
0x172: {  	s5 =	simm.s32 $0x0;
	[tilespmem:s31+$0xF450] =	vst v55  }
0x173: {  	v32 =	vld.idx.msk [tilespmem:v35+s5+$0x0], $0xffff;
	_ =	sdelay $0x1  }
0x174: {  	v31 =	vmul.u32 $0x3, v31;
	_ =	sdelay $0x2  }
0x175: {  	v32 =	vsub.f32 v32, v30;
	_ =	sdelay $0x1  }
0x176: {  	[tilespmem:s6+$0x10400] =	vst v32  }
0x177: {  	v32 =	vld.idx.msk [tilespmem:v31+s5+$0x0], $0xffff;
	_ =	sdelay $0x2  }
0x178: {  	v56 =	vadd.s32 $0x1, v35;
	_ =	sdelay $0x1  }
0x179: {  	v30 =	vsub.f32 v32, v30;
	_ =	sdelay $0x1  }
0x17a: {  	[tilespmem:s7+$0x10400] =	vst v30  }
0x17b: {  	v30 =	vld.idx.msk [tilespmem:v56+s5+$0x0], $0xffff;
	_ =	sdelay $0x2  }
0x17c: {  	v57 =	vadd.s32 $0x1, v31;
	_ =	sdelay $0x1  }
0x17d: {  	v30 =	vsub.f32 v30, v29;
	_ =	sdelay $0x1  }
0x17e: {  	[tilespmem:s6+$0x11400] =	vst v30  }
0x17f: {  	v30 =	vld.idx.msk [tilespmem:v57+s5+$0x0], $0xffff;
	_ =	sdelay $0x2  }
0x180: {  	v58 =	vadd.s32 $0x2, v35;
	_ =	sdelay $0x1  }
0x181: {  	v29 =	vsub.f32 v30, v29;
	_ =	sdelay $0x1  }
0x182: {  	[tilespmem:s7+$0x11400] =	vst v29  }
0x183: {  	v29 =	vld.idx.msk [tilespmem:v58+s5+$0x0], $0xffff;
	_ =	sdelay $0x2  }
0x184: {  	v30 =	vadd.s32 $0x2, v31;
	_ =	sdelay $0x1  }
0x185: {  	v29 =	vsub.f32 v29, v28;
	_ =	sdelay $0x1  }
0x186: {  	s0 =	sor.u32 $0x3, s0;
	[tilespmem:s6+$0x12400] =	vst v29  }
0x187: {  	v29 =	vld.idx.msk [tilespmem:v30+s5+$0x0], $0xffff;
	v30 =	vmov s0  }
0x188: {  	v30 =	vand.u32 $0xFFFFFFFB, v30  }
0x189: {  	v31 =	vbroadcast v30, $0x0;
	_ =	sdelay $0x2  }
0x18a: {  	v28 =	vsub.f32 v29, v28;
	_ =	sdelay $0x1  }
0x18b: {  	[tilespmem:s7+$0x12400] =	vst v28  }
0x18c: {  	v30 =	vld.idx.msk [tilespmem:v31+s19+$0x0], $0xffff  }
0x18d: {  	v29 =	vld.idx.msk [tilespmem:v31+s20+$0x0], $0xffff  }
0x18e: {  	v28 =	vld.idx.msk [tilespmem:v31+s21+$0x0], $0xffff;
	_ =	sdelay $0x3  }
0x18f: {  	v31 =	vmul.f32 v30, v30;
	v59 =	vmul.f32 v29, v29  }
0x190: {  	v60 =	vmul.f32 v28, v28;
	v61 =	vshrl.u32 v30, $0x10;
	v62 =	vshrl.u32 v29, $0x10  }
0x191: {  	v63 =	vshrl.u32 v28, $0x10;
	v32 =	vand.u32 $0x1, v61;
	v33 =	vand.u32 $0x1, v62  }
0x192: {  	v34 =	vand.u32 $0x1, v63;
	v31 =	vadd.f32 v59, v31;
	v32 =	vadd.s32 v32, v30  }
0x193: {  	v33 =	vadd.s32 v33, v29;
	v34 =	vadd.s32 v34, v28;
	v32 =	vadd.s32 $0x7FFF, v32  }
0x194: {  	s10 =	simm.s32 $0xA000;
	s13 =	simm.s32 $0xC000;
	s14 =	simm.s32 $0x0;
	v33 =	vadd.s32 $0x7FFF, v33;
	v34 =	vadd.s32 $0x7FFF, v34;
	v31 =	vadd.f32 v60, v31  }
0x195: {  	s11 =	simm.s32 $0x0;
	s6 =	simm.s32 $0x6000;
	s7 =	simm.s32 $0x8000;
	v32 =	vand.u32 $0xFFFF0000, v32;
	v33 =	vand.u32 $0xFFFF0000, v33;
	v34 =	vand.u32 $0xFFFF0000, v34  }
.LBB2_11:
0x196: {  	v35 =	vld [tilespmem:s6+$0x0]  }
0x197: {  	v36 =	vld [tilespmem:s7+$0x0];
	_ =	sdelay $0x1  }
0x198: {  	v37 =	vld [tilespmem:s10+$0x0];
	_ =	sdelay $0x2  }
0x199: {  	v35 =	vmul.f32 v32, v35;
	v36 =	vmul.f32 v33, v36  }
0x19a: {  	v38 =	vld [tilespmem:s13+$0x0]  }
0x19b: {  	v61 =	vmul.f32 v34, v37;
	v35 =	vadd.f32 v36, v35;
	_ =	sdelay $0x1  }
0x19c: {  	v35 =	vadd.f32 v61, v35;
	_ =	sdelay $0x1  }
0x19d: {  	v62 =	vadd.f32 v38, v31;
	v35 =	vadd.f32 v35, v35;
	_ =	sdelay $0x1  }
0x19e: {  	v35 =	vsub.f32 v62, v35;
	_ =	sdelay $0x1  }
0x19f: {  	vm0 =	vlt.f32 v35, $1.600000110e-01  }
0x1a0: {  	v35 =	vsel vm0, $0x1, v26  }
0x1a1: {  	(xrf0) =	vadd.scan.msk.s32 $0xffff, v35;
	_ =	sdelay $0x5  }
0x1a2: {  	v35, _, _ =	vpop (xrf0)  }
0x1a3: {  	(v2sf) =	vpush v35, $0xF;
	_ =	sdelay $0xe  }
0x1a4: {  	v63 =	vor.u32 s14, v0;
	s12 =	spop (v2sf)  }
0x1a5: {  	p0 =	sgt.u32 s5, $0x1FE;
	[tilespmem:s11+$0xE380] =	vst.msk vm0, v63;
	s11 =	sadd.s32 s11, s12  }
0x1a6: {  	p1 =	slt.s32 @!p0 s11, $0x20  }
0x1a7: {  	p0 =	por p0, !p1  }
.Ltmp4:
0x1a8: {  	_ = 	snop;
	(pc) =	sbr.rel @!p0 .LBB2_11-.Ltmp4, $3  }
0x1a9: {  	_ =	sdelay $0x1  }
0x1aa: {  	s5 =	sadd.s32 $0x1, s5;
	s6 =	sadd.s32 $0x10, s6;
	s7 =	sadd.s32 $0x10, s7  }
0x1ab: {  	s10 =	sadd.s32 $0x10, s10;
	s13 =	sadd.s32 $0x10, s13;
	s14 =	sadd.s32 $0x10, s14  }
0x1ac: {  	v31 =	vld.msk [tilespmem:s22+$0x0], $0xffff  }
0x1ad: {  	v32 =	vld [tilespmem:$0xE380];
	_ =	sdelay $0x1  }
0x1ae: {  	v33 =	vmov s11  }
0x1af: {  	v34 =	vld [tilespmem:$0xE390];
	vm0 =	vgt.s32 v33, $0x0  }
0x1b0: {  	vm14 =	vgt.s32 v33, v0;
	v31 =	vnsel vm0, $0x0, v31  }
0x1b1: {  	v32 =	vsel vm14, v32, v31  }
0x1b2: {  	v35 =	vmul.u32 $0x3, v32  }
0x1b3: {  	s0 =	sshll.u32 s0, $0x5;
	vm15 =	vgt.s32 v33, v27  }
0x1b4: {  	s5 =	sor.u32 $0x70, s0;
	v31 =	vsel vm15, v34, v31;
	[tilespmem:s0+$0xE400] =	vst v32  }
0x1b5: {  	v32 =	vadd.s32 v2, v32;
	[tilespmem:s5+$0xE400] =	vst v31  }
0x1b6: {  	v55 =	vadd.s32 v2, v31;
	[tilespmem:s31+$0xF460] =	vst v32  }
0x1b7: {  	[tilespmem:s31+$0xF470] =	vst v55  }
0x1b8: {  	v32 =	vld.idx.msk [tilespmem:v35+s2+$0x0], $0xffff;
	_ =	sdelay $0x1  }
0x1b9: {  	v31 =	vmul.u32 $0x3, v31;
	_ =	sdelay $0x2  }
0x1ba: {  	v32 =	vsub.f32 v32, v30;
	_ =	sdelay $0x1  }
0x1bb: {  	[tilespmem:s0+$0x10400] =	vst v32  }
0x1bc: {  	v32 =	vld.idx.msk [tilespmem:v31+s2+$0x0], $0xffff;
	_ =	sdelay $0x2  }
0x1bd: {  	v56 =	vadd.s32 $0x1, v35;
	_ =	sdelay $0x1  }
0x1be: {  	v30 =	vsub.f32 v32, v30;
	_ =	sdelay $0x1  }
0x1bf: {  	[tilespmem:s5+$0x10400] =	vst v30  }
0x1c0: {  	v30 =	vld.idx.msk [tilespmem:v56+s2+$0x0], $0xffff;
	_ =	sdelay $0x2  }
0x1c1: {  	v57 =	vadd.s32 $0x1, v31;
	_ =	sdelay $0x1  }
0x1c2: {  	v30 =	vsub.f32 v30, v29;
	_ =	sdelay $0x1  }
0x1c3: {  	[tilespmem:s0+$0x11400] =	vst v30  }
0x1c4: {  	v30 =	vld.idx.msk [tilespmem:v57+s2+$0x0], $0xffff;
	_ =	sdelay $0x2  }
0x1c5: {  	v58 =	vadd.s32 $0x2, v35;
	_ =	sdelay $0x1  }
0x1c6: {  	v29 =	vsub.f32 v30, v29;
	_ =	sdelay $0x1  }
0x1c7: {  	[tilespmem:s5+$0x11400] =	vst v29  }
0x1c8: {  	v29 =	vld.idx.msk [tilespmem:v58+s2+$0x0], $0xffff;
	_ =	sdelay $0x2  }
0x1c9: {  	v30 =	vadd.s32 $0x2, v31;
	_ =	sdelay $0x1  }
0x1ca: {  	v29 =	vsub.f32 v29, v28;
	_ =	sdelay $0x1  }
0x1cb: {  	[tilespmem:s0+$0x12400] =	vst v29  }
0x1cc: {  	v29 =	vld.idx.msk [tilespmem:v30+s2+$0x0], $0xffff;
	_ =	sdelay $0x4  }
0x1cd: {  	v28 =	vsub.f32 v29, v28  }
0x1ce: {  	p0 =	seq.s32 s30, $0x0  }
0x1cf: {  	s0 =	simm.s32 @!p0 $0x2;
	[tilespmem:s5+$0x12400] =	vst v28  }
0x1d0: {  	s28 =	sshll.u32 s30, $0x1;
	_ =	swait.ge @!p0 [sflag:s0], $0x4000  }
0x1d1: {  	s6 =	sadd.s32 @!p0 s31, s9;
	s5 =	sor.u32 $0x1, s28;
	[sflag:s0] =	ssyncset.done @!p0 $0x0  }
0x1d2: {  	s6 =	sshll.u32 @!p0 s6, $0x4;
	[sflag:s0] =	ssyncadd.s32 @!p0 $0xFFFFC000;
	s0 =	sshll.u32 s5, $0x2  }
0x1d3: {  	s7 =	simm.s32 @!p0 $0x0;
	s10 =	simm.s32 @!p0 $0x17400;
	s6 =	sadd.s32 @!p0 s4, s6;
	v28 =	vmov s0  }
0x1d4: {  	[hbm4b:s6+s7] =	stream.linear.scatter @!p0 [tilespmem:s10], [sflag:$0x4], $0x4000, $0x38;
	v28 =	vbroadcast v28, $0x0;
	[tilespmem:$0x1B400] =	vst v63  }
0x1d5: {  	s6 =	simm.s32 @!p0 $0x3  }
0x1d6: {  	_ =	swait.ge @!p0 [sflag:s6], $0x4000  }
0x1d7: {  	[sflag:s6] =	ssyncset.done @!p0 $0x0  }
0x1d8: {  	[sflag:s6] =	ssyncadd.s32 @!p0 $0xFFFFC000  }
0x1d9: {  	[tilespmem:s24], [sflag:$0x1] =	stream.indirect.gather [hbm4b:s3+s23], $0x80, s1, s23, $0xb8;
	[tilespmem:$0x1B400] =	vst v63  }
0x1da: {  	v30 =	vld.idx.msk [tilespmem:v28+s19+$0x0], $0xffff  }
0x1db: {  	v29 =	vld.idx.msk [tilespmem:v28+s20+$0x0], $0xffff  }
0x1dc: {  	v28 =	vld.idx.msk [tilespmem:v28+s21+$0x0], $0xffff;
	_ =	sdelay $0x3  }
0x1dd: {  	v31 =	vmul.f32 v30, v30;
	v59 =	vmul.f32 v29, v29  }
0x1de: {  	v60 =	vmul.f32 v28, v28;
	v61 =	vshrl.u32 v30, $0x10;
	v62 =	vshrl.u32 v29, $0x10  }
0x1df: {  	v63 =	vshrl.u32 v28, $0x10;
	v32 =	vand.u32 $0x1, v61;
	v33 =	vand.u32 $0x1, v62  }
0x1e0: {  	v34 =	vand.u32 $0x1, v63;
	v31 =	vadd.f32 v59, v31;
	v32 =	vadd.s32 v32, v30  }
0x1e1: {  	s12 =	simm.s32 $0x0;
	v33 =	vadd.s32 v33, v29;
	v34 =	vadd.s32 v34, v28;
	v32 =	vadd.s32 $0x7FFF, v32  }
0x1e2: {  	s13 =	simm.s32 $0x0;
	s11 =	simm.s32 $0x0;
	s7 =	simm.s32 $0xA000;
	v33 =	vadd.s32 $0x7FFF, v33;
	v34 =	vadd.s32 $0x7FFF, v34;
	v31 =	vadd.f32 v60, v31  }
0x1e3: {  	s10 =	simm.s32 $0xC000;
	s6 =	simm.s32 $0x8000;
	s1 =	simm.s32 $0x6000;
	v32 =	vand.u32 $0xFFFF0000, v32;
	v33 =	vand.u32 $0xFFFF0000, v33;
	v34 =	vand.u32 $0xFFFF0000, v34  }
.LBB2_13:
0x1e4: {  	v35 =	vld [tilespmem:s1+$0x0]  }
0x1e5: {  	v36 =	vld [tilespmem:s6+$0x0];
	_ =	sdelay $0x1  }
0x1e6: {  	v37 =	vld [tilespmem:s7+$0x0];
	_ =	sdelay $0x2  }
0x1e7: {  	v35 =	vmul.f32 v32, v35;
	v36 =	vmul.f32 v33, v36  }
0x1e8: {  	v38 =	vld [tilespmem:s10+$0x0]  }
0x1e9: {  	v61 =	vmul.f32 v34, v37;
	v35 =	vadd.f32 v36, v35;
	_ =	sdelay $0x1  }
0x1ea: {  	v35 =	vadd.f32 v61, v35;
	_ =	sdelay $0x1  }
0x1eb: {  	v62 =	vadd.f32 v38, v31;
	v35 =	vadd.f32 v35, v35;
	_ =	sdelay $0x1  }
0x1ec: {  	v35 =	vsub.f32 v62, v35;
	_ =	sdelay $0x1  }
0x1ed: {  	vm0 =	vlt.f32 v35, $1.600000110e-01  }
0x1ee: {  	v35 =	vsel vm0, $0x1, v26  }
0x1ef: {  	(xrf0) =	vadd.scan.msk.s32 $0xffff, v35;
	_ =	sdelay $0x5  }
0x1f0: {  	v35, _, _ =	vpop (xrf0)  }
0x1f1: {  	(v2sf) =	vpush v35, $0xF;
	_ =	sdelay $0xe  }
0x1f2: {  	v63 =	vor.u32 s13, v0;
	s14 =	spop (v2sf)  }
0x1f3: {  	p1 =	sgt.u32 s12, $0x1FE;
	[tilespmem:s11+$0xE380] =	vst.msk vm0, v63;
	s11 =	sadd.s32 s11, s14  }
0x1f4: {  	p2 =	slt.s32 @!p1 s11, $0x20  }
0x1f5: {  	p1 =	por p1, !p2  }
.Ltmp5:
0x1f6: {  	_ = 	snop;
	(pc) =	sbr.rel @!p1 .LBB2_13-.Ltmp5, $3  }
0x1f7: {  	_ =	sdelay $0x1  }
0x1f8: {  	s12 =	sadd.s32 $0x1, s12;
	s1 =	sadd.s32 $0x10, s1;
	s6 =	sadd.s32 $0x10, s6  }
0x1f9: {  	s7 =	sadd.s32 $0x10, s7;
	s10 =	sadd.s32 $0x10, s10;
	s13 =	sadd.s32 $0x10, s13  }
0x1fa: {  	v31 =	vld.msk [tilespmem:s22+$0x0], $0xffff  }
0x1fb: {  	v32 =	vld [tilespmem:$0xE380];
	_ =	sdelay $0x1  }
0x1fc: {  	v33 =	vmov s11  }
0x1fd: {  	v34 =	vld [tilespmem:$0xE390];
	vm0 =	vgt.s32 v33, $0x0  }
0x1fe: {  	vm14 =	vgt.s32 v33, v0;
	v31 =	vnsel vm0, $0x0, v31  }
0x1ff: {  	v32 =	vsel vm14, v32, v31  }
0x200: {  	v35 =	vmul.u32 $0x3, v32  }
0x201: {  	s1 =	sshll.u32 s5, $0x7;
	vm15 =	vgt.s32 v33, v27  }
0x202: {  	v31 =	vsel vm15, v34, v31;
	[tilespmem:s1+$0xE400] =	vst v32  }
0x203: {  	[tilespmem:s1+$0xE410] =	vst v31;
	v32 =	vadd.s32 v2, v32  }
0x204: {  	v55 =	vadd.s32 v2, v31;
	[tilespmem:s1+$0xF400] =	vst v32  }
0x205: {  	s6 =	simm.s32 $0x0;
	[tilespmem:s1+$0xF410] =	vst v55  }
0x206: {  	v32 =	vld.idx.msk [tilespmem:v35+s6+$0x0], $0xffff;
	_ =	sdelay $0x1  }
0x207: {  	v31 =	vmul.u32 $0x3, v31;
	_ =	sdelay $0x2  }
0x208: {  	v32 =	vsub.f32 v32, v30;
	_ =	sdelay $0x1  }
0x209: {  	[tilespmem:s1+$0x10400] =	vst v32  }
0x20a: {  	v32 =	vld.idx.msk [tilespmem:v31+s6+$0x0], $0xffff;
	_ =	sdelay $0x2  }
0x20b: {  	v56 =	vadd.s32 $0x1, v35;
	_ =	sdelay $0x1  }
0x20c: {  	v30 =	vsub.f32 v32, v30;
	_ =	sdelay $0x1  }
0x20d: {  	[tilespmem:s1+$0x10410] =	vst v30  }
0x20e: {  	v30 =	vld.idx.msk [tilespmem:v56+s6+$0x0], $0xffff;
	_ =	sdelay $0x2  }
0x20f: {  	v57 =	vadd.s32 $0x1, v31;
	_ =	sdelay $0x1  }
0x210: {  	v30 =	vsub.f32 v30, v29;
	_ =	sdelay $0x1  }
0x211: {  	[tilespmem:s1+$0x11400] =	vst v30  }
0x212: {  	v30 =	vld.idx.msk [tilespmem:v57+s6+$0x0], $0xffff;
	_ =	sdelay $0x2  }
0x213: {  	v58 =	vadd.s32 $0x2, v35;
	_ =	sdelay $0x1  }
0x214: {  	v29 =	vsub.f32 v30, v29;
	_ =	sdelay $0x1  }
0x215: {  	[tilespmem:s1+$0x11410] =	vst v29  }
0x216: {  	v29 =	vld.idx.msk [tilespmem:v58+s6+$0x0], $0xffff;
	_ =	sdelay $0x2  }
0x217: {  	v30 =	vadd.s32 $0x2, v31;
	_ =	sdelay $0x1  }
0x218: {  	v29 =	vsub.f32 v29, v28;
	_ =	sdelay $0x1  }
0x219: {  	s7 =	sor.u32 $0x1, s0;
	[tilespmem:s1+$0x12400] =	vst v29  }
0x21a: {  	v29 =	vld.idx.msk [tilespmem:v30+s6+$0x0], $0xffff;
	v30 =	vmov s7  }
0x21b: {  	v30 =	vand.u32 $0xFFFFFFFD, v30  }
0x21c: {  	v31 =	vbroadcast v30, $0x0;
	_ =	sdelay $0x2  }
0x21d: {  	v28 =	vsub.f32 v29, v28;
	_ =	sdelay $0x1  }
0x21e: {  	[tilespmem:s1+$0x12410] =	vst v28  }
0x21f: {  	v30 =	vld.idx.msk [tilespmem:v31+s19+$0x0], $0xffff  }
0x220: {  	v29 =	vld.idx.msk [tilespmem:v31+s20+$0x0], $0xffff  }
0x221: {  	v28 =	vld.idx.msk [tilespmem:v31+s21+$0x0], $0xffff;
	_ =	sdelay $0x3  }
0x222: {  	v31 =	vmul.f32 v30, v30;
	v59 =	vmul.f32 v29, v29  }
0x223: {  	v60 =	vmul.f32 v28, v28;
	v61 =	vshrl.u32 v30, $0x10;
	v62 =	vshrl.u32 v29, $0x10  }
0x224: {  	v63 =	vshrl.u32 v28, $0x10;
	v32 =	vand.u32 $0x1, v61;
	v33 =	vand.u32 $0x1, v62  }
0x225: {  	v34 =	vand.u32 $0x1, v63;
	v31 =	vadd.f32 v59, v31;
	v32 =	vadd.s32 v32, v30  }
0x226: {  	s10 =	simm.s32 $0x6000;
	v33 =	vadd.s32 v33, v29;
	v34 =	vadd.s32 v34, v28;
	v32 =	vadd.s32 $0x7FFF, v32  }
0x227: {  	s11 =	simm.s32 $0x8000;
	s13 =	simm.s32 $0xA000;
	s15 =	simm.s32 $0xC000;
	v33 =	vadd.s32 $0x7FFF, v33;
	v34 =	vadd.s32 $0x7FFF, v34;
	v31 =	vadd.f32 v60, v31  }
0x228: {  	s12 =	simm.s32 $0x0;
	s14 =	simm.s32 $0x0;
	s5 =	sadd.s32 $0xF400, s1;
	v32 =	vand.u32 $0xFFFF0000, v32;
	v33 =	vand.u32 $0xFFFF0000, v33;
	v34 =	vand.u32 $0xFFFF0000, v34  }
.LBB2_15:
0x229: {  	v35 =	vld [tilespmem:s10+$0x0]  }
0x22a: {  	v36 =	vld [tilespmem:s11+$0x0];
	_ =	sdelay $0x1  }
0x22b: {  	v37 =	vld [tilespmem:s13+$0x0];
	_ =	sdelay $0x2  }
0x22c: {  	v35 =	vmul.f32 v32, v35;
	v36 =	vmul.f32 v33, v36  }
0x22d: {  	v38 =	vld [tilespmem:s15+$0x0]  }
0x22e: {  	v61 =	vmul.f32 v34, v37;
	v35 =	vadd.f32 v36, v35;
	_ =	sdelay $0x1  }
0x22f: {  	v35 =	vadd.f32 v61, v35;
	_ =	sdelay $0x1  }
0x230: {  	v62 =	vadd.f32 v38, v31;
	v35 =	vadd.f32 v35, v35;
	_ =	sdelay $0x1  }
0x231: {  	v35 =	vsub.f32 v62, v35;
	_ =	sdelay $0x1  }
0x232: {  	vm0 =	vlt.f32 v35, $1.600000110e-01  }
0x233: {  	v35 =	vsel vm0, $0x1, v26  }
0x234: {  	(xrf0) =	vadd.scan.msk.s32 $0xffff, v35;
	_ =	sdelay $0x5  }
0x235: {  	v35, _, _ =	vpop (xrf0)  }
0x236: {  	(v2sf) =	vpush v35, $0xF;
	_ =	sdelay $0xe  }
0x237: {  	v63 =	vor.u32 s12, v0;
	s28 =	spop (v2sf)  }
0x238: {  	p1 =	sgt.u32 s6, $0x1FE;
	[tilespmem:s14+$0xE380] =	vst.msk vm0, v63;
	s14 =	sadd.s32 s14, s28  }
0x239: {  	p2 =	slt.s32 @!p1 s14, $0x20  }
0x23a: {  	p1 =	por p1, !p2  }
.Ltmp6:
0x23b: {  	_ = 	snop;
	(pc) =	sbr.rel @!p1 .LBB2_15-.Ltmp6, $3  }
0x23c: {  	_ =	sdelay $0x1  }
0x23d: {  	s6 =	sadd.s32 $0x1, s6;
	s10 =	sadd.s32 $0x10, s10;
	s11 =	sadd.s32 $0x10, s11  }
0x23e: {  	s13 =	sadd.s32 $0x10, s13;
	s15 =	sadd.s32 $0x10, s15;
	s12 =	sadd.s32 $0x10, s12  }
0x23f: {  	v31 =	vld.msk [tilespmem:s22+$0x0], $0xffff  }
0x240: {  	v32 =	vld [tilespmem:$0xE380];
	_ =	sdelay $0x1  }
0x241: {  	v33 =	vmov s14  }
0x242: {  	v34 =	vld [tilespmem:$0xE390];
	vm0 =	vgt.s32 v33, $0x0  }
0x243: {  	vm14 =	vgt.s32 v33, v0;
	v31 =	vnsel vm0, $0x0, v31  }
0x244: {  	v32 =	vsel vm14, v32, v31  }
0x245: {  	v35 =	vmul.u32 $0x3, v32  }
0x246: {  	s7 =	sshll.u32 s7, $0x5;
	vm15 =	vgt.s32 v33, v27  }
0x247: {  	s10 =	sor.u32 $0x30, s7;
	v31 =	vsel vm15, v34, v31;
	[tilespmem:s7+$0xE400] =	vst v32  }
0x248: {  	v32 =	vadd.s32 v2, v32;
	[tilespmem:s10+$0xE400] =	vst v31  }
0x249: {  	v55 =	vadd.s32 v2, v31;
	[tilespmem:s1+$0xF420] =	vst v32  }
0x24a: {  	s6 =	simm.s32 $0x0;
	[tilespmem:s1+$0xF430] =	vst v55  }
0x24b: {  	v32 =	vld.idx.msk [tilespmem:v35+s6+$0x0], $0xffff;
	_ =	sdelay $0x1  }
0x24c: {  	v31 =	vmul.u32 $0x3, v31;
	_ =	sdelay $0x2  }
0x24d: {  	v32 =	vsub.f32 v32, v30;
	_ =	sdelay $0x1  }
0x24e: {  	[tilespmem:s7+$0x10400] =	vst v32  }
0x24f: {  	v32 =	vld.idx.msk [tilespmem:v31+s6+$0x0], $0xffff;
	_ =	sdelay $0x2  }
0x250: {  	v56 =	vadd.s32 $0x1, v35;
	_ =	sdelay $0x1  }
0x251: {  	v30 =	vsub.f32 v32, v30;
	_ =	sdelay $0x1  }
0x252: {  	[tilespmem:s10+$0x10400] =	vst v30  }
0x253: {  	v30 =	vld.idx.msk [tilespmem:v56+s6+$0x0], $0xffff;
	_ =	sdelay $0x2  }
0x254: {  	v57 =	vadd.s32 $0x1, v31;
	_ =	sdelay $0x1  }
0x255: {  	v30 =	vsub.f32 v30, v29;
	_ =	sdelay $0x1  }
0x256: {  	[tilespmem:s7+$0x11400] =	vst v30  }
0x257: {  	v30 =	vld.idx.msk [tilespmem:v57+s6+$0x0], $0xffff;
	_ =	sdelay $0x2  }
0x258: {  	v58 =	vadd.s32 $0x2, v35;
	_ =	sdelay $0x1  }
0x259: {  	v29 =	vsub.f32 v30, v29;
	_ =	sdelay $0x1  }
0x25a: {  	[tilespmem:s10+$0x11400] =	vst v29  }
0x25b: {  	v29 =	vld.idx.msk [tilespmem:v58+s6+$0x0], $0xffff;
	_ =	sdelay $0x2  }
0x25c: {  	v30 =	vadd.s32 $0x2, v31;
	_ =	sdelay $0x1  }
0x25d: {  	v29 =	vsub.f32 v29, v28;
	_ =	sdelay $0x1  }
0x25e: {  	[tilespmem:s7+$0x12400] =	vst v29;
	s7 =	sor.u32 $0x2, s0  }
0x25f: {  	v29 =	vld.idx.msk [tilespmem:v30+s6+$0x0], $0xffff;
	v30 =	vmov s7  }
0x260: {  	v30 =	vand.u32 $0xFFFFFFFE, v30  }
0x261: {  	v31 =	vbroadcast v30, $0x0;
	_ =	sdelay $0x2  }
0x262: {  	v28 =	vsub.f32 v29, v28;
	_ =	sdelay $0x1  }
0x263: {  	[tilespmem:s10+$0x12400] =	vst v28  }
0x264: {  	v30 =	vld.idx.msk [tilespmem:v31+s19+$0x0], $0xffff  }
0x265: {  	v29 =	vld.idx.msk [tilespmem:v31+s20+$0x0], $0xffff  }
0x266: {  	v28 =	vld.idx.msk [tilespmem:v31+s21+$0x0], $0xffff;
	_ =	sdelay $0x3  }
0x267: {  	v31 =	vmul.f32 v30, v30;
	v59 =	vmul.f32 v29, v29  }
0x268: {  	v60 =	vmul.f32 v28, v28;
	v61 =	vshrl.u32 v30, $0x10;
	v62 =	vshrl.u32 v29, $0x10  }
0x269: {  	v63 =	vshrl.u32 v28, $0x10;
	v32 =	vand.u32 $0x1, v61;
	v33 =	vand.u32 $0x1, v62  }
0x26a: {  	v34 =	vand.u32 $0x1, v63;
	v31 =	vadd.f32 v59, v31;
	v32 =	vadd.s32 v32, v30  }
0x26b: {  	v33 =	vadd.s32 v33, v29;
	v34 =	vadd.s32 v34, v28;
	v32 =	vadd.s32 $0x7FFF, v32  }
0x26c: {  	s11 =	simm.s32 $0x8000;
	s13 =	simm.s32 $0xA000;
	s15 =	simm.s32 $0xC000;
	v33 =	vadd.s32 $0x7FFF, v33;
	v34 =	vadd.s32 $0x7FFF, v34;
	v31 =	vadd.f32 v60, v31  }
0x26d: {  	s12 =	simm.s32 $0x0;
	s14 =	simm.s32 $0x0;
	s10 =	simm.s32 $0x6000;
	v32 =	vand.u32 $0xFFFF0000, v32;
	v33 =	vand.u32 $0xFFFF0000, v33;
	v34 =	vand.u32 $0xFFFF0000, v34  }
.LBB2_17:
0x26e: {  	v35 =	vld [tilespmem:s10+$0x0]  }
0x26f: {  	v36 =	vld [tilespmem:s11+$0x0];
	_ =	sdelay $0x1  }
0x270: {  	v37 =	vld [tilespmem:s13+$0x0];
	_ =	sdelay $0x2  }
0x271: {  	v35 =	vmul.f32 v32, v35;
	v36 =	vmul.f32 v33, v36  }
0x272: {  	v38 =	vld [tilespmem:s15+$0x0]  }
0x273: {  	v61 =	vmul.f32 v34, v37;
	v35 =	vadd.f32 v36, v35;
	_ =	sdelay $0x1  }
0x274: {  	v35 =	vadd.f32 v61, v35;
	_ =	sdelay $0x1  }
0x275: {  	v62 =	vadd.f32 v38, v31;
	v35 =	vadd.f32 v35, v35;
	_ =	sdelay $0x1  }
0x276: {  	v35 =	vsub.f32 v62, v35;
	_ =	sdelay $0x1  }
0x277: {  	vm0 =	vlt.f32 v35, $1.600000110e-01  }
0x278: {  	v35 =	vsel vm0, $0x1, v26  }
0x279: {  	(xrf0) =	vadd.scan.msk.s32 $0xffff, v35;
	_ =	sdelay $0x5  }
0x27a: {  	v35, _, _ =	vpop (xrf0)  }
0x27b: {  	(v2sf) =	vpush v35, $0xF;
	_ =	sdelay $0xe  }
0x27c: {  	v63 =	vor.u32 s12, v0;
	s28 =	spop (v2sf)  }
0x27d: {  	p1 =	sgt.u32 s6, $0x1FE;
	[tilespmem:s14+$0xE380] =	vst.msk vm0, v63;
	s14 =	sadd.s32 s14, s28  }
0x27e: {  	p2 =	slt.s32 @!p1 s14, $0x20  }
0x27f: {  	p1 =	por p1, !p2  }
.Ltmp7:
0x280: {  	_ = 	snop;
	(pc) =	sbr.rel @!p1 .LBB2_17-.Ltmp7, $3  }
0x281: {  	_ =	sdelay $0x1  }
0x282: {  	s6 =	sadd.s32 $0x1, s6;
	s10 =	sadd.s32 $0x10, s10;
	s11 =	sadd.s32 $0x10, s11  }
0x283: {  	s13 =	sadd.s32 $0x10, s13;
	s15 =	sadd.s32 $0x10, s15;
	s12 =	sadd.s32 $0x10, s12  }
0x284: {  	v31 =	vld.msk [tilespmem:s22+$0x0], $0xffff  }
0x285: {  	v32 =	vld [tilespmem:$0xE380];
	_ =	sdelay $0x1  }
0x286: {  	v33 =	vmov s14  }
0x287: {  	v34 =	vld [tilespmem:$0xE390];
	vm0 =	vgt.s32 v33, $0x0  }
0x288: {  	vm14 =	vgt.s32 v33, v0;
	v31 =	vnsel vm0, $0x0, v31  }
0x289: {  	v32 =	vsel vm14, v32, v31  }
0x28a: {  	v35 =	vmul.u32 $0x3, v32  }
0x28b: {  	s7 =	sshll.u32 s7, $0x5;
	vm15 =	vgt.s32 v33, v27  }
0x28c: {  	s10 =	sor.u32 $0x50, s7;
	v31 =	vsel vm15, v34, v31;
	[tilespmem:s7+$0xE400] =	vst v32  }
0x28d: {  	v32 =	vadd.s32 v2, v32;
	[tilespmem:s10+$0xE400] =	vst v31  }
0x28e: {  	v55 =	vadd.s32 v2, v31;
	[tilespmem:s1+$0xF440] =	vst v32  }
0x28f: {  	s6 =	simm.s32 $0x0;
	[tilespmem:s1+$0xF450] =	vst v55  }
0x290: {  	v32 =	vld.idx.msk [tilespmem:v35+s6+$0x0], $0xffff;
	_ =	sdelay $0x1  }
0x291: {  	v31 =	vmul.u32 $0x3, v31;
	_ =	sdelay $0x2  }
0x292: {  	v32 =	vsub.f32 v32, v30;
	_ =	sdelay $0x1  }
0x293: {  	[tilespmem:s7+$0x10400] =	vst v32  }
0x294: {  	v32 =	vld.idx.msk [tilespmem:v31+s6+$0x0], $0xffff;
	_ =	sdelay $0x2  }
0x295: {  	v56 =	vadd.s32 $0x1, v35;
	_ =	sdelay $0x1  }
0x296: {  	v30 =	vsub.f32 v32, v30;
	_ =	sdelay $0x1  }
0x297: {  	[tilespmem:s10+$0x10400] =	vst v30  }
0x298: {  	v30 =	vld.idx.msk [tilespmem:v56+s6+$0x0], $0xffff;
	_ =	sdelay $0x2  }
0x299: {  	v57 =	vadd.s32 $0x1, v31;
	_ =	sdelay $0x1  }
0x29a: {  	v30 =	vsub.f32 v30, v29;
	_ =	sdelay $0x1  }
0x29b: {  	[tilespmem:s7+$0x11400] =	vst v30  }
0x29c: {  	v30 =	vld.idx.msk [tilespmem:v57+s6+$0x0], $0xffff;
	_ =	sdelay $0x2  }
0x29d: {  	v58 =	vadd.s32 $0x2, v35;
	_ =	sdelay $0x1  }
0x29e: {  	v29 =	vsub.f32 v30, v29;
	_ =	sdelay $0x1  }
0x29f: {  	[tilespmem:s10+$0x11400] =	vst v29  }
0x2a0: {  	v29 =	vld.idx.msk [tilespmem:v58+s6+$0x0], $0xffff;
	_ =	sdelay $0x2  }
0x2a1: {  	v30 =	vadd.s32 $0x2, v31;
	_ =	sdelay $0x1  }
0x2a2: {  	v29 =	vsub.f32 v29, v28;
	_ =	sdelay $0x1  }
0x2a3: {  	[tilespmem:s7+$0x12400] =	vst v29  }
0x2a4: {  	v29 =	vld.idx.msk [tilespmem:v30+s6+$0x0], $0xffff;
	_ =	sdelay $0x1  }
0x2a5: {  	s0 =	sor.u32 $0x3, s0  }
0x2a6: {  	v31 =	vmov s0;
	_ =	sdelay $0x1  }
0x2a7: {  	v28 =	vsub.f32 v29, v28;
	_ =	sdelay $0x1  }
0x2a8: {  	[tilespmem:s10+$0x12400] =	vst v28  }
0x2a9: {  	v30 =	vld.idx.msk [tilespmem:v31+s19+$0x0], $0xffff  }
0x2aa: {  	v29 =	vld.idx.msk [tilespmem:v31+s20+$0x0], $0xffff  }
0x2ab: {  	v28 =	vld.idx.msk [tilespmem:v31+s21+$0x0], $0xffff;
	_ =	sdelay $0x3  }
0x2ac: {  	v31 =	vmul.f32 v30, v30;
	v59 =	vmul.f32 v29, v29  }
0x2ad: {  	v60 =	vmul.f32 v28, v28;
	v61 =	vshrl.u32 v30, $0x10;
	v62 =	vshrl.u32 v29, $0x10  }
0x2ae: {  	v63 =	vshrl.u32 v28, $0x10;
	v32 =	vand.u32 $0x1, v61;
	v33 =	vand.u32 $0x1, v62  }
0x2af: {  	v34 =	vand.u32 $0x1, v63;
	v31 =	vadd.f32 v59, v31;
	v32 =	vadd.s32 v32, v30  }
0x2b0: {  	v33 =	vadd.s32 v33, v29;
	v34 =	vadd.s32 v34, v28;
	v32 =	vadd.s32 $0x7FFF, v32  }
0x2b1: {  	s11 =	simm.s32 $0xA000;
	s14 =	simm.s32 $0xC000;
	s12 =	simm.s32 $0x0;
	v33 =	vadd.s32 $0x7FFF, v33;
	v34 =	vadd.s32 $0x7FFF, v34;
	v31 =	vadd.f32 v60, v31  }
0x2b2: {  	s13 =	simm.s32 $0x0;
	s7 =	simm.s32 $0x6000;
	s10 =	simm.s32 $0x8000;
	v32 =	vand.u32 $0xFFFF0000, v32;
	v33 =	vand.u32 $0xFFFF0000, v33;
	v34 =	vand.u32 $0xFFFF0000, v34  }
.LBB2_19:
0x2b3: {  	v35 =	vld [tilespmem:s7+$0x0]  }
0x2b4: {  	v36 =	vld [tilespmem:s10+$0x0];
	_ =	sdelay $0x1  }
0x2b5: {  	v37 =	vld [tilespmem:s11+$0x0];
	_ =	sdelay $0x2  }
0x2b6: {  	v35 =	vmul.f32 v32, v35;
	v36 =	vmul.f32 v33, v36  }
0x2b7: {  	v38 =	vld [tilespmem:s14+$0x0]  }
0x2b8: {  	v61 =	vmul.f32 v34, v37;
	v35 =	vadd.f32 v36, v35;
	_ =	sdelay $0x1  }
0x2b9: {  	v35 =	vadd.f32 v61, v35;
	_ =	sdelay $0x1  }
0x2ba: {  	v62 =	vadd.f32 v38, v31;
	v35 =	vadd.f32 v35, v35;
	_ =	sdelay $0x1  }
0x2bb: {  	v35 =	vsub.f32 v62, v35;
	_ =	sdelay $0x1  }
0x2bc: {  	vm0 =	vlt.f32 v35, $1.600000110e-01  }
0x2bd: {  	v35 =	vsel vm0, $0x1, v26  }
0x2be: {  	(xrf0) =	vadd.scan.msk.s32 $0xffff, v35;
	_ =	sdelay $0x5  }
0x2bf: {  	v35, _, _ =	vpop (xrf0)  }
0x2c0: {  	(v2sf) =	vpush v35, $0xF;
	_ =	sdelay $0xe  }
0x2c1: {  	v63 =	vor.u32 s12, v0;
	s15 =	spop (v2sf)  }
0x2c2: {  	p1 =	sgt.u32 s6, $0x1FE;
	[tilespmem:s13+$0xE380] =	vst.msk vm0, v63;
	s13 =	sadd.s32 s13, s15  }
0x2c3: {  	p2 =	slt.s32 @!p1 s13, $0x20  }
0x2c4: {  	p1 =	por p1, !p2  }
.Ltmp8:
0x2c5: {  	_ = 	snop;
	(pc) =	sbr.rel @!p1 .LBB2_19-.Ltmp8, $3  }
0x2c6: {  	_ =	sdelay $0x1  }
0x2c7: {  	s6 =	sadd.s32 $0x1, s6;
	s7 =	sadd.s32 $0x10, s7;
	s10 =	sadd.s32 $0x10, s10  }
0x2c8: {  	s11 =	sadd.s32 $0x10, s11;
	s14 =	sadd.s32 $0x10, s14;
	s12 =	sadd.s32 $0x10, s12  }
0x2c9: {  	v31 =	vld.msk [tilespmem:s22+$0x0], $0xffff  }
0x2ca: {  	v32 =	vld [tilespmem:$0xE380];
	_ =	sdelay $0x1  }
0x2cb: {  	v33 =	vmov s13  }
0x2cc: {  	v34 =	vld [tilespmem:$0xE390];
	vm0 =	vgt.s32 v33, $0x0  }
0x2cd: {  	vm14 =	vgt.s32 v33, v0;
	v31 =	vnsel vm0, $0x0, v31  }
0x2ce: {  	v32 =	vsel vm14, v32, v31  }
0x2cf: {  	v35 =	vmul.u32 $0x3, v32  }
0x2d0: {  	s0 =	sshll.u32 s0, $0x5;
	vm15 =	vgt.s32 v33, v27  }
0x2d1: {  	s6 =	sor.u32 $0x70, s0;
	v31 =	vsel vm15, v34, v31;
	[tilespmem:s0+$0xE400] =	vst v32  }
0x2d2: {  	v32 =	vadd.s32 v2, v32;
	[tilespmem:s6+$0xE400] =	vst v31  }
0x2d3: {  	v58 =	vadd.s32 v2, v31;
	[tilespmem:s1+$0xF460] =	vst v32  }
0x2d4: {  	[tilespmem:s1+$0xF470] =	vst v58  }
0x2d5: {  	v32 =	vld.idx.msk [tilespmem:v35+s2+$0x0], $0xffff;
	_ =	sdelay $0x1  }
0x2d6: {  	v31 =	vmul.u32 $0x3, v31;
	_ =	sdelay $0x2  }
0x2d7: {  	v32 =	vsub.f32 v32, v30;
	_ =	sdelay $0x1  }
0x2d8: {  	[tilespmem:s0+$0x10400] =	vst v32  }
0x2d9: {  	v32 =	vld.idx.msk [tilespmem:v31+s2+$0x0], $0xffff;
	_ =	sdelay $0x2  }
0x2da: {  	v59 =	vadd.s32 $0x1, v35;
	_ =	sdelay $0x1  }
0x2db: {  	v60 =	vsub.f32 v32, v30;
	_ =	sdelay $0x1  }
0x2dc: {  	[tilespmem:s6+$0x10400] =	vst v60  }
0x2dd: {  	v30 =	vld.idx.msk [tilespmem:v59+s2+$0x0], $0xffff;
	_ =	sdelay $0x2  }
0x2de: {  	v61 =	vadd.s32 $0x1, v31;
	_ =	sdelay $0x1  }
0x2df: {  	v30 =	vsub.f32 v30, v29;
	_ =	sdelay $0x1  }
0x2e0: {  	[tilespmem:s0+$0x11400] =	vst v30  }
0x2e1: {  	v30 =	vld.idx.msk [tilespmem:v61+s2+$0x0], $0xffff;
	_ =	sdelay $0x2  }
0x2e2: {  	v62 =	vadd.s32 $0x2, v35;
	_ =	sdelay $0x1  }
0x2e3: {  	v29 =	vsub.f32 v30, v29;
	_ =	sdelay $0x1  }
0x2e4: {  	[tilespmem:s6+$0x11400] =	vst v29  }
0x2e5: {  	v29 =	vld.idx.msk [tilespmem:v62+s2+$0x0], $0xffff;
	_ =	sdelay $0x2  }
0x2e6: {  	v63 =	vadd.s32 $0x2, v31;
	_ =	sdelay $0x1  }
0x2e7: {  	v29 =	vsub.f32 v29, v28;
	_ =	sdelay $0x1  }
0x2e8: {  	[tilespmem:s0+$0x12400] =	vst v29  }
0x2e9: {  	v29 =	vld.idx.msk [tilespmem:v63+s2+$0x0], $0xffff;
	_ =	sdelay $0x4  }
0x2ea: {  	v28 =	vsub.f32 v29, v28;
	_ =	sdelay $0x1  }
0x2eb: {  	[tilespmem:s6+$0x12400] =	vst v28  }
0x2ec: {  	s31 =	sadd.s32 s8, s31;
	_ =	swait.ge [sflag:s25], $0x4000  }
0x2ed: {  	s0 =	sshll.u32 s31, $0x4;
	[sflag:s25] =	ssyncset.done $0x0  }
0x2ee: {  	s0 =	sadd.s32 s4, s0;
	[sflag:s25] =	ssyncadd.s32 $0xFFFFC000  }
0x2ef: {  	[hbm4b:s0+s2] =	stream.linear.scatter [tilespmem:s24], [sflag:$0x3], $0x4000, $0x38;
	[tilespmem:$0x1B400] =	vst v63  }
0x2f0: {  	s0 =	simm.s32 @!p0 $0x4  }
0x2f1: {  	_ =	swait.ge @!p0 [sflag:s0], $0x4000  }
0x2f2: {  	s30 =	sadd.s32 $0x1, s30;
	[sflag:s0] =	ssyncset.done @!p0 $0x0  }
0x2f3: {  	[sflag:s0] =	ssyncadd.s32 @!p0 $0xFFFFC000;
	p0 =	sne.s32 s30, $0x10  }
.Ltmp9:
0x2f4: {  	_ = 	snop;
	(pc) =	sbr.rel @p0 .LBB2_4-.Ltmp9, $2  }
0x2f5: {  	_ =	sdelay $0x2  }
0x2f6: {  	[tilespmem:s26], [sflag:$0x2] =	stream.indirect.gather [hbm4b:s3+s23], $0x80, s5, s23, $0xb8;
	[tilespmem:$0x1B400] =	vst v63  }
0x2f7: {  	s0 =	simm.s32 $0x2  }
0x2f8: {  	_ =	swait.ge [sflag:s0], $0x4000  }
0x2f9: {  	[sflag:s0] =	ssyncset.done $0x0  }
0x2fa: {  	s10 =	rddreg [dreg:$0x9];
	[sflag:s0] =	ssyncadd.s32 $0xFFFFC000  }
0x2fb: {  	[hbm4b:s10+s2] =	stream.linear.scatter [tilespmem:s26], [sflag:$0x5], $0x4000, $0x38;
	[tilespmem:$0x1B400] =	vst v63  }
0x2fc: {  	_ =	swait.ge [sflag:s16], $0x4000  }
0x2fd: {  	[sflag:s16] =	ssyncset.done $0x0  }
0x2fe: {  	[sflag:s16] =	ssyncadd.s32 $0xFFFFC000  }
0x2ff: {  	_ =	swait.ge [sflag:s29], $0x4000  }
0x300: {  	[sflag:s29] =	ssyncset.done $0x0  }
0x301: {  	s1 =	simm.s32 $0xE400;
	s11 =	rddreg [dreg:$0xa];
	[sflag:s29] =	ssyncadd.s32 $0xFFFFC000  }
0x302: {  	[hbm4b:s11+s2] =	stream.linear.scatter [tilespmem:s1], [sflag:$0x5], $0x1000, $0x38;
	[tilespmem:$0x1B400] =	vst v63  }
0x303: {  	_ =	swait.ge [sflag:s16], $0x1000  }
0x304: {  	[sflag:s16] =	ssyncset.done $0x0  }
0x305: {  	s13 =	simm.s32 $0x10400;
	s12 =	rddreg [dreg:$0xb];
	[sflag:s16] =	ssyncadd.s32 $0xFFFFF000  }
0x306: {  	[hbm4b:s12+s2] =	stream.linear.scatter [tilespmem:s13], [sflag:$0x5], $0x1000, $0x38;
	[tilespmem:$0x1B400] =	vst v63  }
0x307: {  	_ =	swait.ge [sflag:s16], $0x1000  }
0x308: {  	[sflag:s16] =	ssyncset.done $0x0  }
0x309: {  	s15 =	simm.s32 $0x11400;
	s14 =	rddreg [dreg:$0xc];
	[sflag:s16] =	ssyncadd.s32 $0xFFFFF000  }
0x30a: {  	[hbm4b:s14+s2] =	stream.linear.scatter [tilespmem:s15], [sflag:$0x5], $0x1000, $0x38;
	[tilespmem:$0x1B400] =	vst v63  }
0x30b: {  	_ =	swait.ge [sflag:s16], $0x1000  }
0x30c: {  	[sflag:s16] =	ssyncset.done $0x0  }
0x30d: {  	s30 =	simm.s32 $0x12400;
	s28 =	rddreg [dreg:$0xd];
	[sflag:s16] =	ssyncadd.s32 $0xFFFFF000  }
0x30e: {  	[hbm4b:s28+s2] =	stream.linear.scatter [tilespmem:s30], [sflag:$0x5], $0x1000, $0x38;
	[tilespmem:$0x1B400] =	vst v63  }
0x30f: {  	_ =	swait.ge [sflag:s16], $0x1000  }
0x310: {  	s17 =	sadd.s32 $0x1, s17;
	s31 =	rddreg [dreg:$0xe]  }
0x311: {  	p0 =	sne.s32 s17, s31  }
.Ltmp10:
0x312: {  	_ = 	snop;
	(pc) =	sbr.rel @p0 .LBB2_1-.Ltmp10, $3  }
0x313: {  	_ =	sdelay $0x1  }
0x314: {  	[sflag:s16] =	ssyncset.done $0x0  }
0x315: {  	[sflag:s16] =	ssyncadd.s32 $0xFFFFF000  }
0x316: {  	_ =	sfence.sel $0x180000  }
0x317: {  	[bflag:$0x0] =	sbarrier.arrive $0xFFFF  }
0x318: {  	_ =	strace $0x90000047  }
0x319: {  	s0 =	stileid.u32;
	[bflag:$0x2] =	sbarrier.arrive $0xFFFF  }
0x31a: {  	p0 =	sne.s32 s0, $0x0;
	s0 =	rddreg [dreg:$0x5]  }
0x31b: {  	s0 =	sadd.s32 @!p0 $0x100000, s0  }
0x31c: {  	[sflag:s0] =	ssyncadd.tile.s32 @!p0 $0x1;
	_ =	shalt  }
.Lfunc_end2:
_tile_overlayer_lowered:
.L_overlay_start_2:
0x31d: {  	(tag) =	ssettag $0x2  }
0x31e: {  	s0 =	rddreg [dreg:$0x0];
	s2 =	stileid.u32  }
0x31f: {  	s1 =	rddreg [dreg:$0x1];
	p0 =	sne.s32 s2, $0x0  }
0x320: {  	s3 =	rddreg [dreg:$0x2];
	[bflag:$0x3] =	sbarrier.arrive $0xFFFF;
	s2 =	simm.s32 @!p0 $0x1C05  }
0x321: {  	[timem:s3], [sflag:s2] =	dma.local @!p0 [hbm:s0], s1  }
0x322: {  	s0 =	simm.s32 @!p0 $0x5  }
0x323: {  	_ =	swait.ge @!p0 [sflag:s0], s1  }
0x324: {  	s1 =	ssub.s32 @!p0 $0x0, s1;
	[sflag:s0] =	ssyncset.done @!p0 $0x0  }
0x325: {  	[sflag:s0] =	ssyncadd.s32 @!p0 s1  }
0x326: {  	[bflag:$0x3] =	sbarrier.arrive $0xFFFF  }
0x327: {  	_ =	shalt  }

</sc_bundles>
